<compile_context>
chip_gen: v7x
topology: tpu7x:2x2x1
jax: 0.10.2.dev20260603
libtpu: 0.0.44.dev20260713+nightly
codegen_flags: <defaults>
</compile_context>

<pallas_src>
import functools

import jax
import jax.numpy as jnp
from jax import lax
from jax.experimental import pallas as pl
from jax.experimental.pallas import tpu as pltpu
from jax.experimental.pallas import tpu_sc as plsc

N = 100000
EMB = 128
BATCH = 1024
OUT = 1

TCHUNK = 800
G_TC = 21
N_SC = N - G_TC * TCHUNK
TC_OFF = N_SC // TCHUNK

NC = 2
NS = 16
NW = NC * NS
CHUNK = 128
NBUF = 6
ROUNDS = 21
ACC_ROWS = 1152
ZROWS = ACC_ROWS // NS

_BN_INV = 0.9999950000374997


@functools.cache
def _make_sc_segment_sum():
    mesh = plsc.VectorSubcoreMesh(
        core_axis_name="c", subcore_axis_name="s",
        num_cores=NC, num_subcores=NS)
    return pl.kernel(
        _sc_segment_sum_body,
        out_type=jax.ShapeDtypeStruct((NC, BATCH, EMB), jnp.float32),
        mesh=mesh,
        scratch_types=[
            pltpu.VMEM((ROUNDS, CHUNK), jnp.int32),
            [pltpu.VMEM((CHUNK, EMB), jnp.float32) for _ in range(NBUF)],
            pltpu.VMEM((ZROWS, EMB), jnp.float32),
            pltpu.VMEM_SHARED((ACC_ROWS, EMB), jnp.float32),
            [pltpu.SemaphoreType.DMA for _ in range(NBUF)],
            [pltpu.SemaphoreType.DMA for _ in range(NBUF)],
            pltpu.SemaphoreType.DMA,
        ],
    )


def _sc_segment_sum_body(x_hbm, idx_hbm, out_hbm,
                         idx_v, bufs, bounce_v, acc_sh, lsems, ssems, isem):
    c = lax.axis_index("c")
    s = lax.axis_index("s")
    w = c * NS + s

    def row_start(r):
        return (w * ROUNDS + r) * CHUNK

    def cond_full(r):
        return row_start(r) + CHUNK <= N_SC

    def load_full(r):
        return pltpu.make_async_copy(
            x_hbm.at[pl.ds(row_start(r), CHUNK)], bufs[r % NBUF],
            lsems[r % NBUF])

    def scat(r):
        return pltpu.make_async_copy(
            bufs[r % NBUF], acc_sh.at[idx_v.at[r]], ssems[r % NBUF])

    def issue_load(r):
        @pl.when(cond_full(r))
        def _():
            load_full(r).start()

    def idx_full(r):
        return pltpu.make_async_copy(
            idx_hbm.at[pl.ds(row_start(r), CHUNK)], idx_v.at[r], isem)

    for k in range(NBUF - 1):
        issue_load(k)

    for r in range(ROUNDS):
        @pl.when(cond_full(r))
        def _():
            idx_full(r).start()

    zvec = jnp.zeros((16,), jnp.float32)

    def _zero_row(i, _):
        for j in range(EMB // 16):
            bounce_v[i, pl.ds(j * 16, 16)] = zvec
        return 0

    lax.fori_loop(0, ZROWS, _zero_row, 0)
    pltpu.sync_copy(bounce_v, acc_sh.at[pl.ds(s * ZROWS, ZROWS)])

    for r in range(ROUNDS):
        @pl.when(cond_full(r))
        def _():
            idx_full(r).wait()

    plsc.subcore_barrier()

    for r in range(ROUNDS):
        @pl.when(cond_full(r))
        def _full():
            load_full(r).wait()
            scat(r).start(add=True)

        nxt = r + NBUF - 1
        if nxt < ROUNDS:
            prev = nxt - NBUF
            if prev >= 0:
                @pl.when(cond_full(prev))
                def _drain():
                    scat(prev).wait()
            issue_load(nxt)

    for r in range(max(0, ROUNDS - NBUF), ROUNDS):
        @pl.when(cond_full(r))
        def _drain_tail():
            scat(r).wait()

    plsc.subcore_barrier()

    wrows = BATCH // NS
    pltpu.sync_copy(acc_sh.at[pl.ds(s * wrows, wrows)],
                    bounce_v.at[pl.ds(0, wrows)])
    pltpu.sync_copy(bounce_v.at[pl.ds(0, wrows)],
                    out_hbm.at[c].at[pl.ds(s * wrows, wrows)])


def _tc_tail_body(x_ref, idx_ref, o_ref):
    g = pl.program_id(0)

    @pl.when(g == 0)
    def _():
        o_ref[...] = jnp.zeros_like(o_ref)

    ids = idx_ref[0, 0, :]
    oht = (lax.broadcasted_iota(jnp.int32, (BATCH, TCHUNK), 0)
           == ids[None, :]).astype(jnp.float32)
    o_ref[...] += jnp.dot(oht, x_ref[...], preferred_element_type=jnp.float32)


def _tc_tail_partial(x_0, idx3):
    return pl.pallas_call(
        _tc_tail_body,
        grid=(G_TC,),
        in_specs=[
            pl.BlockSpec((TCHUNK, EMB), lambda g: (TC_OFF + g, 0)),
            pl.BlockSpec((1, 1, TCHUNK), lambda g: (TC_OFF + g, 0, 0)),
        ],
        out_specs=pl.BlockSpec((BATCH, EMB), lambda g: (0, 0)),
        out_shape=jax.ShapeDtypeStruct((BATCH, EMB), jnp.float32),
    )(x_0, idx3)


def _head_body(p_ref, ptc_ref, w1, b1, g1, bt1, w2, b2, g2, bt2, w3t, b3, o_ref):
    pooled = p_ref[0] + p_ref[1] + ptc_ref[...]
    h = jnp.dot(pooled, w1[...], preferred_element_type=jnp.float32) + b1[...]
    h = jnp.maximum(h * (g1[...] * _BN_INV) + bt1[...], 0.0)
    h = jnp.dot(h, w2[...], preferred_element_type=jnp.float32) + b2[...]
    h = jnp.maximum(h * (g2[...] * _BN_INV) + bt2[...], 0.0)
    o_ref[...] = jnp.sum(h * w3t[...], axis=1, keepdims=True) + b3[...]


def _head(partials, ptc, W1, b1, g1, bt1, W2, b2, g2, bt2, W3, b3):
    row = lambda v: v.reshape(1, -1)
    return pl.pallas_call(
        _head_body,
        out_shape=jax.ShapeDtypeStruct((BATCH, OUT), jnp.float32),
    )(partials, ptc, W1, row(b1), row(g1), row(bt1),
      W2, row(b2), row(g2), row(bt2),
      W3.reshape(1, 2 * EMB), b3.reshape(1, 1))


def kernel(x_0, x_0_batch, num_cells_0, W1, b1, g1, bt1, W2, b2, g2, bt2, W3, b3):
    idx = jnp.squeeze(x_0_batch).astype(jnp.int32)
    partials = _make_sc_segment_sum()(x_0, idx)
    ptc = _tc_tail_partial(x_0, idx.reshape(N // TCHUNK, 1, TCHUNK))
    return _head(partials, ptc, W1, b1, g1, bt1, W2, b2, g2, bt2, W3, b3)

# --- scband reference (transcript-rebuilt; emitter-appended) ---
"""Pipeline reference for scband-tensor-diagram-6227702579795 (READ-ONLY COPY).

The authoritative reference and input builder live on the scoring server;
editing this copy changes nothing except your own understanding.
"""

import jax, jax.numpy as jnp
import numpy as np

N = 100000
EMB = 128
OUT = 1
BATCH = 1024


def setup_inputs(seed: int = 0) -> dict:
    key = jax.random.key(seed)
    ks = jax.random.split(key, 10)
    x_0 = jax.random.normal(ks[0], (N, EMB), dtype=jnp.float32)
    x_0_batch = jnp.sort(jax.random.randint(ks[1], (N,), 0, BATCH))
    num_cells_0 = jnp.ones((BATCH,), dtype=jnp.int32)
    # zinc head parameters (eval mode: dropout identity, batchnorm uses running stats mean=0, var=1)
    W1 = jax.random.normal(ks[2], (EMB, EMB), dtype=jnp.float32) / np.sqrt(EMB)
    b1 = jnp.zeros((EMB,), dtype=jnp.float32)
    g1 = jnp.ones((EMB,), dtype=jnp.float32)
    bt1 = jnp.zeros((EMB,), dtype=jnp.float32)
    W2 = jax.random.normal(ks[3], (EMB, 2 * EMB), dtype=jnp.float32) / np.sqrt(EMB)
    b2 = jnp.zeros((2 * EMB,), dtype=jnp.float32)
    g2 = jnp.ones((2 * EMB,), dtype=jnp.float32)
    bt2 = jnp.zeros((2 * EMB,), dtype=jnp.float32)
    W3 = jax.random.normal(ks[4], (2 * EMB, OUT), dtype=jnp.float32) / np.sqrt(2 * EMB)
    b3 = jnp.zeros((OUT,), dtype=jnp.float32)
    return {"x_0": x_0, "x_0_batch": x_0_batch, "num_cells_0": num_cells_0,
            "W1": W1, "b1": b1, "g1": g1, "bt1": bt1,
            "W2": W2, "b2": b2, "g2": g2, "bt2": bt2,
            "W3": W3, "b3": b3}


def _bn_eval(x, gamma, beta, eps=1e-5):
    # BatchNorm1d in eval mode with running_mean=0, running_var=1
    return gamma * (x / jnp.sqrt(1.0 + eps)) + beta


def reference(x_0, x_0_batch, num_cells_0, W1, b1, g1, bt1, W2, b2, g2, bt2, W3, b3):
    batch_size = num_cells_0.shape[0]
    batch_index = jnp.squeeze(x_0_batch).astype(jnp.int32)
    cell_features = x_0
    # SumAggregation over batch index (scatter-add / segment_sum)
    pooled = jax.ops.segment_sum(cell_features, batch_index, num_segments=batch_size)
    # single output rank -> cat is identity
    h = pooled @ W1 + b1
    h = _bn_eval(h, g1, bt1)
    h = jax.nn.relu(h)
    h = h @ W2 + b2
    h = _bn_eval(h, g2, bt2)
    h = jax.nn.relu(h)
    out = h @ W3 + b3
    return out

if __name__ == "__main__":
    import jax
    _d = setup_inputs()
    print(jax.jit(kernel)(*tuple(_d.values())))

</pallas_src>

<mosaic_0001>
#map = affine_map<(d0, d1) -> (0, 0)>
#map1 = affine_map<(d0, d1) -> (0)>
#map2 = affine_map<(d0, d1) -> (0, 0, 0)>
module attributes {stable_mosaic.version = 14 : i64} {
  func.func @_sc_segment_sum_body(%arg0: i32, %arg1: i32, %arg2: memref<100000x128xf32, #tpu.memory_space<hbm>>, %arg3: memref<100000xi32, #tpu.memory_space<hbm>>, %arg4: memref<2x1024x128xf32, #tpu.memory_space<hbm>>, %arg5: memref<21x128xi32, #tpu.memory_space<vmem>>, %arg6: memref<128x128xf32, #tpu.memory_space<vmem>>, %arg7: memref<128x128xf32, #tpu.memory_space<vmem>>, %arg8: memref<128x128xf32, #tpu.memory_space<vmem>>, %arg9: memref<128x128xf32, #tpu.memory_space<vmem>>, %arg10: memref<128x128xf32, #tpu.memory_space<vmem>>, %arg11: memref<128x128xf32, #tpu.memory_space<vmem>>, %arg12: memref<72x128xf32, #tpu.memory_space<vmem>>, %arg13: memref<1152x128xf32, #tpu.memory_space<vmem_shared>>, %arg14: memref<!tpu.dma_semaphore, #tpu.memory_space<semaphore_mem>>, %arg15: memref<!tpu.dma_semaphore, #tpu.memory_space<semaphore_mem>>, %arg16: memref<!tpu.dma_semaphore, #tpu.memory_space<semaphore_mem>>, %arg17: memref<!tpu.dma_semaphore, #tpu.memory_space<semaphore_mem>>, %arg18: memref<!tpu.dma_semaphore, #tpu.memory_space<semaphore_mem>>, %arg19: memref<!tpu.dma_semaphore, #tpu.memory_space<semaphore_mem>>, %arg20: memref<!tpu.dma_semaphore, #tpu.memory_space<semaphore_mem>>, %arg21: memref<!tpu.dma_semaphore, #tpu.memory_space<semaphore_mem>>, %arg22: memref<!tpu.dma_semaphore, #tpu.memory_space<semaphore_mem>>, %arg23: memref<!tpu.dma_semaphore, #tpu.memory_space<semaphore_mem>>, %arg24: memref<!tpu.dma_semaphore, #tpu.memory_space<semaphore_mem>>, %arg25: memref<!tpu.dma_semaphore, #tpu.memory_space<semaphore_mem>>, %arg26: memref<!tpu.dma_semaphore, #tpu.memory_space<semaphore_mem>>) attributes {dimension_semantics = [#tpu.dimension_semantics<core_parallel>, #tpu.dimension_semantics<subcore_parallel>], iteration_bounds = array<i64: 2, 16>, scalar_prefetch = 0 : i64, scratch_operands = 22 : i64, tpu.core_type = #tpu.core_type<sc_vector_subcore>, window_params = [{transform_indices = #map}, {transform_indices = #map1}, {transform_indices = #map2}]} {
    %mul3A = arith.constant 16 : i32
    %mul3A_0 = arith.muli %arg0, %mul3A : i32
    %add3A = arith.addi %mul3A_0, %arg1 : i32
    %mul3A_1 = arith.constant 21 : i32
    %mul3A_2 = arith.muli %add3A, %mul3A_1 : i32
    %add3A_3 = arith.constant 0 : i32
    %add3A_4 = arith.addi %mul3A_2, %add3A_3 : i32
    %mul3A_5 = arith.constant 128 : i32
    %mul3A_6 = arith.muli %add3A_4, %mul3A_5 : i32
    %add3A_7 = arith.constant 128 : i32
    %add3A_8 = arith.addi %mul3A_6, %add3A_7 : i32
    %le3A = arith.constant 83200 : i32
    %le3A_9 = arith.cmpi sle, %add3A_8, %le3A : i32
    %convert_element_type3A = arith.extui %le3A_9 : i1 to i32
    %cond3A = arith.constant 0 : i32
    %cond3A_10 = arith.cmpi ne, %convert_element_type3A, %cond3A : i32
    scf.if %cond3A_10 {
      %mul3A_1377 = arith.constant 21 : i32
      %mul3A_1378 = arith.muli %add3A, %mul3A_1377 : i32
      %add3A_1379 = arith.constant 0 : i32
      %add3A_1380 = arith.addi %mul3A_1378, %add3A_1379 : i32
      %mul3A_1381 = arith.constant 128 : i32
      %mul3A_1382 = arith.muli %add3A_1380, %mul3A_1381 : i32
      %dma_start3A = arith.constant 0 : i32
      %dma_start3A_1383 = tpu.memref_slice %arg2[%mul3A_1382, %dma_start3A] : memref<100000x128xf32, #tpu.memory_space<hbm>> -> memref<128x128xf32, #tpu.memory_space<hbm>>
      %dma_start3A_1384 = arith.constant 0 : i32
      %dma_start3A_1385 = tpu.memref_slice %arg2[%mul3A_1382, %dma_start3A_1384] : memref<100000x128xf32, #tpu.memory_space<hbm>> -> memref<128x128xf32, #tpu.memory_space<hbm>>
      tpu.enqueue_dma source(%dma_start3A_1385 : memref<128x128xf32, #tpu.memory_space<hbm>>) target(%arg6 : memref<128x128xf32, #tpu.memory_space<vmem>>) target_semaphore(%arg14 : memref<!tpu.dma_semaphore, #tpu.memory_space<semaphore_mem>>)
    } else {
    }
    %mul3A_11 = arith.constant 21 : i32
    %mul3A_12 = arith.muli %add3A, %mul3A_11 : i32
    %add3A_13 = arith.constant 1 : i32
    %add3A_14 = arith.addi %mul3A_12, %add3A_13 : i32
    %mul3A_15 = arith.constant 128 : i32
    %mul3A_16 = arith.muli %add3A_14, %mul3A_15 : i32
    %add3A_17 = arith.constant 128 : i32
    %add3A_18 = arith.addi %mul3A_16, %add3A_17 : i32
    %le3A_19 = arith.constant 83200 : i32
    %le3A_20 = arith.cmpi sle, %add3A_18, %le3A_19 : i32
    %convert_element_type3A_21 = arith.extui %le3A_20 : i1 to i32
    %cond3A_22 = arith.constant 0 : i32
    %cond3A_23 = arith.cmpi ne, %convert_element_type3A_21, %cond3A_22 : i32
    scf.if %cond3A_23 {
      %mul3A_1377 = arith.constant 21 : i32
      %mul3A_1378 = arith.muli %add3A, %mul3A_1377 : i32
      %add3A_1379 = arith.constant 1 : i32
      %add3A_1380 = arith.addi %mul3A_1378, %add3A_1379 : i32
      %mul3A_1381 = arith.constant 128 : i32
      %mul3A_1382 = arith.muli %add3A_1380, %mul3A_1381 : i32
      %dma_start3A = arith.constant 0 : i32
      %dma_start3A_1383 = tpu.memref_slice %arg2[%mul3A_1382, %dma_start3A] : memref<100000x128xf32, #tpu.memory_space<hbm>> -> memref<128x128xf32, #tpu.memory_space<hbm>>
      %dma_start3A_1384 = arith.constant 0 : i32
      %dma_start3A_1385 = tpu.memref_slice %arg2[%mul3A_1382, %dma_start3A_1384] : memref<100000x128xf32, #tpu.memory_space<hbm>> -> memref<128x128xf32, #tpu.memory_space<hbm>>
      tpu.enqueue_dma source(%dma_start3A_1385 : memref<128x128xf32, #tpu.memory_space<hbm>>) target(%arg7 : memref<128x128xf32, #tpu.memory_space<vmem>>) target_semaphore(%arg15 : memref<!tpu.dma_semaphore, #tpu.memory_space<semaphore_mem>>)
    } else {
    }
    %mul3A_24 = arith.constant 21 : i32
    %mul3A_25 = arith.muli %add3A, %mul3A_24 : i32
    %add3A_26 = arith.constant 2 : i32
    %add3A_27 = arith.addi %mul3A_25, %add3A_26 : i32
    %mul3A_28 = arith.constant 128 : i32
    %mul3A_29 = arith.muli %add3A_27, %mul3A_28 : i32
    %add3A_30 = arith.constant 128 : i32
    %add3A_31 = arith.addi %mul3A_29, %add3A_30 : i32
    %le3A_32 = arith.constant 83200 : i32
    %le3A_33 = arith.cmpi sle, %add3A_31, %le3A_32 : i32
    %convert_element_type3A_34 = arith.extui %le3A_33 : i1 to i32
    %cond3A_35 = arith.constant 0 : i32
    %cond3A_36 = arith.cmpi ne, %convert_element_type3A_34, %cond3A_35 : i32
    scf.if %cond3A_36 {
      %mul3A_1377 = arith.constant 21 : i32
      %mul3A_1378 = arith.muli %add3A, %mul3A_1377 : i32
      %add3A_1379 = arith.constant 2 : i32
      %add3A_1380 = arith.addi %mul3A_1378, %add3A_1379 : i32
      %mul3A_1381 = arith.constant 128 : i32
      %mul3A_1382 = arith.muli %add3A_1380, %mul3A_1381 : i32
      %dma_start3A = arith.constant 0 : i32
      %dma_start3A_1383 = tpu.memref_slice %arg2[%mul3A_1382, %dma_start3A] : memref<100000x128xf32, #tpu.memory_space<hbm>> -> memref<128x128xf32, #tpu.memory_space<hbm>>
      %dma_start3A_1384 = arith.constant 0 : i32
      %dma_start3A_1385 = tpu.memref_slice %arg2[%mul3A_1382, %dma_start3A_1384] : memref<100000x128xf32, #tpu.memory_space<hbm>> -> memref<128x128xf32, #tpu.memory_space<hbm>>
      tpu.enqueue_dma source(%dma_start3A_1385 : memref<128x128xf32, #tpu.memory_space<hbm>>) target(%arg8 : memref<128x128xf32, #tpu.memory_space<vmem>>) target_semaphore(%arg16 : memref<!tpu.dma_semaphore, #tpu.memory_space<semaphore_mem>>)
    } else {
    }
    %mul3A_37 = arith.constant 21 : i32
    %mul3A_38 = arith.muli %add3A, %mul3A_37 : i32
    %add3A_39 = arith.constant 3 : i32
    %add3A_40 = arith.addi %mul3A_38, %add3A_39 : i32
    %mul3A_41 = arith.constant 128 : i32
    %mul3A_42 = arith.muli %add3A_40, %mul3A_41 : i32
    %add3A_43 = arith.constant 128 : i32
    %add3A_44 = arith.addi %mul3A_42, %add3A_43 : i32
    %le3A_45 = arith.constant 83200 : i32
    %le3A_46 = arith.cmpi sle, %add3A_44, %le3A_45 : i32
    %convert_element_type3A_47 = arith.extui %le3A_46 : i1 to i32
    %cond3A_48 = arith.constant 0 : i32
    %cond3A_49 = arith.cmpi ne, %convert_element_type3A_47, %cond3A_48 : i32
    scf.if %cond3A_49 {
      %mul3A_1377 = arith.constant 21 : i32
      %mul3A_1378 = arith.muli %add3A, %mul3A_1377 : i32
      %add3A_1379 = arith.constant 3 : i32
      %add3A_1380 = arith.addi %mul3A_1378, %add3A_1379 : i32
      %mul3A_1381 = arith.constant 128 : i32
      %mul3A_1382 = arith.muli %add3A_1380, %mul3A_1381 : i32
      %dma_start3A = arith.constant 0 : i32
      %dma_start3A_1383 = tpu.memref_slice %arg2[%mul3A_1382, %dma_start3A] : memref<100000x128xf32, #tpu.memory_space<hbm>> -> memref<128x128xf32, #tpu.memory_space<hbm>>
      %dma_start3A_1384 = arith.constant 0 : i32
      %dma_start3A_1385 = tpu.memref_slice %arg2[%mul3A_1382, %dma_start3A_1384] : memref<100000x128xf32, #tpu.memory_space<hbm>> -> memref<128x128xf32, #tpu.memory_space<hbm>>
      tpu.enqueue_dma source(%dma_start3A_1385 : memref<128x128xf32, #tpu.memory_space<hbm>>) target(%arg9 : memref<128x128xf32, #tpu.memory_space<vmem>>) target_semaphore(%arg17 : memref<!tpu.dma_semaphore, #tpu.memory_space<semaphore_mem>>)
    } else {
    }
    %mul3A_50 = arith.constant 21 : i32
    %mul3A_51 = arith.muli %add3A, %mul3A_50 : i32
    %add3A_52 = arith.constant 4 : i32
    %add3A_53 = arith.addi %mul3A_51, %add3A_52 : i32
    %mul3A_54 = arith.constant 128 : i32
    %mul3A_55 = arith.muli %add3A_53, %mul3A_54 : i32
    %add3A_56 = arith.constant 128 : i32
    %add3A_57 = arith.addi %mul3A_55, %add3A_56 : i32
    %le3A_58 = arith.constant 83200 : i32
    %le3A_59 = arith.cmpi sle, %add3A_57, %le3A_58 : i32
    %convert_element_type3A_60 = arith.extui %le3A_59 : i1 to i32
    %cond3A_61 = arith.constant 0 : i32
    %cond3A_62 = arith.cmpi ne, %convert_element_type3A_60, %cond3A_61 : i32
    scf.if %cond3A_62 {
      %mul3A_1377 = arith.constant 21 : i32
      %mul3A_1378 = arith.muli %add3A, %mul3A_1377 : i32
      %add3A_1379 = arith.constant 4 : i32
      %add3A_1380 = arith.addi %mul3A_1378, %add3A_1379 : i32
      %mul3A_1381 = arith.constant 128 : i32
      %mul3A_1382 = arith.muli %add3A_1380, %mul3A_1381 : i32
      %dma_start3A = arith.constant 0 : i32
      %dma_start3A_1383 = tpu.memref_slice %arg2[%mul3A_1382, %dma_start3A] : memref<100000x128xf32, #tpu.memory_space<hbm>> -> memref<128x128xf32, #tpu.memory_space<hbm>>
      %dma_start3A_1384 = arith.constant 0 : i32
      %dma_start3A_1385 = tpu.memref_slice %arg2[%mul3A_1382, %dma_start3A_1384] : memref<100000x128xf32, #tpu.memory_space<hbm>> -> memref<128x128xf32, #tpu.memory_space<hbm>>
      tpu.enqueue_dma source(%dma_start3A_1385 : memref<128x128xf32, #tpu.memory_space<hbm>>) target(%arg10 : memref<128x128xf32, #tpu.memory_space<vmem>>) target_semaphore(%arg18 : memref<!tpu.dma_semaphore, #tpu.memory_space<semaphore_mem>>)
    } else {
    }
    %mul3A_63 = arith.constant 21 : i32
    %mul3A_64 = arith.muli %add3A, %mul3A_63 : i32
    %add3A_65 = arith.constant 0 : i32
    %add3A_66 = arith.addi %mul3A_64, %add3A_65 : i32
    %mul3A_67 = arith.constant 128 : i32
    %mul3A_68 = arith.muli %add3A_66, %mul3A_67 : i32
    %add3A_69 = arith.constant 128 : i32
    %add3A_70 = arith.addi %mul3A_68, %add3A_69 : i32
    %le3A_71 = arith.constant 83200 : i32
    %le3A_72 = arith.cmpi sle, %add3A_70, %le3A_71 : i32
    %convert_element_type3A_73 = arith.extui %le3A_72 : i1 to i32
    %cond3A_74 = arith.constant 0 : i32
    %cond3A_75 = arith.cmpi ne, %convert_element_type3A_73, %cond3A_74 : i32
    scf.if %cond3A_75 {
      %mul3A_1377 = arith.constant 21 : i32
      %mul3A_1378 = arith.muli %add3A, %mul3A_1377 : i32
      %add3A_1379 = arith.constant 0 : i32
      %add3A_1380 = arith.addi %mul3A_1378, %add3A_1379 : i32
      %mul3A_1381 = arith.constant 128 : i32
      %mul3A_1382 = arith.muli %add3A_1380, %mul3A_1381 : i32
      %dma_start3A = arith.constant 0 : i32
      %dma_start3A_1383 = arith.constant 0 : i32
      %dma_start3A_1384 = tpu.memref_slice %arg5[%dma_start3A, %dma_start3A_1383] : memref<21x128xi32, #tpu.memory_space<vmem>> -> memref<1x128xi32, #tpu.memory_space<vmem>>
      %dma_start3A_1385 = tpu.memref_squeeze %dma_start3A_1384 : memref<1x128xi32, #tpu.memory_space<vmem>> -> memref<128xi32, #tpu.memory_space<vmem>>
      %dma_start3A_1386 = tpu.memref_slice %arg3[%mul3A_1382] : memref<100000xi32, #tpu.memory_space<hbm>> -> memref<128xi32, #tpu.memory_space<hbm>>
      %dma_start3A_1387 = arith.constant 0 : i32
      %dma_start3A_1388 = tpu.memref_slice %arg5[%dma_start3A, %dma_start3A_1387] : memref<21x128xi32, #tpu.memory_space<vmem>> -> memref<1x128xi32, #tpu.memory_space<vmem>>
      %dma_start3A_1389 = tpu.memref_squeeze %dma_start3A_1388 : memref<1x128xi32, #tpu.memory_space<vmem>> -> memref<128xi32, #tpu.memory_space<vmem>>
      %dma_start3A_1390 = tpu.memref_slice %arg3[%mul3A_1382] : memref<100000xi32, #tpu.memory_space<hbm>> -> memref<128xi32, #tpu.memory_space<hbm>>
      tpu.enqueue_dma source(%dma_start3A_1390 : memref<128xi32, #tpu.memory_space<hbm>>) target(%dma_start3A_1389 : memref<128xi32, #tpu.memory_space<vmem>>) target_semaphore(%arg26 : memref<!tpu.dma_semaphore, #tpu.memory_space<semaphore_mem>>)
    } else {
    }
    %mul3A_76 = arith.constant 21 : i32
    %mul3A_77 = arith.muli %add3A, %mul3A_76 : i32
    %add3A_78 = arith.constant 1 : i32
    %add3A_79 = arith.addi %mul3A_77, %add3A_78 : i32
    %mul3A_80 = arith.constant 128 : i32
    %mul3A_81 = arith.muli %add3A_79, %mul3A_80 : i32
    %add3A_82 = arith.constant 128 : i32
    %add3A_83 = arith.addi %mul3A_81, %add3A_82 : i32
    %le3A_84 = arith.constant 83200 : i32
    %le3A_85 = arith.cmpi sle, %add3A_83, %le3A_84 : i32
    %convert_element_type3A_86 = arith.extui %le3A_85 : i1 to i32
    %cond3A_87 = arith.constant 0 : i32
    %cond3A_88 = arith.cmpi ne, %convert_element_type3A_86, %cond3A_87 : i32
    scf.if %cond3A_88 {
      %mul3A_1377 = arith.constant 21 : i32
      %mul3A_1378 = arith.muli %add3A, %mul3A_1377 : i32
      %add3A_1379 = arith.constant 1 : i32
      %add3A_1380 = arith.addi %mul3A_1378, %add3A_1379 : i32
      %mul3A_1381 = arith.constant 128 : i32
      %mul3A_1382 = arith.muli %add3A_1380, %mul3A_1381 : i32
      %dma_start3A = arith.constant 1 : i32
      %dma_start3A_1383 = arith.constant 0 : i32
      %dma_start3A_1384 = tpu.memref_slice %arg5[%dma_start3A, %dma_start3A_1383] : memref<21x128xi32, #tpu.memory_space<vmem>> -> memref<1x128xi32, #tpu.memory_space<vmem>>
      %dma_start3A_1385 = tpu.memref_squeeze %dma_start3A_1384 : memref<1x128xi32, #tpu.memory_space<vmem>> -> memref<128xi32, #tpu.memory_space<vmem>>
      %dma_start3A_1386 = tpu.memref_slice %arg3[%mul3A_1382] : memref<100000xi32, #tpu.memory_space<hbm>> -> memref<128xi32, #tpu.memory_space<hbm>>
      %dma_start3A_1387 = arith.constant 0 : i32
      %dma_start3A_1388 = tpu.memref_slice %arg5[%dma_start3A, %dma_start3A_1387] : memref<21x128xi32, #tpu.memory_space<vmem>> -> memref<1x128xi32, #tpu.memory_space<vmem>>
      %dma_start3A_1389 = tpu.memref_squeeze %dma_start3A_1388 : memref<1x128xi32, #tpu.memory_space<vmem>> -> memref<128xi32, #tpu.memory_space<vmem>>
      %dma_start3A_1390 = tpu.memref_slice %arg3[%mul3A_1382] : memref<100000xi32, #tpu.memory_space<hbm>> -> memref<128xi32, #tpu.memory_space<hbm>>
      tpu.enqueue_dma source(%dma_start3A_1390 : memref<128xi32, #tpu.memory_space<hbm>>) target(%dma_start3A_1389 : memref<128xi32, #tpu.memory_space<vmem>>) target_semaphore(%arg26 : memref<!tpu.dma_semaphore, #tpu.memory_space<semaphore_mem>>)
    } else {
    }
    %mul3A_89 = arith.constant 21 : i32
    %mul3A_90 = arith.muli %add3A, %mul3A_89 : i32
    %add3A_91 = arith.constant 2 : i32
    %add3A_92 = arith.addi %mul3A_90, %add3A_91 : i32
    %mul3A_93 = arith.constant 128 : i32
    %mul3A_94 = arith.muli %add3A_92, %mul3A_93 : i32
    %add3A_95 = arith.constant 128 : i32
    %add3A_96 = arith.addi %mul3A_94, %add3A_95 : i32
    %le3A_97 = arith.constant 83200 : i32
    %le3A_98 = arith.cmpi sle, %add3A_96, %le3A_97 : i32
    %convert_element_type3A_99 = arith.extui %le3A_98 : i1 to i32
    %cond3A_100 = arith.constant 0 : i32
    %cond3A_101 = arith.cmpi ne, %convert_element_type3A_99, %cond3A_100 : i32
    scf.if %cond3A_101 {
      %mul3A_1377 = arith.constant 21 : i32
      %mul3A_1378 = arith.muli %add3A, %mul3A_1377 : i32
      %add3A_1379 = arith.constant 2 : i32
      %add3A_1380 = arith.addi %mul3A_1378, %add3A_1379 : i32
      %mul3A_1381 = arith.constant 128 : i32
      %mul3A_1382 = arith.muli %add3A_1380, %mul3A_1381 : i32
      %dma_start3A = arith.constant 2 : i32
      %dma_start3A_1383 = arith.constant 0 : i32
      %dma_start3A_1384 = tpu.memref_slice %arg5[%dma_start3A, %dma_start3A_1383] : memref<21x128xi32, #tpu.memory_space<vmem>> -> memref<1x128xi32, #tpu.memory_space<vmem>>
      %dma_start3A_1385 = tpu.memref_squeeze %dma_start3A_1384 : memref<1x128xi32, #tpu.memory_space<vmem>> -> memref<128xi32, #tpu.memory_space<vmem>>
      %dma_start3A_1386 = tpu.memref_slice %arg3[%mul3A_1382] : memref<100000xi32, #tpu.memory_space<hbm>> -> memref<128xi32, #tpu.memory_space<hbm>>
      %dma_start3A_1387 = arith.constant 0 : i32
      %dma_start3A_1388 = tpu.memref_slice %arg5[%dma_start3A, %dma_start3A_1387] : memref<21x128xi32, #tpu.memory_space<vmem>> -> memref<1x128xi32, #tpu.memory_space<vmem>>
      %dma_start3A_1389 = tpu.memref_squeeze %dma_start3A_1388 : memref<1x128xi32, #tpu.memory_space<vmem>> -> memref<128xi32, #tpu.memory_space<vmem>>
      %dma_start3A_1390 = tpu.memref_slice %arg3[%mul3A_1382] : memref<100000xi32, #tpu.memory_space<hbm>> -> memref<128xi32, #tpu.memory_space<hbm>>
      tpu.enqueue_dma source(%dma_start3A_1390 : memref<128xi32, #tpu.memory_space<hbm>>) target(%dma_start3A_1389 : memref<128xi32, #tpu.memory_space<vmem>>) target_semaphore(%arg26 : memref<!tpu.dma_semaphore, #tpu.memory_space<semaphore_mem>>)
    } else {
    }
    %mul3A_102 = arith.constant 21 : i32
    %mul3A_103 = arith.muli %add3A, %mul3A_102 : i32
    %add3A_104 = arith.constant 3 : i32
    %add3A_105 = arith.addi %mul3A_103, %add3A_104 : i32
    %mul3A_106 = arith.constant 128 : i32
    %mul3A_107 = arith.muli %add3A_105, %mul3A_106 : i32
    %add3A_108 = arith.constant 128 : i32
    %add3A_109 = arith.addi %mul3A_107, %add3A_108 : i32
    %le3A_110 = arith.constant 83200 : i32
    %le3A_111 = arith.cmpi sle, %add3A_109, %le3A_110 : i32
    %convert_element_type3A_112 = arith.extui %le3A_111 : i1 to i32
    %cond3A_113 = arith.constant 0 : i32
    %cond3A_114 = arith.cmpi ne, %convert_element_type3A_112, %cond3A_113 : i32
    scf.if %cond3A_114 {
      %mul3A_1377 = arith.constant 21 : i32
      %mul3A_1378 = arith.muli %add3A, %mul3A_1377 : i32
      %add3A_1379 = arith.constant 3 : i32
      %add3A_1380 = arith.addi %mul3A_1378, %add3A_1379 : i32
      %mul3A_1381 = arith.constant 128 : i32
      %mul3A_1382 = arith.muli %add3A_1380, %mul3A_1381 : i32
      %dma_start3A = arith.constant 3 : i32
      %dma_start3A_1383 = arith.constant 0 : i32
      %dma_start3A_1384 = tpu.memref_slice %arg5[%dma_start3A, %dma_start3A_1383] : memref<21x128xi32, #tpu.memory_space<vmem>> -> memref<1x128xi32, #tpu.memory_space<vmem>>
      %dma_start3A_1385 = tpu.memref_squeeze %dma_start3A_1384 : memref<1x128xi32, #tpu.memory_space<vmem>> -> memref<128xi32, #tpu.memory_space<vmem>>
      %dma_start3A_1386 = tpu.memref_slice %arg3[%mul3A_1382] : memref<100000xi32, #tpu.memory_space<hbm>> -> memref<128xi32, #tpu.memory_space<hbm>>
      %dma_start3A_1387 = arith.constant 0 : i32
      %dma_start3A_1388 = tpu.memref_slice %arg5[%dma_start3A, %dma_start3A_1387] : memref<21x128xi32, #tpu.memory_space<vmem>> -> memref<1x128xi32, #tpu.memory_space<vmem>>
      %dma_start3A_1389 = tpu.memref_squeeze %dma_start3A_1388 : memref<1x128xi32, #tpu.memory_space<vmem>> -> memref<128xi32, #tpu.memory_space<vmem>>
      %dma_start3A_1390 = tpu.memref_slice %arg3[%mul3A_1382] : memref<100000xi32, #tpu.memory_space<hbm>> -> memref<128xi32, #tpu.memory_space<hbm>>
      tpu.enqueue_dma source(%dma_start3A_1390 : memref<128xi32, #tpu.memory_space<hbm>>) target(%dma_start3A_1389 : memref<128xi32, #tpu.memory_space<vmem>>) target_semaphore(%arg26 : memref<!tpu.dma_semaphore, #tpu.memory_space<semaphore_mem>>)
    } else {
    }
    %mul3A_115 = arith.constant 21 : i32
    %mul3A_116 = arith.muli %add3A, %mul3A_115 : i32
    %add3A_117 = arith.constant 4 : i32
    %add3A_118 = arith.addi %mul3A_116, %add3A_117 : i32
    %mul3A_119 = arith.constant 128 : i32
    %mul3A_120 = arith.muli %add3A_118, %mul3A_119 : i32
    %add3A_121 = arith.constant 128 : i32
    %add3A_122 = arith.addi %mul3A_120, %add3A_121 : i32
    %le3A_123 = arith.constant 83200 : i32
    %le3A_124 = arith.cmpi sle, %add3A_122, %le3A_123 : i32
    %convert_element_type3A_125 = arith.extui %le3A_124 : i1 to i32
    %cond3A_126 = arith.constant 0 : i32
    %cond3A_127 = arith.cmpi ne, %convert_element_type3A_125, %cond3A_126 : i32
    scf.if %cond3A_127 {
      %mul3A_1377 = arith.constant 21 : i32
      %mul3A_1378 = arith.muli %add3A, %mul3A_1377 : i32
      %add3A_1379 = arith.constant 4 : i32
      %add3A_1380 = arith.addi %mul3A_1378, %add3A_1379 : i32
      %mul3A_1381 = arith.constant 128 : i32
      %mul3A_1382 = arith.muli %add3A_1380, %mul3A_1381 : i32
      %dma_start3A = arith.constant 4 : i32
      %dma_start3A_1383 = arith.constant 0 : i32
      %dma_start3A_1384 = tpu.memref_slice %arg5[%dma_start3A, %dma_start3A_1383] : memref<21x128xi32, #tpu.memory_space<vmem>> -> memref<1x128xi32, #tpu.memory_space<vmem>>
      %dma_start3A_1385 = tpu.memref_squeeze %dma_start3A_1384 : memref<1x128xi32, #tpu.memory_space<vmem>> -> memref<128xi32, #tpu.memory_space<vmem>>
      %dma_start3A_1386 = tpu.memref_slice %arg3[%mul3A_1382] : memref<100000xi32, #tpu.memory_space<hbm>> -> memref<128xi32, #tpu.memory_space<hbm>>
      %dma_start3A_1387 = arith.constant 0 : i32
      %dma_start3A_1388 = tpu.memref_slice %arg5[%dma_start3A, %dma_start3A_1387] : memref<21x128xi32, #tpu.memory_space<vmem>> -> memref<1x128xi32, #tpu.memory_space<vmem>>
      %dma_start3A_1389 = tpu.memref_squeeze %dma_start3A_1388 : memref<1x128xi32, #tpu.memory_space<vmem>> -> memref<128xi32, #tpu.memory_space<vmem>>
      %dma_start3A_1390 = tpu.memref_slice %arg3[%mul3A_1382] : memref<100000xi32, #tpu.memory_space<hbm>> -> memref<128xi32, #tpu.memory_space<hbm>>
      tpu.enqueue_dma source(%dma_start3A_1390 : memref<128xi32, #tpu.memory_space<hbm>>) target(%dma_start3A_1389 : memref<128xi32, #tpu.memory_space<vmem>>) target_semaphore(%arg26 : memref<!tpu.dma_semaphore, #tpu.memory_space<semaphore_mem>>)
    } else {
    }
    %mul3A_128 = arith.constant 21 : i32
    %mul3A_129 = arith.muli %add3A, %mul3A_128 : i32
    %add3A_130 = arith.constant 5 : i32
    %add3A_131 = arith.addi %mul3A_129, %add3A_130 : i32
    %mul3A_132 = arith.constant 128 : i32
    %mul3A_133 = arith.muli %add3A_131, %mul3A_132 : i32
    %add3A_134 = arith.constant 128 : i32
    %add3A_135 = arith.addi %mul3A_133, %add3A_134 : i32
    %le3A_136 = arith.constant 83200 : i32
    %le3A_137 = arith.cmpi sle, %add3A_135, %le3A_136 : i32
    %convert_element_type3A_138 = arith.extui %le3A_137 : i1 to i32
    %cond3A_139 = arith.constant 0 : i32
    %cond3A_140 = arith.cmpi ne, %convert_element_type3A_138, %cond3A_139 : i32
    scf.if %cond3A_140 {
      %mul3A_1377 = arith.constant 21 : i32
      %mul3A_1378 = arith.muli %add3A, %mul3A_1377 : i32
      %add3A_1379 = arith.constant 5 : i32
      %add3A_1380 = arith.addi %mul3A_1378, %add3A_1379 : i32
      %mul3A_1381 = arith.constant 128 : i32
      %mul3A_1382 = arith.muli %add3A_1380, %mul3A_1381 : i32
      %dma_start3A = arith.constant 5 : i32
      %dma_start3A_1383 = arith.constant 0 : i32
      %dma_start3A_1384 = tpu.memref_slice %arg5[%dma_start3A, %dma_start3A_1383] : memref<21x128xi32, #tpu.memory_space<vmem>> -> memref<1x128xi32, #tpu.memory_space<vmem>>
      %dma_start3A_1385 = tpu.memref_squeeze %dma_start3A_1384 : memref<1x128xi32, #tpu.memory_space<vmem>> -> memref<128xi32, #tpu.memory_space<vmem>>
      %dma_start3A_1386 = tpu.memref_slice %arg3[%mul3A_1382] : memref<100000xi32, #tpu.memory_space<hbm>> -> memref<128xi32, #tpu.memory_space<hbm>>
      %dma_start3A_1387 = arith.constant 0 : i32
      %dma_start3A_1388 = tpu.memref_slice %arg5[%dma_start3A, %dma_start3A_1387] : memref<21x128xi32, #tpu.memory_space<vmem>> -> memref<1x128xi32, #tpu.memory_space<vmem>>
      %dma_start3A_1389 = tpu.memref_squeeze %dma_start3A_1388 : memref<1x128xi32, #tpu.memory_space<vmem>> -> memref<128xi32, #tpu.memory_space<vmem>>
      %dma_start3A_1390 = tpu.memref_slice %arg3[%mul3A_1382] : memref<100000xi32, #tpu.memory_space<hbm>> -> memref<128xi32, #tpu.memory_space<hbm>>
      tpu.enqueue_dma source(%dma_start3A_1390 : memref<128xi32, #tpu.memory_space<hbm>>) target(%dma_start3A_1389 : memref<128xi32, #tpu.memory_space<vmem>>) target_semaphore(%arg26 : memref<!tpu.dma_semaphore, #tpu.memory_space<semaphore_mem>>)
    } else {
    }
    %mul3A_141 = arith.constant 21 : i32
    %mul3A_142 = arith.muli %add3A, %mul3A_141 : i32
    %add3A_143 = arith.constant 6 : i32
    %add3A_144 = arith.addi %mul3A_142, %add3A_143 : i32
    %mul3A_145 = arith.constant 128 : i32
    %mul3A_146 = arith.muli %add3A_144, %mul3A_145 : i32
    %add3A_147 = arith.constant 128 : i32
    %add3A_148 = arith.addi %mul3A_146, %add3A_147 : i32
    %le3A_149 = arith.constant 83200 : i32
    %le3A_150 = arith.cmpi sle, %add3A_148, %le3A_149 : i32
    %convert_element_type3A_151 = arith.extui %le3A_150 : i1 to i32
    %cond3A_152 = arith.constant 0 : i32
    %cond3A_153 = arith.cmpi ne, %convert_element_type3A_151, %cond3A_152 : i32
    scf.if %cond3A_153 {
      %mul3A_1377 = arith.constant 21 : i32
      %mul3A_1378 = arith.muli %add3A, %mul3A_1377 : i32
      %add3A_1379 = arith.constant 6 : i32
      %add3A_1380 = arith.addi %mul3A_1378, %add3A_1379 : i32
      %mul3A_1381 = arith.constant 128 : i32
      %mul3A_1382 = arith.muli %add3A_1380, %mul3A_1381 : i32
      %dma_start3A = arith.constant 6 : i32
      %dma_start3A_1383 = arith.constant 0 : i32
      %dma_start3A_1384 = tpu.memref_slice %arg5[%dma_start3A, %dma_start3A_1383] : memref<21x128xi32, #tpu.memory_space<vmem>> -> memref<1x128xi32, #tpu.memory_space<vmem>>
      %dma_start3A_1385 = tpu.memref_squeeze %dma_start3A_1384 : memref<1x128xi32, #tpu.memory_space<vmem>> -> memref<128xi32, #tpu.memory_space<vmem>>
      %dma_start3A_1386 = tpu.memref_slice %arg3[%mul3A_1382] : memref<100000xi32, #tpu.memory_space<hbm>> -> memref<128xi32, #tpu.memory_space<hbm>>
      %dma_start3A_1387 = arith.constant 0 : i32
      %dma_start3A_1388 = tpu.memref_slice %arg5[%dma_start3A, %dma_start3A_1387] : memref<21x128xi32, #tpu.memory_space<vmem>> -> memref<1x128xi32, #tpu.memory_space<vmem>>
      %dma_start3A_1389 = tpu.memref_squeeze %dma_start3A_1388 : memref<1x128xi32, #tpu.memory_space<vmem>> -> memref<128xi32, #tpu.memory_space<vmem>>
      %dma_start3A_1390 = tpu.memref_slice %arg3[%mul3A_1382] : memref<100000xi32, #tpu.memory_space<hbm>> -> memref<128xi32, #tpu.memory_space<hbm>>
      tpu.enqueue_dma source(%dma_start3A_1390 : memref<128xi32, #tpu.memory_space<hbm>>) target(%dma_start3A_1389 : memref<128xi32, #tpu.memory_space<vmem>>) target_semaphore(%arg26 : memref<!tpu.dma_semaphore, #tpu.memory_space<semaphore_mem>>)
    } else {
    }
    %mul3A_154 = arith.constant 21 : i32
    %mul3A_155 = arith.muli %add3A, %mul3A_154 : i32
    %add3A_156 = arith.constant 7 : i32
    %add3A_157 = arith.addi %mul3A_155, %add3A_156 : i32
    %mul3A_158 = arith.constant 128 : i32
    %mul3A_159 = arith.muli %add3A_157, %mul3A_158 : i32
    %add3A_160 = arith.constant 128 : i32
    %add3A_161 = arith.addi %mul3A_159, %add3A_160 : i32
    %le3A_162 = arith.constant 83200 : i32
    %le3A_163 = arith.cmpi sle, %add3A_161, %le3A_162 : i32
    %convert_element_type3A_164 = arith.extui %le3A_163 : i1 to i32
    %cond3A_165 = arith.constant 0 : i32
    %cond3A_166 = arith.cmpi ne, %convert_element_type3A_164, %cond3A_165 : i32
    scf.if %cond3A_166 {
      %mul3A_1377 = arith.constant 21 : i32
      %mul3A_1378 = arith.muli %add3A, %mul3A_1377 : i32
      %add3A_1379 = arith.constant 7 : i32
      %add3A_1380 = arith.addi %mul3A_1378, %add3A_1379 : i32
      %mul3A_1381 = arith.constant 128 : i32
      %mul3A_1382 = arith.muli %add3A_1380, %mul3A_1381 : i32
      %dma_start3A = arith.constant 7 : i32
      %dma_start3A_1383 = arith.constant 0 : i32
      %dma_start3A_1384 = tpu.memref_slice %arg5[%dma_start3A, %dma_start3A_1383] : memref<21x128xi32, #tpu.memory_space<vmem>> -> memref<1x128xi32, #tpu.memory_space<vmem>>
      %dma_start3A_1385 = tpu.memref_squeeze %dma_start3A_1384 : memref<1x128xi32, #tpu.memory_space<vmem>> -> memref<128xi32, #tpu.memory_space<vmem>>
      %dma_start3A_1386 = tpu.memref_slice %arg3[%mul3A_1382] : memref<100000xi32, #tpu.memory_space<hbm>> -> memref<128xi32, #tpu.memory_space<hbm>>
      %dma_start3A_1387 = arith.constant 0 : i32
      %dma_start3A_1388 = tpu.memref_slice %arg5[%dma_start3A, %dma_start3A_1387] : memref<21x128xi32, #tpu.memory_space<vmem>> -> memref<1x128xi32, #tpu.memory_space<vmem>>
      %dma_start3A_1389 = tpu.memref_squeeze %dma_start3A_1388 : memref<1x128xi32, #tpu.memory_space<vmem>> -> memref<128xi32, #tpu.memory_space<vmem>>
      %dma_start3A_1390 = tpu.memref_slice %arg3[%mul3A_1382] : memref<100000xi32, #tpu.memory_space<hbm>> -> memref<128xi32, #tpu.memory_space<hbm>>
      tpu.enqueue_dma source(%dma_start3A_1390 : memref<128xi32, #tpu.memory_space<hbm>>) target(%dma_start3A_1389 : memref<128xi32, #tpu.memory_space<vmem>>) target_semaphore(%arg26 : memref<!tpu.dma_semaphore, #tpu.memory_space<semaphore_mem>>)
    } else {
    }
    %mul3A_167 = arith.constant 21 : i32
    %mul3A_168 = arith.muli %add3A, %mul3A_167 : i32
    %add3A_169 = arith.constant 8 : i32
    %add3A_170 = arith.addi %mul3A_168, %add3A_169 : i32
    %mul3A_171 = arith.constant 128 : i32
    %mul3A_172 = arith.muli %add3A_170, %mul3A_171 : i32
    %add3A_173 = arith.constant 128 : i32
    %add3A_174 = arith.addi %mul3A_172, %add3A_173 : i32
    %le3A_175 = arith.constant 83200 : i32
    %le3A_176 = arith.cmpi sle, %add3A_174, %le3A_175 : i32
    %convert_element_type3A_177 = arith.extui %le3A_176 : i1 to i32
    %cond3A_178 = arith.constant 0 : i32
    %cond3A_179 = arith.cmpi ne, %convert_element_type3A_177, %cond3A_178 : i32
    scf.if %cond3A_179 {
      %mul3A_1377 = arith.constant 21 : i32
      %mul3A_1378 = arith.muli %add3A, %mul3A_1377 : i32
      %add3A_1379 = arith.constant 8 : i32
      %add3A_1380 = arith.addi %mul3A_1378, %add3A_1379 : i32
      %mul3A_1381 = arith.constant 128 : i32
      %mul3A_1382 = arith.muli %add3A_1380, %mul3A_1381 : i32
      %dma_start3A = arith.constant 8 : i32
      %dma_start3A_1383 = arith.constant 0 : i32
      %dma_start3A_1384 = tpu.memref_slice %arg5[%dma_start3A, %dma_start3A_1383] : memref<21x128xi32, #tpu.memory_space<vmem>> -> memref<1x128xi32, #tpu.memory_space<vmem>>
      %dma_start3A_1385 = tpu.memref_squeeze %dma_start3A_1384 : memref<1x128xi32, #tpu.memory_space<vmem>> -> memref<128xi32, #tpu.memory_space<vmem>>
      %dma_start3A_1386 = tpu.memref_slice %arg3[%mul3A_1382] : memref<100000xi32, #tpu.memory_space<hbm>> -> memref<128xi32, #tpu.memory_space<hbm>>
      %dma_start3A_1387 = arith.constant 0 : i32
      %dma_start3A_1388 = tpu.memref_slice %arg5[%dma_start3A, %dma_start3A_1387] : memref<21x128xi32, #tpu.memory_space<vmem>> -> memref<1x128xi32, #tpu.memory_space<vmem>>
      %dma_start3A_1389 = tpu.memref_squeeze %dma_start3A_1388 : memref<1x128xi32, #tpu.memory_space<vmem>> -> memref<128xi32, #tpu.memory_space<vmem>>
      %dma_start3A_1390 = tpu.memref_slice %arg3[%mul3A_1382] : memref<100000xi32, #tpu.memory_space<hbm>> -> memref<128xi32, #tpu.memory_space<hbm>>
      tpu.enqueue_dma source(%dma_start3A_1390 : memref<128xi32, #tpu.memory_space<hbm>>) target(%dma_start3A_1389 : memref<128xi32, #tpu.memory_space<vmem>>) target_semaphore(%arg26 : memref<!tpu.dma_semaphore, #tpu.memory_space<semaphore_mem>>)
    } else {
    }
    %mul3A_180 = arith.constant 21 : i32
    %mul3A_181 = arith.muli %add3A, %mul3A_180 : i32
    %add3A_182 = arith.constant 9 : i32
    %add3A_183 = arith.addi %mul3A_181, %add3A_182 : i32
    %mul3A_184 = arith.constant 128 : i32
    %mul3A_185 = arith.muli %add3A_183, %mul3A_184 : i32
    %add3A_186 = arith.constant 128 : i32
    %add3A_187 = arith.addi %mul3A_185, %add3A_186 : i32
    %le3A_188 = arith.constant 83200 : i32
    %le3A_189 = arith.cmpi sle, %add3A_187, %le3A_188 : i32
    %convert_element_type3A_190 = arith.extui %le3A_189 : i1 to i32
    %cond3A_191 = arith.constant 0 : i32
    %cond3A_192 = arith.cmpi ne, %convert_element_type3A_190, %cond3A_191 : i32
    scf.if %cond3A_192 {
      %mul3A_1377 = arith.constant 21 : i32
      %mul3A_1378 = arith.muli %add3A, %mul3A_1377 : i32
      %add3A_1379 = arith.constant 9 : i32
      %add3A_1380 = arith.addi %mul3A_1378, %add3A_1379 : i32
      %mul3A_1381 = arith.constant 128 : i32
      %mul3A_1382 = arith.muli %add3A_1380, %mul3A_1381 : i32
      %dma_start3A = arith.constant 9 : i32
      %dma_start3A_1383 = arith.constant 0 : i32
      %dma_start3A_1384 = tpu.memref_slice %arg5[%dma_start3A, %dma_start3A_1383] : memref<21x128xi32, #tpu.memory_space<vmem>> -> memref<1x128xi32, #tpu.memory_space<vmem>>
      %dma_start3A_1385 = tpu.memref_squeeze %dma_start3A_1384 : memref<1x128xi32, #tpu.memory_space<vmem>> -> memref<128xi32, #tpu.memory_space<vmem>>
      %dma_start3A_1386 = tpu.memref_slice %arg3[%mul3A_1382] : memref<100000xi32, #tpu.memory_space<hbm>> -> memref<128xi32, #tpu.memory_space<hbm>>
      %dma_start3A_1387 = arith.constant 0 : i32
      %dma_start3A_1388 = tpu.memref_slice %arg5[%dma_start3A, %dma_start3A_1387] : memref<21x128xi32, #tpu.memory_space<vmem>> -> memref<1x128xi32, #tpu.memory_space<vmem>>
      %dma_start3A_1389 = tpu.memref_squeeze %dma_start3A_1388 : memref<1x128xi32, #tpu.memory_space<vmem>> -> memref<128xi32, #tpu.memory_space<vmem>>
      %dma_start3A_1390 = tpu.memref_slice %arg3[%mul3A_1382] : memref<100000xi32, #tpu.memory_space<hbm>> -> memref<128xi32, #tpu.memory_space<hbm>>
      tpu.enqueue_dma source(%dma_start3A_1390 : memref<128xi32, #tpu.memory_space<hbm>>) target(%dma_start3A_1389 : memref<128xi32, #tpu.memory_space<vmem>>) target_semaphore(%arg26 : memref<!tpu.dma_semaphore, #tpu.memory_space<semaphore_mem>>)
    } else {
    }
    %mul3A_193 = arith.constant 21 : i32
    %mul3A_194 = arith.muli %add3A, %mul3A_193 : i32
    %add3A_195 = arith.constant 10 : i32
    %add3A_196 = arith.addi %mul3A_194, %add3A_195 : i32
    %mul3A_197 = arith.constant 128 : i32
    %mul3A_198 = arith.muli %add3A_196, %mul3A_197 : i32
    %add3A_199 = arith.constant 128 : i32
    %add3A_200 = arith.addi %mul3A_198, %add3A_199 : i32
    %le3A_201 = arith.constant 83200 : i32
    %le3A_202 = arith.cmpi sle, %add3A_200, %le3A_201 : i32
    %convert_element_type3A_203 = arith.extui %le3A_202 : i1 to i32
    %cond3A_204 = arith.constant 0 : i32
    %cond3A_205 = arith.cmpi ne, %convert_element_type3A_203, %cond3A_204 : i32
    scf.if %cond3A_205 {
      %mul3A_1377 = arith.constant 21 : i32
      %mul3A_1378 = arith.muli %add3A, %mul3A_1377 : i32
      %add3A_1379 = arith.constant 10 : i32
      %add3A_1380 = arith.addi %mul3A_1378, %add3A_1379 : i32
      %mul3A_1381 = arith.constant 128 : i32
      %mul3A_1382 = arith.muli %add3A_1380, %mul3A_1381 : i32
      %dma_start3A = arith.constant 10 : i32
      %dma_start3A_1383 = arith.constant 0 : i32
      %dma_start3A_1384 = tpu.memref_slice %arg5[%dma_start3A, %dma_start3A_1383] : memref<21x128xi32, #tpu.memory_space<vmem>> -> memref<1x128xi32, #tpu.memory_space<vmem>>
      %dma_start3A_1385 = tpu.memref_squeeze %dma_start3A_1384 : memref<1x128xi32, #tpu.memory_space<vmem>> -> memref<128xi32, #tpu.memory_space<vmem>>
      %dma_start3A_1386 = tpu.memref_slice %arg3[%mul3A_1382] : memref<100000xi32, #tpu.memory_space<hbm>> -> memref<128xi32, #tpu.memory_space<hbm>>
      %dma_start3A_1387 = arith.constant 0 : i32
      %dma_start3A_1388 = tpu.memref_slice %arg5[%dma_start3A, %dma_start3A_1387] : memref<21x128xi32, #tpu.memory_space<vmem>> -> memref<1x128xi32, #tpu.memory_space<vmem>>
      %dma_start3A_1389 = tpu.memref_squeeze %dma_start3A_1388 : memref<1x128xi32, #tpu.memory_space<vmem>> -> memref<128xi32, #tpu.memory_space<vmem>>
      %dma_start3A_1390 = tpu.memref_slice %arg3[%mul3A_1382] : memref<100000xi32, #tpu.memory_space<hbm>> -> memref<128xi32, #tpu.memory_space<hbm>>
      tpu.enqueue_dma source(%dma_start3A_1390 : memref<128xi32, #tpu.memory_space<hbm>>) target(%dma_start3A_1389 : memref<128xi32, #tpu.memory_space<vmem>>) target_semaphore(%arg26 : memref<!tpu.dma_semaphore, #tpu.memory_space<semaphore_mem>>)
    } else {
    }
    %mul3A_206 = arith.constant 21 : i32
    %mul3A_207 = arith.muli %add3A, %mul3A_206 : i32
    %add3A_208 = arith.constant 11 : i32
    %add3A_209 = arith.addi %mul3A_207, %add3A_208 : i32
    %mul3A_210 = arith.constant 128 : i32
    %mul3A_211 = arith.muli %add3A_209, %mul3A_210 : i32
    %add3A_212 = arith.constant 128 : i32
    %add3A_213 = arith.addi %mul3A_211, %add3A_212 : i32
    %le3A_214 = arith.constant 83200 : i32
    %le3A_215 = arith.cmpi sle, %add3A_213, %le3A_214 : i32
    %convert_element_type3A_216 = arith.extui %le3A_215 : i1 to i32
    %cond3A_217 = arith.constant 0 : i32
    %cond3A_218 = arith.cmpi ne, %convert_element_type3A_216, %cond3A_217 : i32
    scf.if %cond3A_218 {
      %mul3A_1377 = arith.constant 21 : i32
      %mul3A_1378 = arith.muli %add3A, %mul3A_1377 : i32
      %add3A_1379 = arith.constant 11 : i32
      %add3A_1380 = arith.addi %mul3A_1378, %add3A_1379 : i32
      %mul3A_1381 = arith.constant 128 : i32
      %mul3A_1382 = arith.muli %add3A_1380, %mul3A_1381 : i32
      %dma_start3A = arith.constant 11 : i32
      %dma_start3A_1383 = arith.constant 0 : i32
      %dma_start3A_1384 = tpu.memref_slice %arg5[%dma_start3A, %dma_start3A_1383] : memref<21x128xi32, #tpu.memory_space<vmem>> -> memref<1x128xi32, #tpu.memory_space<vmem>>
      %dma_start3A_1385 = tpu.memref_squeeze %dma_start3A_1384 : memref<1x128xi32, #tpu.memory_space<vmem>> -> memref<128xi32, #tpu.memory_space<vmem>>
      %dma_start3A_1386 = tpu.memref_slice %arg3[%mul3A_1382] : memref<100000xi32, #tpu.memory_space<hbm>> -> memref<128xi32, #tpu.memory_space<hbm>>
      %dma_start3A_1387 = arith.constant 0 : i32
      %dma_start3A_1388 = tpu.memref_slice %arg5[%dma_start3A, %dma_start3A_1387] : memref<21x128xi32, #tpu.memory_space<vmem>> -> memref<1x128xi32, #tpu.memory_space<vmem>>
      %dma_start3A_1389 = tpu.memref_squeeze %dma_start3A_1388 : memref<1x128xi32, #tpu.memory_space<vmem>> -> memref<128xi32, #tpu.memory_space<vmem>>
      %dma_start3A_1390 = tpu.memref_slice %arg3[%mul3A_1382] : memref<100000xi32, #tpu.memory_space<hbm>> -> memref<128xi32, #tpu.memory_space<hbm>>
      tpu.enqueue_dma source(%dma_start3A_1390 : memref<128xi32, #tpu.memory_space<hbm>>) target(%dma_start3A_1389 : memref<128xi32, #tpu.memory_space<vmem>>) target_semaphore(%arg26 : memref<!tpu.dma_semaphore, #tpu.memory_space<semaphore_mem>>)
    } else {
    }
    %mul3A_219 = arith.constant 21 : i32
    %mul3A_220 = arith.muli %add3A, %mul3A_219 : i32
    %add3A_221 = arith.constant 12 : i32
    %add3A_222 = arith.addi %mul3A_220, %add3A_221 : i32
    %mul3A_223 = arith.constant 128 : i32
    %mul3A_224 = arith.muli %add3A_222, %mul3A_223 : i32
    %add3A_225 = arith.constant 128 : i32
    %add3A_226 = arith.addi %mul3A_224, %add3A_225 : i32
    %le3A_227 = arith.constant 83200 : i32
    %le3A_228 = arith.cmpi sle, %add3A_226, %le3A_227 : i32
    %convert_element_type3A_229 = arith.extui %le3A_228 : i1 to i32
    %cond3A_230 = arith.constant 0 : i32
    %cond3A_231 = arith.cmpi ne, %convert_element_type3A_229, %cond3A_230 : i32
    scf.if %cond3A_231 {
      %mul3A_1377 = arith.constant 21 : i32
      %mul3A_1378 = arith.muli %add3A, %mul3A_1377 : i32
      %add3A_1379 = arith.constant 12 : i32
      %add3A_1380 = arith.addi %mul3A_1378, %add3A_1379 : i32
      %mul3A_1381 = arith.constant 128 : i32
      %mul3A_1382 = arith.muli %add3A_1380, %mul3A_1381 : i32
      %dma_start3A = arith.constant 12 : i32
      %dma_start3A_1383 = arith.constant 0 : i32
      %dma_start3A_1384 = tpu.memref_slice %arg5[%dma_start3A, %dma_start3A_1383] : memref<21x128xi32, #tpu.memory_space<vmem>> -> memref<1x128xi32, #tpu.memory_space<vmem>>
      %dma_start3A_1385 = tpu.memref_squeeze %dma_start3A_1384 : memref<1x128xi32, #tpu.memory_space<vmem>> -> memref<128xi32, #tpu.memory_space<vmem>>
      %dma_start3A_1386 = tpu.memref_slice %arg3[%mul3A_1382] : memref<100000xi32, #tpu.memory_space<hbm>> -> memref<128xi32, #tpu.memory_space<hbm>>
      %dma_start3A_1387 = arith.constant 0 : i32
      %dma_start3A_1388 = tpu.memref_slice %arg5[%dma_start3A, %dma_start3A_1387] : memref<21x128xi32, #tpu.memory_space<vmem>> -> memref<1x128xi32, #tpu.memory_space<vmem>>
      %dma_start3A_1389 = tpu.memref_squeeze %dma_start3A_1388 : memref<1x128xi32, #tpu.memory_space<vmem>> -> memref<128xi32, #tpu.memory_space<vmem>>
      %dma_start3A_1390 = tpu.memref_slice %arg3[%mul3A_1382] : memref<100000xi32, #tpu.memory_space<hbm>> -> memref<128xi32, #tpu.memory_space<hbm>>
      tpu.enqueue_dma source(%dma_start3A_1390 : memref<128xi32, #tpu.memory_space<hbm>>) target(%dma_start3A_1389 : memref<128xi32, #tpu.memory_space<vmem>>) target_semaphore(%arg26 : memref<!tpu.dma_semaphore, #tpu.memory_space<semaphore_mem>>)
    } else {
    }
    %mul3A_232 = arith.constant 21 : i32
    %mul3A_233 = arith.muli %add3A, %mul3A_232 : i32
    %add3A_234 = arith.constant 13 : i32
    %add3A_235 = arith.addi %mul3A_233, %add3A_234 : i32
    %mul3A_236 = arith.constant 128 : i32
    %mul3A_237 = arith.muli %add3A_235, %mul3A_236 : i32
    %add3A_238 = arith.constant 128 : i32
    %add3A_239 = arith.addi %mul3A_237, %add3A_238 : i32
    %le3A_240 = arith.constant 83200 : i32
    %le3A_241 = arith.cmpi sle, %add3A_239, %le3A_240 : i32
    %convert_element_type3A_242 = arith.extui %le3A_241 : i1 to i32
    %cond3A_243 = arith.constant 0 : i32
    %cond3A_244 = arith.cmpi ne, %convert_element_type3A_242, %cond3A_243 : i32
    scf.if %cond3A_244 {
      %mul3A_1377 = arith.constant 21 : i32
      %mul3A_1378 = arith.muli %add3A, %mul3A_1377 : i32
      %add3A_1379 = arith.constant 13 : i32
      %add3A_1380 = arith.addi %mul3A_1378, %add3A_1379 : i32
      %mul3A_1381 = arith.constant 128 : i32
      %mul3A_1382 = arith.muli %add3A_1380, %mul3A_1381 : i32
      %dma_start3A = arith.constant 13 : i32
      %dma_start3A_1383 = arith.constant 0 : i32
      %dma_start3A_1384 = tpu.memref_slice %arg5[%dma_start3A, %dma_start3A_1383] : memref<21x128xi32, #tpu.memory_space<vmem>> -> memref<1x128xi32, #tpu.memory_space<vmem>>
      %dma_start3A_1385 = tpu.memref_squeeze %dma_start3A_1384 : memref<1x128xi32, #tpu.memory_space<vmem>> -> memref<128xi32, #tpu.memory_space<vmem>>
      %dma_start3A_1386 = tpu.memref_slice %arg3[%mul3A_1382] : memref<100000xi32, #tpu.memory_space<hbm>> -> memref<128xi32, #tpu.memory_space<hbm>>
      %dma_start3A_1387 = arith.constant 0 : i32
      %dma_start3A_1388 = tpu.memref_slice %arg5[%dma_start3A, %dma_start3A_1387] : memref<21x128xi32, #tpu.memory_space<vmem>> -> memref<1x128xi32, #tpu.memory_space<vmem>>
      %dma_start3A_1389 = tpu.memref_squeeze %dma_start3A_1388 : memref<1x128xi32, #tpu.memory_space<vmem>> -> memref<128xi32, #tpu.memory_space<vmem>>
      %dma_start3A_1390 = tpu.memref_slice %arg3[%mul3A_1382] : memref<100000xi32, #tpu.memory_space<hbm>> -> memref<128xi32, #tpu.memory_space<hbm>>
      tpu.enqueue_dma source(%dma_start3A_1390 : memref<128xi32, #tpu.memory_space<hbm>>) target(%dma_start3A_1389 : memref<128xi32, #tpu.memory_space<vmem>>) target_semaphore(%arg26 : memref<!tpu.dma_semaphore, #tpu.memory_space<semaphore_mem>>)
    } else {
    }
    %mul3A_245 = arith.constant 21 : i32
    %mul3A_246 = arith.muli %add3A, %mul3A_245 : i32
    %add3A_247 = arith.constant 14 : i32
    %add3A_248 = arith.addi %mul3A_246, %add3A_247 : i32
    %mul3A_249 = arith.constant 128 : i32
    %mul3A_250 = arith.muli %add3A_248, %mul3A_249 : i32
    %add3A_251 = arith.constant 128 : i32
    %add3A_252 = arith.addi %mul3A_250, %add3A_251 : i32
    %le3A_253 = arith.constant 83200 : i32
    %le3A_254 = arith.cmpi sle, %add3A_252, %le3A_253 : i32
    %convert_element_type3A_255 = arith.extui %le3A_254 : i1 to i32
    %cond3A_256 = arith.constant 0 : i32
    %cond3A_257 = arith.cmpi ne, %convert_element_type3A_255, %cond3A_256 : i32
    scf.if %cond3A_257 {
      %mul3A_1377 = arith.constant 21 : i32
      %mul3A_1378 = arith.muli %add3A, %mul3A_1377 : i32
      %add3A_1379 = arith.constant 14 : i32
      %add3A_1380 = arith.addi %mul3A_1378, %add3A_1379 : i32
      %mul3A_1381 = arith.constant 128 : i32
      %mul3A_1382 = arith.muli %add3A_1380, %mul3A_1381 : i32
      %dma_start3A = arith.constant 14 : i32
      %dma_start3A_1383 = arith.constant 0 : i32
      %dma_start3A_1384 = tpu.memref_slice %arg5[%dma_start3A, %dma_start3A_1383] : memref<21x128xi32, #tpu.memory_space<vmem>> -> memref<1x128xi32, #tpu.memory_space<vmem>>
      %dma_start3A_1385 = tpu.memref_squeeze %dma_start3A_1384 : memref<1x128xi32, #tpu.memory_space<vmem>> -> memref<128xi32, #tpu.memory_space<vmem>>
      %dma_start3A_1386 = tpu.memref_slice %arg3[%mul3A_1382] : memref<100000xi32, #tpu.memory_space<hbm>> -> memref<128xi32, #tpu.memory_space<hbm>>
      %dma_start3A_1387 = arith.constant 0 : i32
      %dma_start3A_1388 = tpu.memref_slice %arg5[%dma_start3A, %dma_start3A_1387] : memref<21x128xi32, #tpu.memory_space<vmem>> -> memref<1x128xi32, #tpu.memory_space<vmem>>
      %dma_start3A_1389 = tpu.memref_squeeze %dma_start3A_1388 : memref<1x128xi32, #tpu.memory_space<vmem>> -> memref<128xi32, #tpu.memory_space<vmem>>
      %dma_start3A_1390 = tpu.memref_slice %arg3[%mul3A_1382] : memref<100000xi32, #tpu.memory_space<hbm>> -> memref<128xi32, #tpu.memory_space<hbm>>
      tpu.enqueue_dma source(%dma_start3A_1390 : memref<128xi32, #tpu.memory_space<hbm>>) target(%dma_start3A_1389 : memref<128xi32, #tpu.memory_space<vmem>>) target_semaphore(%arg26 : memref<!tpu.dma_semaphore, #tpu.memory_space<semaphore_mem>>)
    } else {
    }
    %mul3A_258 = arith.constant 21 : i32
    %mul3A_259 = arith.muli %add3A, %mul3A_258 : i32
    %add3A_260 = arith.constant 15 : i32
    %add3A_261 = arith.addi %mul3A_259, %add3A_260 : i32
    %mul3A_262 = arith.constant 128 : i32
    %mul3A_263 = arith.muli %add3A_261, %mul3A_262 : i32
    %add3A_264 = arith.constant 128 : i32
    %add3A_265 = arith.addi %mul3A_263, %add3A_264 : i32
    %le3A_266 = arith.constant 83200 : i32
    %le3A_267 = arith.cmpi sle, %add3A_265, %le3A_266 : i32
    %convert_element_type3A_268 = arith.extui %le3A_267 : i1 to i32
    %cond3A_269 = arith.constant 0 : i32
    %cond3A_270 = arith.cmpi ne, %convert_element_type3A_268, %cond3A_269 : i32
    scf.if %cond3A_270 {
      %mul3A_1377 = arith.constant 21 : i32
      %mul3A_1378 = arith.muli %add3A, %mul3A_1377 : i32
      %add3A_1379 = arith.constant 15 : i32
      %add3A_1380 = arith.addi %mul3A_1378, %add3A_1379 : i32
      %mul3A_1381 = arith.constant 128 : i32
      %mul3A_1382 = arith.muli %add3A_1380, %mul3A_1381 : i32
      %dma_start3A = arith.constant 15 : i32
      %dma_start3A_1383 = arith.constant 0 : i32
      %dma_start3A_1384 = tpu.memref_slice %arg5[%dma_start3A, %dma_start3A_1383] : memref<21x128xi32, #tpu.memory_space<vmem>> -> memref<1x128xi32, #tpu.memory_space<vmem>>
      %dma_start3A_1385 = tpu.memref_squeeze %dma_start3A_1384 : memref<1x128xi32, #tpu.memory_space<vmem>> -> memref<128xi32, #tpu.memory_space<vmem>>
      %dma_start3A_1386 = tpu.memref_slice %arg3[%mul3A_1382] : memref<100000xi32, #tpu.memory_space<hbm>> -> memref<128xi32, #tpu.memory_space<hbm>>
      %dma_start3A_1387 = arith.constant 0 : i32
      %dma_start3A_1388 = tpu.memref_slice %arg5[%dma_start3A, %dma_start3A_1387] : memref<21x128xi32, #tpu.memory_space<vmem>> -> memref<1x128xi32, #tpu.memory_space<vmem>>
      %dma_start3A_1389 = tpu.memref_squeeze %dma_start3A_1388 : memref<1x128xi32, #tpu.memory_space<vmem>> -> memref<128xi32, #tpu.memory_space<vmem>>
      %dma_start3A_1390 = tpu.memref_slice %arg3[%mul3A_1382] : memref<100000xi32, #tpu.memory_space<hbm>> -> memref<128xi32, #tpu.memory_space<hbm>>
      tpu.enqueue_dma source(%dma_start3A_1390 : memref<128xi32, #tpu.memory_space<hbm>>) target(%dma_start3A_1389 : memref<128xi32, #tpu.memory_space<vmem>>) target_semaphore(%arg26 : memref<!tpu.dma_semaphore, #tpu.memory_space<semaphore_mem>>)
    } else {
    }
    %mul3A_271 = arith.constant 21 : i32
    %mul3A_272 = arith.muli %add3A, %mul3A_271 : i32
    %add3A_273 = arith.constant 16 : i32
    %add3A_274 = arith.addi %mul3A_272, %add3A_273 : i32
    %mul3A_275 = arith.constant 128 : i32
    %mul3A_276 = arith.muli %add3A_274, %mul3A_275 : i32
    %add3A_277 = arith.constant 128 : i32
    %add3A_278 = arith.addi %mul3A_276, %add3A_277 : i32
    %le3A_279 = arith.constant 83200 : i32
    %le3A_280 = arith.cmpi sle, %add3A_278, %le3A_279 : i32
    %convert_element_type3A_281 = arith.extui %le3A_280 : i1 to i32
    %cond3A_282 = arith.constant 0 : i32
    %cond3A_283 = arith.cmpi ne, %convert_element_type3A_281, %cond3A_282 : i32
    scf.if %cond3A_283 {
      %mul3A_1377 = arith.constant 21 : i32
      %mul3A_1378 = arith.muli %add3A, %mul3A_1377 : i32
      %add3A_1379 = arith.constant 16 : i32
      %add3A_1380 = arith.addi %mul3A_1378, %add3A_1379 : i32
      %mul3A_1381 = arith.constant 128 : i32
      %mul3A_1382 = arith.muli %add3A_1380, %mul3A_1381 : i32
      %dma_start3A = arith.constant 16 : i32
      %dma_start3A_1383 = arith.constant 0 : i32
      %dma_start3A_1384 = tpu.memref_slice %arg5[%dma_start3A, %dma_start3A_1383] : memref<21x128xi32, #tpu.memory_space<vmem>> -> memref<1x128xi32, #tpu.memory_space<vmem>>
      %dma_start3A_1385 = tpu.memref_squeeze %dma_start3A_1384 : memref<1x128xi32, #tpu.memory_space<vmem>> -> memref<128xi32, #tpu.memory_space<vmem>>
      %dma_start3A_1386 = tpu.memref_slice %arg3[%mul3A_1382] : memref<100000xi32, #tpu.memory_space<hbm>> -> memref<128xi32, #tpu.memory_space<hbm>>
      %dma_start3A_1387 = arith.constant 0 : i32
      %dma_start3A_1388 = tpu.memref_slice %arg5[%dma_start3A, %dma_start3A_1387] : memref<21x128xi32, #tpu.memory_space<vmem>> -> memref<1x128xi32, #tpu.memory_space<vmem>>
      %dma_start3A_1389 = tpu.memref_squeeze %dma_start3A_1388 : memref<1x128xi32, #tpu.memory_space<vmem>> -> memref<128xi32, #tpu.memory_space<vmem>>
      %dma_start3A_1390 = tpu.memref_slice %arg3[%mul3A_1382] : memref<100000xi32, #tpu.memory_space<hbm>> -> memref<128xi32, #tpu.memory_space<hbm>>
      tpu.enqueue_dma source(%dma_start3A_1390 : memref<128xi32, #tpu.memory_space<hbm>>) target(%dma_start3A_1389 : memref<128xi32, #tpu.memory_space<vmem>>) target_semaphore(%arg26 : memref<!tpu.dma_semaphore, #tpu.memory_space<semaphore_mem>>)
    } else {
    }
    %mul3A_284 = arith.constant 21 : i32
    %mul3A_285 = arith.muli %add3A, %mul3A_284 : i32
    %add3A_286 = arith.constant 17 : i32
    %add3A_287 = arith.addi %mul3A_285, %add3A_286 : i32
    %mul3A_288 = arith.constant 128 : i32
    %mul3A_289 = arith.muli %add3A_287, %mul3A_288 : i32
    %add3A_290 = arith.constant 128 : i32
    %add3A_291 = arith.addi %mul3A_289, %add3A_290 : i32
    %le3A_292 = arith.constant 83200 : i32
    %le3A_293 = arith.cmpi sle, %add3A_291, %le3A_292 : i32
    %convert_element_type3A_294 = arith.extui %le3A_293 : i1 to i32
    %cond3A_295 = arith.constant 0 : i32
    %cond3A_296 = arith.cmpi ne, %convert_element_type3A_294, %cond3A_295 : i32
    scf.if %cond3A_296 {
      %mul3A_1377 = arith.constant 21 : i32
      %mul3A_1378 = arith.muli %add3A, %mul3A_1377 : i32
      %add3A_1379 = arith.constant 17 : i32
      %add3A_1380 = arith.addi %mul3A_1378, %add3A_1379 : i32
      %mul3A_1381 = arith.constant 128 : i32
      %mul3A_1382 = arith.muli %add3A_1380, %mul3A_1381 : i32
      %dma_start3A = arith.constant 17 : i32
      %dma_start3A_1383 = arith.constant 0 : i32
      %dma_start3A_1384 = tpu.memref_slice %arg5[%dma_start3A, %dma_start3A_1383] : memref<21x128xi32, #tpu.memory_space<vmem>> -> memref<1x128xi32, #tpu.memory_space<vmem>>
      %dma_start3A_1385 = tpu.memref_squeeze %dma_start3A_1384 : memref<1x128xi32, #tpu.memory_space<vmem>> -> memref<128xi32, #tpu.memory_space<vmem>>
      %dma_start3A_1386 = tpu.memref_slice %arg3[%mul3A_1382] : memref<100000xi32, #tpu.memory_space<hbm>> -> memref<128xi32, #tpu.memory_space<hbm>>
      %dma_start3A_1387 = arith.constant 0 : i32
      %dma_start3A_1388 = tpu.memref_slice %arg5[%dma_start3A, %dma_start3A_1387] : memref<21x128xi32, #tpu.memory_space<vmem>> -> memref<1x128xi32, #tpu.memory_space<vmem>>
      %dma_start3A_1389 = tpu.memref_squeeze %dma_start3A_1388 : memref<1x128xi32, #tpu.memory_space<vmem>> -> memref<128xi32, #tpu.memory_space<vmem>>
      %dma_start3A_1390 = tpu.memref_slice %arg3[%mul3A_1382] : memref<100000xi32, #tpu.memory_space<hbm>> -> memref<128xi32, #tpu.memory_space<hbm>>
      tpu.enqueue_dma source(%dma_start3A_1390 : memref<128xi32, #tpu.memory_space<hbm>>) target(%dma_start3A_1389 : memref<128xi32, #tpu.memory_space<vmem>>) target_semaphore(%arg26 : memref<!tpu.dma_semaphore, #tpu.memory_space<semaphore_mem>>)
    } else {
    }
    %mul3A_297 = arith.constant 21 : i32
    %mul3A_298 = arith.muli %add3A, %mul3A_297 : i32
    %add3A_299 = arith.constant 18 : i32
    %add3A_300 = arith.addi %mul3A_298, %add3A_299 : i32
    %mul3A_301 = arith.constant 128 : i32
    %mul3A_302 = arith.muli %add3A_300, %mul3A_301 : i32
    %add3A_303 = arith.constant 128 : i32
    %add3A_304 = arith.addi %mul3A_302, %add3A_303 : i32
    %le3A_305 = arith.constant 83200 : i32
    %le3A_306 = arith.cmpi sle, %add3A_304, %le3A_305 : i32
    %convert_element_type3A_307 = arith.extui %le3A_306 : i1 to i32
    %cond3A_308 = arith.constant 0 : i32
    %cond3A_309 = arith.cmpi ne, %convert_element_type3A_307, %cond3A_308 : i32
    scf.if %cond3A_309 {
      %mul3A_1377 = arith.constant 21 : i32
      %mul3A_1378 = arith.muli %add3A, %mul3A_1377 : i32
      %add3A_1379 = arith.constant 18 : i32
      %add3A_1380 = arith.addi %mul3A_1378, %add3A_1379 : i32
      %mul3A_1381 = arith.constant 128 : i32
      %mul3A_1382 = arith.muli %add3A_1380, %mul3A_1381 : i32
      %dma_start3A = arith.constant 18 : i32
      %dma_start3A_1383 = arith.constant 0 : i32
      %dma_start3A_1384 = tpu.memref_slice %arg5[%dma_start3A, %dma_start3A_1383] : memref<21x128xi32, #tpu.memory_space<vmem>> -> memref<1x128xi32, #tpu.memory_space<vmem>>
      %dma_start3A_1385 = tpu.memref_squeeze %dma_start3A_1384 : memref<1x128xi32, #tpu.memory_space<vmem>> -> memref<128xi32, #tpu.memory_space<vmem>>
      %dma_start3A_1386 = tpu.memref_slice %arg3[%mul3A_1382] : memref<100000xi32, #tpu.memory_space<hbm>> -> memref<128xi32, #tpu.memory_space<hbm>>
      %dma_start3A_1387 = arith.constant 0 : i32
      %dma_start3A_1388 = tpu.memref_slice %arg5[%dma_start3A, %dma_start3A_1387] : memref<21x128xi32, #tpu.memory_space<vmem>> -> memref<1x128xi32, #tpu.memory_space<vmem>>
      %dma_start3A_1389 = tpu.memref_squeeze %dma_start3A_1388 : memref<1x128xi32, #tpu.memory_space<vmem>> -> memref<128xi32, #tpu.memory_space<vmem>>
      %dma_start3A_1390 = tpu.memref_slice %arg3[%mul3A_1382] : memref<100000xi32, #tpu.memory_space<hbm>> -> memref<128xi32, #tpu.memory_space<hbm>>
      tpu.enqueue_dma source(%dma_start3A_1390 : memref<128xi32, #tpu.memory_space<hbm>>) target(%dma_start3A_1389 : memref<128xi32, #tpu.memory_space<vmem>>) target_semaphore(%arg26 : memref<!tpu.dma_semaphore, #tpu.memory_space<semaphore_mem>>)
    } else {
    }
    %mul3A_310 = arith.constant 21 : i32
    %mul3A_311 = arith.muli %add3A, %mul3A_310 : i32
    %add3A_312 = arith.constant 19 : i32
    %add3A_313 = arith.addi %mul3A_311, %add3A_312 : i32
    %mul3A_314 = arith.constant 128 : i32
    %mul3A_315 = arith.muli %add3A_313, %mul3A_314 : i32
    %add3A_316 = arith.constant 128 : i32
    %add3A_317 = arith.addi %mul3A_315, %add3A_316 : i32
    %le3A_318 = arith.constant 83200 : i32
    %le3A_319 = arith.cmpi sle, %add3A_317, %le3A_318 : i32
    %convert_element_type3A_320 = arith.extui %le3A_319 : i1 to i32
    %cond3A_321 = arith.constant 0 : i32
    %cond3A_322 = arith.cmpi ne, %convert_element_type3A_320, %cond3A_321 : i32
    scf.if %cond3A_322 {
      %mul3A_1377 = arith.constant 21 : i32
      %mul3A_1378 = arith.muli %add3A, %mul3A_1377 : i32
      %add3A_1379 = arith.constant 19 : i32
      %add3A_1380 = arith.addi %mul3A_1378, %add3A_1379 : i32
      %mul3A_1381 = arith.constant 128 : i32
      %mul3A_1382 = arith.muli %add3A_1380, %mul3A_1381 : i32
      %dma_start3A = arith.constant 19 : i32
      %dma_start3A_1383 = arith.constant 0 : i32
      %dma_start3A_1384 = tpu.memref_slice %arg5[%dma_start3A, %dma_start3A_1383] : memref<21x128xi32, #tpu.memory_space<vmem>> -> memref<1x128xi32, #tpu.memory_space<vmem>>
      %dma_start3A_1385 = tpu.memref_squeeze %dma_start3A_1384 : memref<1x128xi32, #tpu.memory_space<vmem>> -> memref<128xi32, #tpu.memory_space<vmem>>
      %dma_start3A_1386 = tpu.memref_slice %arg3[%mul3A_1382] : memref<100000xi32, #tpu.memory_space<hbm>> -> memref<128xi32, #tpu.memory_space<hbm>>
      %dma_start3A_1387 = arith.constant 0 : i32
      %dma_start3A_1388 = tpu.memref_slice %arg5[%dma_start3A, %dma_start3A_1387] : memref<21x128xi32, #tpu.memory_space<vmem>> -> memref<1x128xi32, #tpu.memory_space<vmem>>
      %dma_start3A_1389 = tpu.memref_squeeze %dma_start3A_1388 : memref<1x128xi32, #tpu.memory_space<vmem>> -> memref<128xi32, #tpu.memory_space<vmem>>
      %dma_start3A_1390 = tpu.memref_slice %arg3[%mul3A_1382] : memref<100000xi32, #tpu.memory_space<hbm>> -> memref<128xi32, #tpu.memory_space<hbm>>
      tpu.enqueue_dma source(%dma_start3A_1390 : memref<128xi32, #tpu.memory_space<hbm>>) target(%dma_start3A_1389 : memref<128xi32, #tpu.memory_space<vmem>>) target_semaphore(%arg26 : memref<!tpu.dma_semaphore, #tpu.memory_space<semaphore_mem>>)
    } else {
    }
    %mul3A_323 = arith.constant 21 : i32
    %mul3A_324 = arith.muli %add3A, %mul3A_323 : i32
    %add3A_325 = arith.constant 20 : i32
    %add3A_326 = arith.addi %mul3A_324, %add3A_325 : i32
    %mul3A_327 = arith.constant 128 : i32
    %mul3A_328 = arith.muli %add3A_326, %mul3A_327 : i32
    %add3A_329 = arith.constant 128 : i32
    %add3A_330 = arith.addi %mul3A_328, %add3A_329 : i32
    %le3A_331 = arith.constant 83200 : i32
    %le3A_332 = arith.cmpi sle, %add3A_330, %le3A_331 : i32
    %convert_element_type3A_333 = arith.extui %le3A_332 : i1 to i32
    %cond3A_334 = arith.constant 0 : i32
    %cond3A_335 = arith.cmpi ne, %convert_element_type3A_333, %cond3A_334 : i32
    scf.if %cond3A_335 {
      %mul3A_1377 = arith.constant 21 : i32
      %mul3A_1378 = arith.muli %add3A, %mul3A_1377 : i32
      %add3A_1379 = arith.constant 20 : i32
      %add3A_1380 = arith.addi %mul3A_1378, %add3A_1379 : i32
      %mul3A_1381 = arith.constant 128 : i32
      %mul3A_1382 = arith.muli %add3A_1380, %mul3A_1381 : i32
      %dma_start3A = arith.constant 20 : i32
      %dma_start3A_1383 = arith.constant 0 : i32
      %dma_start3A_1384 = tpu.memref_slice %arg5[%dma_start3A, %dma_start3A_1383] : memref<21x128xi32, #tpu.memory_space<vmem>> -> memref<1x128xi32, #tpu.memory_space<vmem>>
      %dma_start3A_1385 = tpu.memref_squeeze %dma_start3A_1384 : memref<1x128xi32, #tpu.memory_space<vmem>> -> memref<128xi32, #tpu.memory_space<vmem>>
      %dma_start3A_1386 = tpu.memref_slice %arg3[%mul3A_1382] : memref<100000xi32, #tpu.memory_space<hbm>> -> memref<128xi32, #tpu.memory_space<hbm>>
      %dma_start3A_1387 = arith.constant 0 : i32
      %dma_start3A_1388 = tpu.memref_slice %arg5[%dma_start3A, %dma_start3A_1387] : memref<21x128xi32, #tpu.memory_space<vmem>> -> memref<1x128xi32, #tpu.memory_space<vmem>>
      %dma_start3A_1389 = tpu.memref_squeeze %dma_start3A_1388 : memref<1x128xi32, #tpu.memory_space<vmem>> -> memref<128xi32, #tpu.memory_space<vmem>>
      %dma_start3A_1390 = tpu.memref_slice %arg3[%mul3A_1382] : memref<100000xi32, #tpu.memory_space<hbm>> -> memref<128xi32, #tpu.memory_space<hbm>>
      tpu.enqueue_dma source(%dma_start3A_1390 : memref<128xi32, #tpu.memory_space<hbm>>) target(%dma_start3A_1389 : memref<128xi32, #tpu.memory_space<vmem>>) target_semaphore(%arg26 : memref<!tpu.dma_semaphore, #tpu.memory_space<semaphore_mem>>)
    } else {
    }
    %broadcast_in_dim3A = arith.constant 0.000000e+00 : f32
    %broadcast_in_dim3A_336 = vector.broadcast %broadcast_in_dim3A : f32 to vector<16xf32>
    %scan3A = arith.constant 0 : i32
    %scan3A_337 = arith.constant 0 : i32
    %scan3A_338 = arith.constant 72 : i32
    %scan3A_339 = arith.addi %scan3A_337, %scan3A_338 : i32
    %scan3A_340 = arith.constant 1 : i32
    %scan3A_341 = scf.for %scan3A_1377 = %scan3A_337 to %scan3A_339 step %scan3A_340 iter_args(%scan3A_1378 = %scan3A) -> (i32)  : i32 {
      %swap3A = arith.index_cast %scan3A_1377 : i32 to index
      %swap3A_1379 = arith.constant 0 : index
      %swap3A_1380 = tpu.vector_load %arg12[%swap3A, %swap3A_1379] {strides = array<i32>} : memref<72x128xf32, #tpu.memory_space<vmem>>, vector<1x16xf32>,
      %swap3A_1381 = vector.shape_cast %swap3A_1380 : vector<1x16xf32> to vector<16xf32>
      %swap3A_1382 = vector.shape_cast %broadcast_in_dim3A_336 : vector<16xf32> to vector<1x16xf32>
      tpu.vector_store %arg12[%swap3A, %swap3A_1379], %swap3A_1382 {strides = array<i32>} : memref<72x128xf32, #tpu.memory_space<vmem>>, vector<1x16xf32>,
      %swap3A_1383 = arith.index_cast %scan3A_1377 : i32 to index
      %swap3A_1384 = arith.constant 16 : index
      %swap3A_1385 = tpu.vector_load %arg12[%swap3A_1383, %swap3A_1384] {strides = array<i32>} : memref<72x128xf32, #tpu.memory_space<vmem>>, vector<1x16xf32>,
      %swap3A_1386 = vector.shape_cast %swap3A_1385 : vector<1x16xf32> to vector<16xf32>
      %swap3A_1387 = vector.shape_cast %broadcast_in_dim3A_336 : vector<16xf32> to vector<1x16xf32>
      tpu.vector_store %arg12[%swap3A_1383, %swap3A_1384], %swap3A_1387 {strides = array<i32>} : memref<72x128xf32, #tpu.memory_space<vmem>>, vector<1x16xf32>,
      %swap3A_1388 = arith.index_cast %scan3A_1377 : i32 to index
      %swap3A_1389 = arith.constant 32 : index
      %swap3A_1390 = tpu.vector_load %arg12[%swap3A_1388, %swap3A_1389] {strides = array<i32>} : memref<72x128xf32, #tpu.memory_space<vmem>>, vector<1x16xf32>,
      %swap3A_1391 = vector.shape_cast %swap3A_1390 : vector<1x16xf32> to vector<16xf32>
      %swap3A_1392 = vector.shape_cast %broadcast_in_dim3A_336 : vector<16xf32> to vector<1x16xf32>
      tpu.vector_store %arg12[%swap3A_1388, %swap3A_1389], %swap3A_1392 {strides = array<i32>} : memref<72x128xf32, #tpu.memory_space<vmem>>, vector<1x16xf32>,
      %swap3A_1393 = arith.index_cast %scan3A_1377 : i32 to index
      %swap3A_1394 = arith.constant 48 : index
      %swap3A_1395 = tpu.vector_load %arg12[%swap3A_1393, %swap3A_1394] {strides = array<i32>} : memref<72x128xf32, #tpu.memory_space<vmem>>, vector<1x16xf32>,
      %swap3A_1396 = vector.shape_cast %swap3A_1395 : vector<1x16xf32> to vector<16xf32>
      %swap3A_1397 = vector.shape_cast %broadcast_in_dim3A_336 : vector<16xf32> to vector<1x16xf32>
      tpu.vector_store %arg12[%swap3A_1393, %swap3A_1394], %swap3A_1397 {strides = array<i32>} : memref<72x128xf32, #tpu.memory_space<vmem>>, vector<1x16xf32>,
      %swap3A_1398 = arith.index_cast %scan3A_1377 : i32 to index
      %swap3A_1399 = arith.constant 64 : index
      %swap3A_1400 = tpu.vector_load %arg12[%swap3A_1398, %swap3A_1399] {strides = array<i32>} : memref<72x128xf32, #tpu.memory_space<vmem>>, vector<1x16xf32>,
      %swap3A_1401 = vector.shape_cast %swap3A_1400 : vector<1x16xf32> to vector<16xf32>
      %swap3A_1402 = vector.shape_cast %broadcast_in_dim3A_336 : vector<16xf32> to vector<1x16xf32>
      tpu.vector_store %arg12[%swap3A_1398, %swap3A_1399], %swap3A_1402 {strides = array<i32>} : memref<72x128xf32, #tpu.memory_space<vmem>>, vector<1x16xf32>,
      %swap3A_1403 = arith.index_cast %scan3A_1377 : i32 to index
      %swap3A_1404 = arith.constant 80 : index
      %swap3A_1405 = tpu.vector_load %arg12[%swap3A_1403, %swap3A_1404] {strides = array<i32>} : memref<72x128xf32, #tpu.memory_space<vmem>>, vector<1x16xf32>,
      %swap3A_1406 = vector.shape_cast %swap3A_1405 : vector<1x16xf32> to vector<16xf32>
      %swap3A_1407 = vector.shape_cast %broadcast_in_dim3A_336 : vector<16xf32> to vector<1x16xf32>
      tpu.vector_store %arg12[%swap3A_1403, %swap3A_1404], %swap3A_1407 {strides = array<i32>} : memref<72x128xf32, #tpu.memory_space<vmem>>, vector<1x16xf32>,
      %swap3A_1408 = arith.index_cast %scan3A_1377 : i32 to index
      %swap3A_1409 = arith.constant 96 : index
      %swap3A_1410 = tpu.vector_load %arg12[%swap3A_1408, %swap3A_1409] {strides = array<i32>} : memref<72x128xf32, #tpu.memory_space<vmem>>, vector<1x16xf32>,
      %swap3A_1411 = vector.shape_cast %swap3A_1410 : vector<1x16xf32> to vector<16xf32>
      %swap3A_1412 = vector.shape_cast %broadcast_in_dim3A_336 : vector<16xf32> to vector<1x16xf32>
      tpu.vector_store %arg12[%swap3A_1408, %swap3A_1409], %swap3A_1412 {strides = array<i32>} : memref<72x128xf32, #tpu.memory_space<vmem>>, vector<1x16xf32>,
      %swap3A_1413 = arith.index_cast %scan3A_1377 : i32 to index
      %swap3A_1414 = arith.constant 112 : index
      %swap3A_1415 = tpu.vector_load %arg12[%swap3A_1413, %swap3A_1414] {strides = array<i32>} : memref<72x128xf32, #tpu.memory_space<vmem>>, vector<1x16xf32>,
      %swap3A_1416 = vector.shape_cast %swap3A_1415 : vector<1x16xf32> to vector<16xf32>
      %swap3A_1417 = vector.shape_cast %broadcast_in_dim3A_336 : vector<16xf32> to vector<1x16xf32>
      tpu.vector_store %arg12[%swap3A_1413, %swap3A_1414], %swap3A_1417 {strides = array<i32>} : memref<72x128xf32, #tpu.memory_space<vmem>>, vector<1x16xf32>,
      %scan3A_1418 = arith.constant 0 : i32
      scf.yield %scan3A_1418 : i32
    }
    %scan3A_342 = arith.constant 72 : i32
    %mul3A_343 = arith.constant 72 : i32
    %mul3A_344 = arith.muli %arg1, %mul3A_343 : i32
    "tpu.region"() ({
      %run_scoped3A = tpu.sem_alloc : memref<!tpu.dma_semaphore, #tpu.memory_space<semaphore_mem>>
      %dma_start3A = arith.constant 0 : i32
      %dma_start3A_1377 = tpu.memref_slice %arg13[%mul3A_344, %dma_start3A] : memref<1152x128xf32, #tpu.memory_space<vmem_shared>> -> memref<72x128xf32, #tpu.memory_space<vmem_shared>>
      %dma_start3A_1378 = arith.constant 0 : i32
      %dma_start3A_1379 = tpu.memref_slice %arg13[%mul3A_344, %dma_start3A_1378] : memref<1152x128xf32, #tpu.memory_space<vmem_shared>> -> memref<72x128xf32, #tpu.memory_space<vmem_shared>>
      tpu.enqueue_dma source(%arg12 : memref<72x128xf32, #tpu.memory_space<vmem>>) target(%dma_start3A_1379 : memref<72x128xf32, #tpu.memory_space<vmem_shared>>) target_semaphore(%run_scoped3A : memref<!tpu.dma_semaphore, #tpu.memory_space<semaphore_mem>>)
      %dma_wait3A = arith.constant 0 : i32
      %dma_wait3A_1380 = tpu.memref_slice %arg13[%mul3A_344, %dma_wait3A] : memref<1152x128xf32, #tpu.memory_space<vmem_shared>> -> memref<72x128xf32, #tpu.memory_space<vmem_shared>>
      %dma_wait3A_1381 = arith.constant 0 : i32
      %dma_wait3A_1382 = tpu.memref_slice %arg13[%mul3A_344, %dma_wait3A_1381] : memref<1152x128xf32, #tpu.memory_space<vmem_shared>> -> memref<72x128xf32, #tpu.memory_space<vmem_shared>>
      tpu.wait_dma2 semaphore(%run_scoped3A : memref<!tpu.dma_semaphore, #tpu.memory_space<semaphore_mem>>) src(%arg12 : memref<72x128xf32, #tpu.memory_space<vmem>>) dst(%dma_wait3A_1382 : memref<72x128xf32, #tpu.memory_space<vmem_shared>>)
      tpu.yield
    }) : () -> ()
    %mul3A_345 = arith.constant 21 : i32
    %mul3A_346 = arith.muli %add3A, %mul3A_345 : i32
    %add3A_347 = arith.constant 0 : i32
    %add3A_348 = arith.addi %mul3A_346, %add3A_347 : i32
    %mul3A_349 = arith.constant 128 : i32
    %mul3A_350 = arith.muli %add3A_348, %mul3A_349 : i32
    %add3A_351 = arith.constant 128 : i32
    %add3A_352 = arith.addi %mul3A_350, %add3A_351 : i32
    %le3A_353 = arith.constant 83200 : i32
    %le3A_354 = arith.cmpi sle, %add3A_352, %le3A_353 : i32
    %convert_element_type3A_355 = arith.extui %le3A_354 : i1 to i32
    %cond3A_356 = arith.constant 0 : i32
    %cond3A_357 = arith.cmpi ne, %convert_element_type3A_355, %cond3A_356 : i32
    scf.if %cond3A_357 {
      %mul3A_1377 = arith.constant 21 : i32
      %mul3A_1378 = arith.muli %add3A, %mul3A_1377 : i32
      %add3A_1379 = arith.constant 0 : i32
      %add3A_1380 = arith.addi %mul3A_1378, %add3A_1379 : i32
      %mul3A_1381 = arith.constant 128 : i32
      %mul3A_1382 = arith.muli %add3A_1380, %mul3A_1381 : i32
      %dma_wait3A = arith.constant 0 : i32
      %dma_wait3A_1383 = arith.constant 0 : i32
      %dma_wait3A_1384 = tpu.memref_slice %arg5[%dma_wait3A, %dma_wait3A_1383] : memref<21x128xi32, #tpu.memory_space<vmem>> -> memref<1x128xi32, #tpu.memory_space<vmem>>
      %dma_wait3A_1385 = tpu.memref_squeeze %dma_wait3A_1384 : memref<1x128xi32, #tpu.memory_space<vmem>> -> memref<128xi32, #tpu.memory_space<vmem>>
      %dma_wait3A_1386 = tpu.memref_slice %arg3[%mul3A_1382] : memref<100000xi32, #tpu.memory_space<hbm>> -> memref<128xi32, #tpu.memory_space<hbm>>
      %dma_wait3A_1387 = arith.constant 0 : i32
      %dma_wait3A_1388 = tpu.memref_slice %arg5[%dma_wait3A, %dma_wait3A_1387] : memref<21x128xi32, #tpu.memory_space<vmem>> -> memref<1x128xi32, #tpu.memory_space<vmem>>
      %dma_wait3A_1389 = tpu.memref_squeeze %dma_wait3A_1388 : memref<1x128xi32, #tpu.memory_space<vmem>> -> memref<128xi32, #tpu.memory_space<vmem>>
      %dma_wait3A_1390 = tpu.memref_slice %arg3[%mul3A_1382] : memref<100000xi32, #tpu.memory_space<hbm>> -> memref<128xi32, #tpu.memory_space<hbm>>
      tpu.wait_dma2 semaphore(%arg26 : memref<!tpu.dma_semaphore, #tpu.memory_space<semaphore_mem>>) src(%dma_wait3A_1390 : memref<128xi32, #tpu.memory_space<hbm>>) dst(%dma_wait3A_1389 : memref<128xi32, #tpu.memory_space<vmem>>)
    } else {
    }
    %mul3A_358 = arith.constant 21 : i32
    %mul3A_359 = arith.muli %add3A, %mul3A_358 : i32
    %add3A_360 = arith.constant 1 : i32
    %add3A_361 = arith.addi %mul3A_359, %add3A_360 : i32
    %mul3A_362 = arith.constant 128 : i32
    %mul3A_363 = arith.muli %add3A_361, %mul3A_362 : i32
    %add3A_364 = arith.constant 128 : i32
    %add3A_365 = arith.addi %mul3A_363, %add3A_364 : i32
    %le3A_366 = arith.constant 83200 : i32
    %le3A_367 = arith.cmpi sle, %add3A_365, %le3A_366 : i32
    %convert_element_type3A_368 = arith.extui %le3A_367 : i1 to i32
    %cond3A_369 = arith.constant 0 : i32
    %cond3A_370 = arith.cmpi ne, %convert_element_type3A_368, %cond3A_369 : i32
    scf.if %cond3A_370 {
      %mul3A_1377 = arith.constant 21 : i32
      %mul3A_1378 = arith.muli %add3A, %mul3A_1377 : i32
      %add3A_1379 = arith.constant 1 : i32
      %add3A_1380 = arith.addi %mul3A_1378, %add3A_1379 : i32
      %mul3A_1381 = arith.constant 128 : i32
      %mul3A_1382 = arith.muli %add3A_1380, %mul3A_1381 : i32
      %dma_wait3A = arith.constant 1 : i32
      %dma_wait3A_1383 = arith.constant 0 : i32
      %dma_wait3A_1384 = tpu.memref_slice %arg5[%dma_wait3A, %dma_wait3A_1383] : memref<21x128xi32, #tpu.memory_space<vmem>> -> memref<1x128xi32, #tpu.memory_space<vmem>>
      %dma_wait3A_1385 = tpu.memref_squeeze %dma_wait3A_1384 : memref<1x128xi32, #tpu.memory_space<vmem>> -> memref<128xi32, #tpu.memory_space<vmem>>
      %dma_wait3A_1386 = tpu.memref_slice %arg3[%mul3A_1382] : memref<100000xi32, #tpu.memory_space<hbm>> -> memref<128xi32, #tpu.memory_space<hbm>>
      %dma_wait3A_1387 = arith.constant 0 : i32
      %dma_wait3A_1388 = tpu.memref_slice %arg5[%dma_wait3A, %dma_wait3A_1387] : memref<21x128xi32, #tpu.memory_space<vmem>> -> memref<1x128xi32, #tpu.memory_space<vmem>>
      %dma_wait3A_1389 = tpu.memref_squeeze %dma_wait3A_1388 : memref<1x128xi32, #tpu.memory_space<vmem>> -> memref<128xi32, #tpu.memory_space<vmem>>
      %dma_wait3A_1390 = tpu.memref_slice %arg3[%mul3A_1382] : memref<100000xi32, #tpu.memory_space<hbm>> -> memref<128xi32, #tpu.memory_space<hbm>>
      tpu.wait_dma2 semaphore(%arg26 : memref<!tpu.dma_semaphore, #tpu.memory_space<semaphore_mem>>) src(%dma_wait3A_1390 : memref<128xi32, #tpu.memory_space<hbm>>) dst(%dma_wait3A_1389 : memref<128xi32, #tpu.memory_space<vmem>>)
    } else {
    }
    %mul3A_371 = arith.constant 21 : i32
    %mul3A_372 = arith.muli %add3A, %mul3A_371 : i32
    %add3A_373 = arith.constant 2 : i32
    %add3A_374 = arith.addi %mul3A_372, %add3A_373 : i32
    %mul3A_375 = arith.constant 128 : i32
    %mul3A_376 = arith.muli %add3A_374, %mul3A_375 : i32
    %add3A_377 = arith.constant 128 : i32
    %add3A_378 = arith.addi %mul3A_376, %add3A_377 : i32
    %le3A_379 = arith.constant 83200 : i32
    %le3A_380 = arith.cmpi sle, %add3A_378, %le3A_379 : i32
    %convert_element_type3A_381 = arith.extui %le3A_380 : i1 to i32
    %cond3A_382 = arith.constant 0 : i32
    %cond3A_383 = arith.cmpi ne, %convert_element_type3A_381, %cond3A_382 : i32
    scf.if %cond3A_383 {
      %mul3A_1377 = arith.constant 21 : i32
      %mul3A_1378 = arith.muli %add3A, %mul3A_1377 : i32
      %add3A_1379 = arith.constant 2 : i32
      %add3A_1380 = arith.addi %mul3A_1378, %add3A_1379 : i32
      %mul3A_1381 = arith.constant 128 : i32
      %mul3A_1382 = arith.muli %add3A_1380, %mul3A_1381 : i32
      %dma_wait3A = arith.constant 2 : i32
      %dma_wait3A_1383 = arith.constant 0 : i32
      %dma_wait3A_1384 = tpu.memref_slice %arg5[%dma_wait3A, %dma_wait3A_1383] : memref<21x128xi32, #tpu.memory_space<vmem>> -> memref<1x128xi32, #tpu.memory_space<vmem>>
      %dma_wait3A_1385 = tpu.memref_squeeze %dma_wait3A_1384 : memref<1x128xi32, #tpu.memory_space<vmem>> -> memref<128xi32, #tpu.memory_space<vmem>>
      %dma_wait3A_1386 = tpu.memref_slice %arg3[%mul3A_1382] : memref<100000xi32, #tpu.memory_space<hbm>> -> memref<128xi32, #tpu.memory_space<hbm>>
      %dma_wait3A_1387 = arith.constant 0 : i32
      %dma_wait3A_1388 = tpu.memref_slice %arg5[%dma_wait3A, %dma_wait3A_1387] : memref<21x128xi32, #tpu.memory_space<vmem>> -> memref<1x128xi32, #tpu.memory_space<vmem>>
      %dma_wait3A_1389 = tpu.memref_squeeze %dma_wait3A_1388 : memref<1x128xi32, #tpu.memory_space<vmem>> -> memref<128xi32, #tpu.memory_space<vmem>>
      %dma_wait3A_1390 = tpu.memref_slice %arg3[%mul3A_1382] : memref<100000xi32, #tpu.memory_space<hbm>> -> memref<128xi32, #tpu.memory_space<hbm>>
      tpu.wait_dma2 semaphore(%arg26 : memref<!tpu.dma_semaphore, #tpu.memory_space<semaphore_mem>>) src(%dma_wait3A_1390 : memref<128xi32, #tpu.memory_space<hbm>>) dst(%dma_wait3A_1389 : memref<128xi32, #tpu.memory_space<vmem>>)
    } else {
    }
    %mul3A_384 = arith.constant 21 : i32
    %mul3A_385 = arith.muli %add3A, %mul3A_384 : i32
    %add3A_386 = arith.constant 3 : i32
    %add3A_387 = arith.addi %mul3A_385, %add3A_386 : i32
    %mul3A_388 = arith.constant 128 : i32
    %mul3A_389 = arith.muli %add3A_387, %mul3A_388 : i32
    %add3A_390 = arith.constant 128 : i32
    %add3A_391 = arith.addi %mul3A_389, %add3A_390 : i32
    %le3A_392 = arith.constant 83200 : i32
    %le3A_393 = arith.cmpi sle, %add3A_391, %le3A_392 : i32
    %convert_element_type3A_394 = arith.extui %le3A_393 : i1 to i32
    %cond3A_395 = arith.constant 0 : i32
    %cond3A_396 = arith.cmpi ne, %convert_element_type3A_394, %cond3A_395 : i32
    scf.if %cond3A_396 {
      %mul3A_1377 = arith.constant 21 : i32
      %mul3A_1378 = arith.muli %add3A, %mul3A_1377 : i32
      %add3A_1379 = arith.constant 3 : i32
      %add3A_1380 = arith.addi %mul3A_1378, %add3A_1379 : i32
      %mul3A_1381 = arith.constant 128 : i32
      %mul3A_1382 = arith.muli %add3A_1380, %mul3A_1381 : i32
      %dma_wait3A = arith.constant 3 : i32
      %dma_wait3A_1383 = arith.constant 0 : i32
      %dma_wait3A_1384 = tpu.memref_slice %arg5[%dma_wait3A, %dma_wait3A_1383] : memref<21x128xi32, #tpu.memory_space<vmem>> -> memref<1x128xi32, #tpu.memory_space<vmem>>
      %dma_wait3A_1385 = tpu.memref_squeeze %dma_wait3A_1384 : memref<1x128xi32, #tpu.memory_space<vmem>> -> memref<128xi32, #tpu.memory_space<vmem>>
      %dma_wait3A_1386 = tpu.memref_slice %arg3[%mul3A_1382] : memref<100000xi32, #tpu.memory_space<hbm>> -> memref<128xi32, #tpu.memory_space<hbm>>
      %dma_wait3A_1387 = arith.constant 0 : i32
      %dma_wait3A_1388 = tpu.memref_slice %arg5[%dma_wait3A, %dma_wait3A_1387] : memref<21x128xi32, #tpu.memory_space<vmem>> -> memref<1x128xi32, #tpu.memory_space<vmem>>
      %dma_wait3A_1389 = tpu.memref_squeeze %dma_wait3A_1388 : memref<1x128xi32, #tpu.memory_space<vmem>> -> memref<128xi32, #tpu.memory_space<vmem>>
      %dma_wait3A_1390 = tpu.memref_slice %arg3[%mul3A_1382] : memref<100000xi32, #tpu.memory_space<hbm>> -> memref<128xi32, #tpu.memory_space<hbm>>
      tpu.wait_dma2 semaphore(%arg26 : memref<!tpu.dma_semaphore, #tpu.memory_space<semaphore_mem>>) src(%dma_wait3A_1390 : memref<128xi32, #tpu.memory_space<hbm>>) dst(%dma_wait3A_1389 : memref<128xi32, #tpu.memory_space<vmem>>)
    } else {
    }
    %mul3A_397 = arith.constant 21 : i32
    %mul3A_398 = arith.muli %add3A, %mul3A_397 : i32
    %add3A_399 = arith.constant 4 : i32
    %add3A_400 = arith.addi %mul3A_398, %add3A_399 : i32
    %mul3A_401 = arith.constant 128 : i32
    %mul3A_402 = arith.muli %add3A_400, %mul3A_401 : i32
    %add3A_403 = arith.constant 128 : i32
    %add3A_404 = arith.addi %mul3A_402, %add3A_403 : i32
    %le3A_405 = arith.constant 83200 : i32
    %le3A_406 = arith.cmpi sle, %add3A_404, %le3A_405 : i32
    %convert_element_type3A_407 = arith.extui %le3A_406 : i1 to i32
    %cond3A_408 = arith.constant 0 : i32
    %cond3A_409 = arith.cmpi ne, %convert_element_type3A_407, %cond3A_408 : i32
    scf.if %cond3A_409 {
      %mul3A_1377 = arith.constant 21 : i32
      %mul3A_1378 = arith.muli %add3A, %mul3A_1377 : i32
      %add3A_1379 = arith.constant 4 : i32
      %add3A_1380 = arith.addi %mul3A_1378, %add3A_1379 : i32
      %mul3A_1381 = arith.constant 128 : i32
      %mul3A_1382 = arith.muli %add3A_1380, %mul3A_1381 : i32
      %dma_wait3A = arith.constant 4 : i32
      %dma_wait3A_1383 = arith.constant 0 : i32
      %dma_wait3A_1384 = tpu.memref_slice %arg5[%dma_wait3A, %dma_wait3A_1383] : memref<21x128xi32, #tpu.memory_space<vmem>> -> memref<1x128xi32, #tpu.memory_space<vmem>>
      %dma_wait3A_1385 = tpu.memref_squeeze %dma_wait3A_1384 : memref<1x128xi32, #tpu.memory_space<vmem>> -> memref<128xi32, #tpu.memory_space<vmem>>
      %dma_wait3A_1386 = tpu.memref_slice %arg3[%mul3A_1382] : memref<100000xi32, #tpu.memory_space<hbm>> -> memref<128xi32, #tpu.memory_space<hbm>>
      %dma_wait3A_1387 = arith.constant 0 : i32
      %dma_wait3A_1388 = tpu.memref_slice %arg5[%dma_wait3A, %dma_wait3A_1387] : memref<21x128xi32, #tpu.memory_space<vmem>> -> memref<1x128xi32, #tpu.memory_space<vmem>>
      %dma_wait3A_1389 = tpu.memref_squeeze %dma_wait3A_1388 : memref<1x128xi32, #tpu.memory_space<vmem>> -> memref<128xi32, #tpu.memory_space<vmem>>
      %dma_wait3A_1390 = tpu.memref_slice %arg3[%mul3A_1382] : memref<100000xi32, #tpu.memory_space<hbm>> -> memref<128xi32, #tpu.memory_space<hbm>>
      tpu.wait_dma2 semaphore(%arg26 : memref<!tpu.dma_semaphore, #tpu.memory_space<semaphore_mem>>) src(%dma_wait3A_1390 : memref<128xi32, #tpu.memory_space<hbm>>) dst(%dma_wait3A_1389 : memref<128xi32, #tpu.memory_space<vmem>>)
    } else {
    }
    %mul3A_410 = arith.constant 21 : i32
    %mul3A_411 = arith.muli %add3A, %mul3A_410 : i32
    %add3A_412 = arith.constant 5 : i32
    %add3A_413 = arith.addi %mul3A_411, %add3A_412 : i32
    %mul3A_414 = arith.constant 128 : i32
    %mul3A_415 = arith.muli %add3A_413, %mul3A_414 : i32
    %add3A_416 = arith.constant 128 : i32
    %add3A_417 = arith.addi %mul3A_415, %add3A_416 : i32
    %le3A_418 = arith.constant 83200 : i32
    %le3A_419 = arith.cmpi sle, %add3A_417, %le3A_418 : i32
    %convert_element_type3A_420 = arith.extui %le3A_419 : i1 to i32
    %cond3A_421 = arith.constant 0 : i32
    %cond3A_422 = arith.cmpi ne, %convert_element_type3A_420, %cond3A_421 : i32
    scf.if %cond3A_422 {
      %mul3A_1377 = arith.constant 21 : i32
      %mul3A_1378 = arith.muli %add3A, %mul3A_1377 : i32
      %add3A_1379 = arith.constant 5 : i32
      %add3A_1380 = arith.addi %mul3A_1378, %add3A_1379 : i32
      %mul3A_1381 = arith.constant 128 : i32
      %mul3A_1382 = arith.muli %add3A_1380, %mul3A_1381 : i32
      %dma_wait3A = arith.constant 5 : i32
      %dma_wait3A_1383 = arith.constant 0 : i32
      %dma_wait3A_1384 = tpu.memref_slice %arg5[%dma_wait3A, %dma_wait3A_1383] : memref<21x128xi32, #tpu.memory_space<vmem>> -> memref<1x128xi32, #tpu.memory_space<vmem>>
      %dma_wait3A_1385 = tpu.memref_squeeze %dma_wait3A_1384 : memref<1x128xi32, #tpu.memory_space<vmem>> -> memref<128xi32, #tpu.memory_space<vmem>>
      %dma_wait3A_1386 = tpu.memref_slice %arg3[%mul3A_1382] : memref<100000xi32, #tpu.memory_space<hbm>> -> memref<128xi32, #tpu.memory_space<hbm>>
      %dma_wait3A_1387 = arith.constant 0 : i32
      %dma_wait3A_1388 = tpu.memref_slice %arg5[%dma_wait3A, %dma_wait3A_1387] : memref<21x128xi32, #tpu.memory_space<vmem>> -> memref<1x128xi32, #tpu.memory_space<vmem>>
      %dma_wait3A_1389 = tpu.memref_squeeze %dma_wait3A_1388 : memref<1x128xi32, #tpu.memory_space<vmem>> -> memref<128xi32, #tpu.memory_space<vmem>>
      %dma_wait3A_1390 = tpu.memref_slice %arg3[%mul3A_1382] : memref<100000xi32, #tpu.memory_space<hbm>> -> memref<128xi32, #tpu.memory_space<hbm>>
      tpu.wait_dma2 semaphore(%arg26 : memref<!tpu.dma_semaphore, #tpu.memory_space<semaphore_mem>>) src(%dma_wait3A_1390 : memref<128xi32, #tpu.memory_space<hbm>>) dst(%dma_wait3A_1389 : memref<128xi32, #tpu.memory_space<vmem>>)
    } else {
    }
    %mul3A_423 = arith.constant 21 : i32
    %mul3A_424 = arith.muli %add3A, %mul3A_423 : i32
    %add3A_425 = arith.constant 6 : i32
    %add3A_426 = arith.addi %mul3A_424, %add3A_425 : i32
    %mul3A_427 = arith.constant 128 : i32
    %mul3A_428 = arith.muli %add3A_426, %mul3A_427 : i32
    %add3A_429 = arith.constant 128 : i32
    %add3A_430 = arith.addi %mul3A_428, %add3A_429 : i32
    %le3A_431 = arith.constant 83200 : i32
    %le3A_432 = arith.cmpi sle, %add3A_430, %le3A_431 : i32
    %convert_element_type3A_433 = arith.extui %le3A_432 : i1 to i32
    %cond3A_434 = arith.constant 0 : i32
    %cond3A_435 = arith.cmpi ne, %convert_element_type3A_433, %cond3A_434 : i32
    scf.if %cond3A_435 {
      %mul3A_1377 = arith.constant 21 : i32
      %mul3A_1378 = arith.muli %add3A, %mul3A_1377 : i32
      %add3A_1379 = arith.constant 6 : i32
      %add3A_1380 = arith.addi %mul3A_1378, %add3A_1379 : i32
      %mul3A_1381 = arith.constant 128 : i32
      %mul3A_1382 = arith.muli %add3A_1380, %mul3A_1381 : i32
      %dma_wait3A = arith.constant 6 : i32
      %dma_wait3A_1383 = arith.constant 0 : i32
      %dma_wait3A_1384 = tpu.memref_slice %arg5[%dma_wait3A, %dma_wait3A_1383] : memref<21x128xi32, #tpu.memory_space<vmem>> -> memref<1x128xi32, #tpu.memory_space<vmem>>
      %dma_wait3A_1385 = tpu.memref_squeeze %dma_wait3A_1384 : memref<1x128xi32, #tpu.memory_space<vmem>> -> memref<128xi32, #tpu.memory_space<vmem>>
      %dma_wait3A_1386 = tpu.memref_slice %arg3[%mul3A_1382] : memref<100000xi32, #tpu.memory_space<hbm>> -> memref<128xi32, #tpu.memory_space<hbm>>
      %dma_wait3A_1387 = arith.constant 0 : i32
      %dma_wait3A_1388 = tpu.memref_slice %arg5[%dma_wait3A, %dma_wait3A_1387] : memref<21x128xi32, #tpu.memory_space<vmem>> -> memref<1x128xi32, #tpu.memory_space<vmem>>
      %dma_wait3A_1389 = tpu.memref_squeeze %dma_wait3A_1388 : memref<1x128xi32, #tpu.memory_space<vmem>> -> memref<128xi32, #tpu.memory_space<vmem>>
      %dma_wait3A_1390 = tpu.memref_slice %arg3[%mul3A_1382] : memref<100000xi32, #tpu.memory_space<hbm>> -> memref<128xi32, #tpu.memory_space<hbm>>
      tpu.wait_dma2 semaphore(%arg26 : memref<!tpu.dma_semaphore, #tpu.memory_space<semaphore_mem>>) src(%dma_wait3A_1390 : memref<128xi32, #tpu.memory_space<hbm>>) dst(%dma_wait3A_1389 : memref<128xi32, #tpu.memory_space<vmem>>)
    } else {
    }
    %mul3A_436 = arith.constant 21 : i32
    %mul3A_437 = arith.muli %add3A, %mul3A_436 : i32
    %add3A_438 = arith.constant 7 : i32
    %add3A_439 = arith.addi %mul3A_437, %add3A_438 : i32
    %mul3A_440 = arith.constant 128 : i32
    %mul3A_441 = arith.muli %add3A_439, %mul3A_440 : i32
    %add3A_442 = arith.constant 128 : i32
    %add3A_443 = arith.addi %mul3A_441, %add3A_442 : i32
    %le3A_444 = arith.constant 83200 : i32
    %le3A_445 = arith.cmpi sle, %add3A_443, %le3A_444 : i32
    %convert_element_type3A_446 = arith.extui %le3A_445 : i1 to i32
    %cond3A_447 = arith.constant 0 : i32
    %cond3A_448 = arith.cmpi ne, %convert_element_type3A_446, %cond3A_447 : i32
    scf.if %cond3A_448 {
      %mul3A_1377 = arith.constant 21 : i32
      %mul3A_1378 = arith.muli %add3A, %mul3A_1377 : i32
      %add3A_1379 = arith.constant 7 : i32
      %add3A_1380 = arith.addi %mul3A_1378, %add3A_1379 : i32
      %mul3A_1381 = arith.constant 128 : i32
      %mul3A_1382 = arith.muli %add3A_1380, %mul3A_1381 : i32
      %dma_wait3A = arith.constant 7 : i32
      %dma_wait3A_1383 = arith.constant 0 : i32
      %dma_wait3A_1384 = tpu.memref_slice %arg5[%dma_wait3A, %dma_wait3A_1383] : memref<21x128xi32, #tpu.memory_space<vmem>> -> memref<1x128xi32, #tpu.memory_space<vmem>>
      %dma_wait3A_1385 = tpu.memref_squeeze %dma_wait3A_1384 : memref<1x128xi32, #tpu.memory_space<vmem>> -> memref<128xi32, #tpu.memory_space<vmem>>
      %dma_wait3A_1386 = tpu.memref_slice %arg3[%mul3A_1382] : memref<100000xi32, #tpu.memory_space<hbm>> -> memref<128xi32, #tpu.memory_space<hbm>>
      %dma_wait3A_1387 = arith.constant 0 : i32
      %dma_wait3A_1388 = tpu.memref_slice %arg5[%dma_wait3A, %dma_wait3A_1387] : memref<21x128xi32, #tpu.memory_space<vmem>> -> memref<1x128xi32, #tpu.memory_space<vmem>>
      %dma_wait3A_1389 = tpu.memref_squeeze %dma_wait3A_1388 : memref<1x128xi32, #tpu.memory_space<vmem>> -> memref<128xi32, #tpu.memory_space<vmem>>
      %dma_wait3A_1390 = tpu.memref_slice %arg3[%mul3A_1382] : memref<100000xi32, #tpu.memory_space<hbm>> -> memref<128xi32, #tpu.memory_space<hbm>>
      tpu.wait_dma2 semaphore(%arg26 : memref<!tpu.dma_semaphore, #tpu.memory_space<semaphore_mem>>) src(%dma_wait3A_1390 : memref<128xi32, #tpu.memory_space<hbm>>) dst(%dma_wait3A_1389 : memref<128xi32, #tpu.memory_space<vmem>>)
    } else {
    }
    %mul3A_449 = arith.constant 21 : i32
    %mul3A_450 = arith.muli %add3A, %mul3A_449 : i32
    %add3A_451 = arith.constant 8 : i32
    %add3A_452 = arith.addi %mul3A_450, %add3A_451 : i32
    %mul3A_453 = arith.constant 128 : i32
    %mul3A_454 = arith.muli %add3A_452, %mul3A_453 : i32
    %add3A_455 = arith.constant 128 : i32
    %add3A_456 = arith.addi %mul3A_454, %add3A_455 : i32
    %le3A_457 = arith.constant 83200 : i32
    %le3A_458 = arith.cmpi sle, %add3A_456, %le3A_457 : i32
    %convert_element_type3A_459 = arith.extui %le3A_458 : i1 to i32
    %cond3A_460 = arith.constant 0 : i32
    %cond3A_461 = arith.cmpi ne, %convert_element_type3A_459, %cond3A_460 : i32
    scf.if %cond3A_461 {
      %mul3A_1377 = arith.constant 21 : i32
      %mul3A_1378 = arith.muli %add3A, %mul3A_1377 : i32
      %add3A_1379 = arith.constant 8 : i32
      %add3A_1380 = arith.addi %mul3A_1378, %add3A_1379 : i32
      %mul3A_1381 = arith.constant 128 : i32
      %mul3A_1382 = arith.muli %add3A_1380, %mul3A_1381 : i32
      %dma_wait3A = arith.constant 8 : i32
      %dma_wait3A_1383 = arith.constant 0 : i32
      %dma_wait3A_1384 = tpu.memref_slice %arg5[%dma_wait3A, %dma_wait3A_1383] : memref<21x128xi32, #tpu.memory_space<vmem>> -> memref<1x128xi32, #tpu.memory_space<vmem>>
      %dma_wait3A_1385 = tpu.memref_squeeze %dma_wait3A_1384 : memref<1x128xi32, #tpu.memory_space<vmem>> -> memref<128xi32, #tpu.memory_space<vmem>>
      %dma_wait3A_1386 = tpu.memref_slice %arg3[%mul3A_1382] : memref<100000xi32, #tpu.memory_space<hbm>> -> memref<128xi32, #tpu.memory_space<hbm>>
      %dma_wait3A_1387 = arith.constant 0 : i32
      %dma_wait3A_1388 = tpu.memref_slice %arg5[%dma_wait3A, %dma_wait3A_1387] : memref<21x128xi32, #tpu.memory_space<vmem>> -> memref<1x128xi32, #tpu.memory_space<vmem>>
      %dma_wait3A_1389 = tpu.memref_squeeze %dma_wait3A_1388 : memref<1x128xi32, #tpu.memory_space<vmem>> -> memref<128xi32, #tpu.memory_space<vmem>>
      %dma_wait3A_1390 = tpu.memref_slice %arg3[%mul3A_1382] : memref<100000xi32, #tpu.memory_space<hbm>> -> memref<128xi32, #tpu.memory_space<hbm>>
      tpu.wait_dma2 semaphore(%arg26 : memref<!tpu.dma_semaphore, #tpu.memory_space<semaphore_mem>>) src(%dma_wait3A_1390 : memref<128xi32, #tpu.memory_space<hbm>>) dst(%dma_wait3A_1389 : memref<128xi32, #tpu.memory_space<vmem>>)
    } else {
    }
    %mul3A_462 = arith.constant 21 : i32
    %mul3A_463 = arith.muli %add3A, %mul3A_462 : i32
    %add3A_464 = arith.constant 9 : i32
    %add3A_465 = arith.addi %mul3A_463, %add3A_464 : i32
    %mul3A_466 = arith.constant 128 : i32
    %mul3A_467 = arith.muli %add3A_465, %mul3A_466 : i32
    %add3A_468 = arith.constant 128 : i32
    %add3A_469 = arith.addi %mul3A_467, %add3A_468 : i32
    %le3A_470 = arith.constant 83200 : i32
    %le3A_471 = arith.cmpi sle, %add3A_469, %le3A_470 : i32
    %convert_element_type3A_472 = arith.extui %le3A_471 : i1 to i32
    %cond3A_473 = arith.constant 0 : i32
    %cond3A_474 = arith.cmpi ne, %convert_element_type3A_472, %cond3A_473 : i32
    scf.if %cond3A_474 {
      %mul3A_1377 = arith.constant 21 : i32
      %mul3A_1378 = arith.muli %add3A, %mul3A_1377 : i32
      %add3A_1379 = arith.constant 9 : i32
      %add3A_1380 = arith.addi %mul3A_1378, %add3A_1379 : i32
      %mul3A_1381 = arith.constant 128 : i32
      %mul3A_1382 = arith.muli %add3A_1380, %mul3A_1381 : i32
      %dma_wait3A = arith.constant 9 : i32
      %dma_wait3A_1383 = arith.constant 0 : i32
      %dma_wait3A_1384 = tpu.memref_slice %arg5[%dma_wait3A, %dma_wait3A_1383] : memref<21x128xi32, #tpu.memory_space<vmem>> -> memref<1x128xi32, #tpu.memory_space<vmem>>
      %dma_wait3A_1385 = tpu.memref_squeeze %dma_wait3A_1384 : memref<1x128xi32, #tpu.memory_space<vmem>> -> memref<128xi32, #tpu.memory_space<vmem>>
      %dma_wait3A_1386 = tpu.memref_slice %arg3[%mul3A_1382] : memref<100000xi32, #tpu.memory_space<hbm>> -> memref<128xi32, #tpu.memory_space<hbm>>
      %dma_wait3A_1387 = arith.constant 0 : i32
      %dma_wait3A_1388 = tpu.memref_slice %arg5[%dma_wait3A, %dma_wait3A_1387] : memref<21x128xi32, #tpu.memory_space<vmem>> -> memref<1x128xi32, #tpu.memory_space<vmem>>
      %dma_wait3A_1389 = tpu.memref_squeeze %dma_wait3A_1388 : memref<1x128xi32, #tpu.memory_space<vmem>> -> memref<128xi32, #tpu.memory_space<vmem>>
      %dma_wait3A_1390 = tpu.memref_slice %arg3[%mul3A_1382] : memref<100000xi32, #tpu.memory_space<hbm>> -> memref<128xi32, #tpu.memory_space<hbm>>
      tpu.wait_dma2 semaphore(%arg26 : memref<!tpu.dma_semaphore, #tpu.memory_space<semaphore_mem>>) src(%dma_wait3A_1390 : memref<128xi32, #tpu.memory_space<hbm>>) dst(%dma_wait3A_1389 : memref<128xi32, #tpu.memory_space<vmem>>)
    } else {
    }
    %mul3A_475 = arith.constant 21 : i32
    %mul3A_476 = arith.muli %add3A, %mul3A_475 : i32
    %add3A_477 = arith.constant 10 : i32
    %add3A_478 = arith.addi %mul3A_476, %add3A_477 : i32
    %mul3A_479 = arith.constant 128 : i32
    %mul3A_480 = arith.muli %add3A_478, %mul3A_479 : i32
    %add3A_481 = arith.constant 128 : i32
    %add3A_482 = arith.addi %mul3A_480, %add3A_481 : i32
    %le3A_483 = arith.constant 83200 : i32
    %le3A_484 = arith.cmpi sle, %add3A_482, %le3A_483 : i32
    %convert_element_type3A_485 = arith.extui %le3A_484 : i1 to i32
    %cond3A_486 = arith.constant 0 : i32
    %cond3A_487 = arith.cmpi ne, %convert_element_type3A_485, %cond3A_486 : i32
    scf.if %cond3A_487 {
      %mul3A_1377 = arith.constant 21 : i32
      %mul3A_1378 = arith.muli %add3A, %mul3A_1377 : i32
      %add3A_1379 = arith.constant 10 : i32
      %add3A_1380 = arith.addi %mul3A_1378, %add3A_1379 : i32
      %mul3A_1381 = arith.constant 128 : i32
      %mul3A_1382 = arith.muli %add3A_1380, %mul3A_1381 : i32
      %dma_wait3A = arith.constant 10 : i32
      %dma_wait3A_1383 = arith.constant 0 : i32
      %dma_wait3A_1384 = tpu.memref_slice %arg5[%dma_wait3A, %dma_wait3A_1383] : memref<21x128xi32, #tpu.memory_space<vmem>> -> memref<1x128xi32, #tpu.memory_space<vmem>>
      %dma_wait3A_1385 = tpu.memref_squeeze %dma_wait3A_1384 : memref<1x128xi32, #tpu.memory_space<vmem>> -> memref<128xi32, #tpu.memory_space<vmem>>
      %dma_wait3A_1386 = tpu.memref_slice %arg3[%mul3A_1382] : memref<100000xi32, #tpu.memory_space<hbm>> -> memref<128xi32, #tpu.memory_space<hbm>>
      %dma_wait3A_1387 = arith.constant 0 : i32
      %dma_wait3A_1388 = tpu.memref_slice %arg5[%dma_wait3A, %dma_wait3A_1387] : memref<21x128xi32, #tpu.memory_space<vmem>> -> memref<1x128xi32, #tpu.memory_space<vmem>>
      %dma_wait3A_1389 = tpu.memref_squeeze %dma_wait3A_1388 : memref<1x128xi32, #tpu.memory_space<vmem>> -> memref<128xi32, #tpu.memory_space<vmem>>
      %dma_wait3A_1390 = tpu.memref_slice %arg3[%mul3A_1382] : memref<100000xi32, #tpu.memory_space<hbm>> -> memref<128xi32, #tpu.memory_space<hbm>>
      tpu.wait_dma2 semaphore(%arg26 : memref<!tpu.dma_semaphore, #tpu.memory_space<semaphore_mem>>) src(%dma_wait3A_1390 : memref<128xi32, #tpu.memory_space<hbm>>) dst(%dma_wait3A_1389 : memref<128xi32, #tpu.memory_space<vmem>>)
    } else {
    }
    %mul3A_488 = arith.constant 21 : i32
    %mul3A_489 = arith.muli %add3A, %mul3A_488 : i32
    %add3A_490 = arith.constant 11 : i32
    %add3A_491 = arith.addi %mul3A_489, %add3A_490 : i32
    %mul3A_492 = arith.constant 128 : i32
    %mul3A_493 = arith.muli %add3A_491, %mul3A_492 : i32
    %add3A_494 = arith.constant 128 : i32
    %add3A_495 = arith.addi %mul3A_493, %add3A_494 : i32
    %le3A_496 = arith.constant 83200 : i32
    %le3A_497 = arith.cmpi sle, %add3A_495, %le3A_496 : i32
    %convert_element_type3A_498 = arith.extui %le3A_497 : i1 to i32
    %cond3A_499 = arith.constant 0 : i32
    %cond3A_500 = arith.cmpi ne, %convert_element_type3A_498, %cond3A_499 : i32
    scf.if %cond3A_500 {
      %mul3A_1377 = arith.constant 21 : i32
      %mul3A_1378 = arith.muli %add3A, %mul3A_1377 : i32
      %add3A_1379 = arith.constant 11 : i32
      %add3A_1380 = arith.addi %mul3A_1378, %add3A_1379 : i32
      %mul3A_1381 = arith.constant 128 : i32
      %mul3A_1382 = arith.muli %add3A_1380, %mul3A_1381 : i32
      %dma_wait3A = arith.constant 11 : i32
      %dma_wait3A_1383 = arith.constant 0 : i32
      %dma_wait3A_1384 = tpu.memref_slice %arg5[%dma_wait3A, %dma_wait3A_1383] : memref<21x128xi32, #tpu.memory_space<vmem>> -> memref<1x128xi32, #tpu.memory_space<vmem>>
      %dma_wait3A_1385 = tpu.memref_squeeze %dma_wait3A_1384 : memref<1x128xi32, #tpu.memory_space<vmem>> -> memref<128xi32, #tpu.memory_space<vmem>>
      %dma_wait3A_1386 = tpu.memref_slice %arg3[%mul3A_1382] : memref<100000xi32, #tpu.memory_space<hbm>> -> memref<128xi32, #tpu.memory_space<hbm>>
      %dma_wait3A_1387 = arith.constant 0 : i32
      %dma_wait3A_1388 = tpu.memref_slice %arg5[%dma_wait3A, %dma_wait3A_1387] : memref<21x128xi32, #tpu.memory_space<vmem>> -> memref<1x128xi32, #tpu.memory_space<vmem>>
      %dma_wait3A_1389 = tpu.memref_squeeze %dma_wait3A_1388 : memref<1x128xi32, #tpu.memory_space<vmem>> -> memref<128xi32, #tpu.memory_space<vmem>>
      %dma_wait3A_1390 = tpu.memref_slice %arg3[%mul3A_1382] : memref<100000xi32, #tpu.memory_space<hbm>> -> memref<128xi32, #tpu.memory_space<hbm>>
      tpu.wait_dma2 semaphore(%arg26 : memref<!tpu.dma_semaphore, #tpu.memory_space<semaphore_mem>>) src(%dma_wait3A_1390 : memref<128xi32, #tpu.memory_space<hbm>>) dst(%dma_wait3A_1389 : memref<128xi32, #tpu.memory_space<vmem>>)
    } else {
    }
    %mul3A_501 = arith.constant 21 : i32
    %mul3A_502 = arith.muli %add3A, %mul3A_501 : i32
    %add3A_503 = arith.constant 12 : i32
    %add3A_504 = arith.addi %mul3A_502, %add3A_503 : i32
    %mul3A_505 = arith.constant 128 : i32
    %mul3A_506 = arith.muli %add3A_504, %mul3A_505 : i32
    %add3A_507 = arith.constant 128 : i32
    %add3A_508 = arith.addi %mul3A_506, %add3A_507 : i32
    %le3A_509 = arith.constant 83200 : i32
    %le3A_510 = arith.cmpi sle, %add3A_508, %le3A_509 : i32
    %convert_element_type3A_511 = arith.extui %le3A_510 : i1 to i32
    %cond3A_512 = arith.constant 0 : i32
    %cond3A_513 = arith.cmpi ne, %convert_element_type3A_511, %cond3A_512 : i32
    scf.if %cond3A_513 {
      %mul3A_1377 = arith.constant 21 : i32
      %mul3A_1378 = arith.muli %add3A, %mul3A_1377 : i32
      %add3A_1379 = arith.constant 12 : i32
      %add3A_1380 = arith.addi %mul3A_1378, %add3A_1379 : i32
      %mul3A_1381 = arith.constant 128 : i32
      %mul3A_1382 = arith.muli %add3A_1380, %mul3A_1381 : i32
      %dma_wait3A = arith.constant 12 : i32
      %dma_wait3A_1383 = arith.constant 0 : i32
      %dma_wait3A_1384 = tpu.memref_slice %arg5[%dma_wait3A, %dma_wait3A_1383] : memref<21x128xi32, #tpu.memory_space<vmem>> -> memref<1x128xi32, #tpu.memory_space<vmem>>
      %dma_wait3A_1385 = tpu.memref_squeeze %dma_wait3A_1384 : memref<1x128xi32, #tpu.memory_space<vmem>> -> memref<128xi32, #tpu.memory_space<vmem>>
      %dma_wait3A_1386 = tpu.memref_slice %arg3[%mul3A_1382] : memref<100000xi32, #tpu.memory_space<hbm>> -> memref<128xi32, #tpu.memory_space<hbm>>
      %dma_wait3A_1387 = arith.constant 0 : i32
      %dma_wait3A_1388 = tpu.memref_slice %arg5[%dma_wait3A, %dma_wait3A_1387] : memref<21x128xi32, #tpu.memory_space<vmem>> -> memref<1x128xi32, #tpu.memory_space<vmem>>
      %dma_wait3A_1389 = tpu.memref_squeeze %dma_wait3A_1388 : memref<1x128xi32, #tpu.memory_space<vmem>> -> memref<128xi32, #tpu.memory_space<vmem>>
      %dma_wait3A_1390 = tpu.memref_slice %arg3[%mul3A_1382] : memref<100000xi32, #tpu.memory_space<hbm>> -> memref<128xi32, #tpu.memory_space<hbm>>
      tpu.wait_dma2 semaphore(%arg26 : memref<!tpu.dma_semaphore, #tpu.memory_space<semaphore_mem>>) src(%dma_wait3A_1390 : memref<128xi32, #tpu.memory_space<hbm>>) dst(%dma_wait3A_1389 : memref<128xi32, #tpu.memory_space<vmem>>)
    } else {
    }
    %mul3A_514 = arith.constant 21 : i32
    %mul3A_515 = arith.muli %add3A, %mul3A_514 : i32
    %add3A_516 = arith.constant 13 : i32
    %add3A_517 = arith.addi %mul3A_515, %add3A_516 : i32
    %mul3A_518 = arith.constant 128 : i32
    %mul3A_519 = arith.muli %add3A_517, %mul3A_518 : i32
    %add3A_520 = arith.constant 128 : i32
    %add3A_521 = arith.addi %mul3A_519, %add3A_520 : i32
    %le3A_522 = arith.constant 83200 : i32
    %le3A_523 = arith.cmpi sle, %add3A_521, %le3A_522 : i32
    %convert_element_type3A_524 = arith.extui %le3A_523 : i1 to i32
    %cond3A_525 = arith.constant 0 : i32
    %cond3A_526 = arith.cmpi ne, %convert_element_type3A_524, %cond3A_525 : i32
    scf.if %cond3A_526 {
      %mul3A_1377 = arith.constant 21 : i32
      %mul3A_1378 = arith.muli %add3A, %mul3A_1377 : i32
      %add3A_1379 = arith.constant 13 : i32
      %add3A_1380 = arith.addi %mul3A_1378, %add3A_1379 : i32
      %mul3A_1381 = arith.constant 128 : i32
      %mul3A_1382 = arith.muli %add3A_1380, %mul3A_1381 : i32
      %dma_wait3A = arith.constant 13 : i32
      %dma_wait3A_1383 = arith.constant 0 : i32
      %dma_wait3A_1384 = tpu.memref_slice %arg5[%dma_wait3A, %dma_wait3A_1383] : memref<21x128xi32, #tpu.memory_space<vmem>> -> memref<1x128xi32, #tpu.memory_space<vmem>>
      %dma_wait3A_1385 = tpu.memref_squeeze %dma_wait3A_1384 : memref<1x128xi32, #tpu.memory_space<vmem>> -> memref<128xi32, #tpu.memory_space<vmem>>
      %dma_wait3A_1386 = tpu.memref_slice %arg3[%mul3A_1382] : memref<100000xi32, #tpu.memory_space<hbm>> -> memref<128xi32, #tpu.memory_space<hbm>>
      %dma_wait3A_1387 = arith.constant 0 : i32
      %dma_wait3A_1388 = tpu.memref_slice %arg5[%dma_wait3A, %dma_wait3A_1387] : memref<21x128xi32, #tpu.memory_space<vmem>> -> memref<1x128xi32, #tpu.memory_space<vmem>>
      %dma_wait3A_1389 = tpu.memref_squeeze %dma_wait3A_1388 : memref<1x128xi32, #tpu.memory_space<vmem>> -> memref<128xi32, #tpu.memory_space<vmem>>
      %dma_wait3A_1390 = tpu.memref_slice %arg3[%mul3A_1382] : memref<100000xi32, #tpu.memory_space<hbm>> -> memref<128xi32, #tpu.memory_space<hbm>>
      tpu.wait_dma2 semaphore(%arg26 : memref<!tpu.dma_semaphore, #tpu.memory_space<semaphore_mem>>) src(%dma_wait3A_1390 : memref<128xi32, #tpu.memory_space<hbm>>) dst(%dma_wait3A_1389 : memref<128xi32, #tpu.memory_space<vmem>>)
    } else {
    }
    %mul3A_527 = arith.constant 21 : i32
    %mul3A_528 = arith.muli %add3A, %mul3A_527 : i32
    %add3A_529 = arith.constant 14 : i32
    %add3A_530 = arith.addi %mul3A_528, %add3A_529 : i32
    %mul3A_531 = arith.constant 128 : i32
    %mul3A_532 = arith.muli %add3A_530, %mul3A_531 : i32
    %add3A_533 = arith.constant 128 : i32
    %add3A_534 = arith.addi %mul3A_532, %add3A_533 : i32
    %le3A_535 = arith.constant 83200 : i32
    %le3A_536 = arith.cmpi sle, %add3A_534, %le3A_535 : i32
    %convert_element_type3A_537 = arith.extui %le3A_536 : i1 to i32
    %cond3A_538 = arith.constant 0 : i32
    %cond3A_539 = arith.cmpi ne, %convert_element_type3A_537, %cond3A_538 : i32
    scf.if %cond3A_539 {
      %mul3A_1377 = arith.constant 21 : i32
      %mul3A_1378 = arith.muli %add3A, %mul3A_1377 : i32
      %add3A_1379 = arith.constant 14 : i32
      %add3A_1380 = arith.addi %mul3A_1378, %add3A_1379 : i32
      %mul3A_1381 = arith.constant 128 : i32
      %mul3A_1382 = arith.muli %add3A_1380, %mul3A_1381 : i32
      %dma_wait3A = arith.constant 14 : i32
      %dma_wait3A_1383 = arith.constant 0 : i32
      %dma_wait3A_1384 = tpu.memref_slice %arg5[%dma_wait3A, %dma_wait3A_1383] : memref<21x128xi32, #tpu.memory_space<vmem>> -> memref<1x128xi32, #tpu.memory_space<vmem>>
      %dma_wait3A_1385 = tpu.memref_squeeze %dma_wait3A_1384 : memref<1x128xi32, #tpu.memory_space<vmem>> -> memref<128xi32, #tpu.memory_space<vmem>>
      %dma_wait3A_1386 = tpu.memref_slice %arg3[%mul3A_1382] : memref<100000xi32, #tpu.memory_space<hbm>> -> memref<128xi32, #tpu.memory_space<hbm>>
      %dma_wait3A_1387 = arith.constant 0 : i32
      %dma_wait3A_1388 = tpu.memref_slice %arg5[%dma_wait3A, %dma_wait3A_1387] : memref<21x128xi32, #tpu.memory_space<vmem>> -> memref<1x128xi32, #tpu.memory_space<vmem>>
      %dma_wait3A_1389 = tpu.memref_squeeze %dma_wait3A_1388 : memref<1x128xi32, #tpu.memory_space<vmem>> -> memref<128xi32, #tpu.memory_space<vmem>>
      %dma_wait3A_1390 = tpu.memref_slice %arg3[%mul3A_1382] : memref<100000xi32, #tpu.memory_space<hbm>> -> memref<128xi32, #tpu.memory_space<hbm>>
      tpu.wait_dma2 semaphore(%arg26 : memref<!tpu.dma_semaphore, #tpu.memory_space<semaphore_mem>>) src(%dma_wait3A_1390 : memref<128xi32, #tpu.memory_space<hbm>>) dst(%dma_wait3A_1389 : memref<128xi32, #tpu.memory_space<vmem>>)
    } else {
    }
    %mul3A_540 = arith.constant 21 : i32
    %mul3A_541 = arith.muli %add3A, %mul3A_540 : i32
    %add3A_542 = arith.constant 15 : i32
    %add3A_543 = arith.addi %mul3A_541, %add3A_542 : i32
    %mul3A_544 = arith.constant 128 : i32
    %mul3A_545 = arith.muli %add3A_543, %mul3A_544 : i32
    %add3A_546 = arith.constant 128 : i32
    %add3A_547 = arith.addi %mul3A_545, %add3A_546 : i32
    %le3A_548 = arith.constant 83200 : i32
    %le3A_549 = arith.cmpi sle, %add3A_547, %le3A_548 : i32
    %convert_element_type3A_550 = arith.extui %le3A_549 : i1 to i32
    %cond3A_551 = arith.constant 0 : i32
    %cond3A_552 = arith.cmpi ne, %convert_element_type3A_550, %cond3A_551 : i32
    scf.if %cond3A_552 {
      %mul3A_1377 = arith.constant 21 : i32
      %mul3A_1378 = arith.muli %add3A, %mul3A_1377 : i32
      %add3A_1379 = arith.constant 15 : i32
      %add3A_1380 = arith.addi %mul3A_1378, %add3A_1379 : i32
      %mul3A_1381 = arith.constant 128 : i32
      %mul3A_1382 = arith.muli %add3A_1380, %mul3A_1381 : i32
      %dma_wait3A = arith.constant 15 : i32
      %dma_wait3A_1383 = arith.constant 0 : i32
      %dma_wait3A_1384 = tpu.memref_slice %arg5[%dma_wait3A, %dma_wait3A_1383] : memref<21x128xi32, #tpu.memory_space<vmem>> -> memref<1x128xi32, #tpu.memory_space<vmem>>
      %dma_wait3A_1385 = tpu.memref_squeeze %dma_wait3A_1384 : memref<1x128xi32, #tpu.memory_space<vmem>> -> memref<128xi32, #tpu.memory_space<vmem>>
      %dma_wait3A_1386 = tpu.memref_slice %arg3[%mul3A_1382] : memref<100000xi32, #tpu.memory_space<hbm>> -> memref<128xi32, #tpu.memory_space<hbm>>
      %dma_wait3A_1387 = arith.constant 0 : i32
      %dma_wait3A_1388 = tpu.memref_slice %arg5[%dma_wait3A, %dma_wait3A_1387] : memref<21x128xi32, #tpu.memory_space<vmem>> -> memref<1x128xi32, #tpu.memory_space<vmem>>
      %dma_wait3A_1389 = tpu.memref_squeeze %dma_wait3A_1388 : memref<1x128xi32, #tpu.memory_space<vmem>> -> memref<128xi32, #tpu.memory_space<vmem>>
      %dma_wait3A_1390 = tpu.memref_slice %arg3[%mul3A_1382] : memref<100000xi32, #tpu.memory_space<hbm>> -> memref<128xi32, #tpu.memory_space<hbm>>
      tpu.wait_dma2 semaphore(%arg26 : memref<!tpu.dma_semaphore, #tpu.memory_space<semaphore_mem>>) src(%dma_wait3A_1390 : memref<128xi32, #tpu.memory_space<hbm>>) dst(%dma_wait3A_1389 : memref<128xi32, #tpu.memory_space<vmem>>)
    } else {
    }
    %mul3A_553 = arith.constant 21 : i32
    %mul3A_554 = arith.muli %add3A, %mul3A_553 : i32
    %add3A_555 = arith.constant 16 : i32
    %add3A_556 = arith.addi %mul3A_554, %add3A_555 : i32
    %mul3A_557 = arith.constant 128 : i32
    %mul3A_558 = arith.muli %add3A_556, %mul3A_557 : i32
    %add3A_559 = arith.constant 128 : i32
    %add3A_560 = arith.addi %mul3A_558, %add3A_559 : i32
    %le3A_561 = arith.constant 83200 : i32
    %le3A_562 = arith.cmpi sle, %add3A_560, %le3A_561 : i32
    %convert_element_type3A_563 = arith.extui %le3A_562 : i1 to i32
    %cond3A_564 = arith.constant 0 : i32
    %cond3A_565 = arith.cmpi ne, %convert_element_type3A_563, %cond3A_564 : i32
    scf.if %cond3A_565 {
      %mul3A_1377 = arith.constant 21 : i32
      %mul3A_1378 = arith.muli %add3A, %mul3A_1377 : i32
      %add3A_1379 = arith.constant 16 : i32
      %add3A_1380 = arith.addi %mul3A_1378, %add3A_1379 : i32
      %mul3A_1381 = arith.constant 128 : i32
      %mul3A_1382 = arith.muli %add3A_1380, %mul3A_1381 : i32
      %dma_wait3A = arith.constant 16 : i32
      %dma_wait3A_1383 = arith.constant 0 : i32
      %dma_wait3A_1384 = tpu.memref_slice %arg5[%dma_wait3A, %dma_wait3A_1383] : memref<21x128xi32, #tpu.memory_space<vmem>> -> memref<1x128xi32, #tpu.memory_space<vmem>>
      %dma_wait3A_1385 = tpu.memref_squeeze %dma_wait3A_1384 : memref<1x128xi32, #tpu.memory_space<vmem>> -> memref<128xi32, #tpu.memory_space<vmem>>
      %dma_wait3A_1386 = tpu.memref_slice %arg3[%mul3A_1382] : memref<100000xi32, #tpu.memory_space<hbm>> -> memref<128xi32, #tpu.memory_space<hbm>>
      %dma_wait3A_1387 = arith.constant 0 : i32
      %dma_wait3A_1388 = tpu.memref_slice %arg5[%dma_wait3A, %dma_wait3A_1387] : memref<21x128xi32, #tpu.memory_space<vmem>> -> memref<1x128xi32, #tpu.memory_space<vmem>>
      %dma_wait3A_1389 = tpu.memref_squeeze %dma_wait3A_1388 : memref<1x128xi32, #tpu.memory_space<vmem>> -> memref<128xi32, #tpu.memory_space<vmem>>
      %dma_wait3A_1390 = tpu.memref_slice %arg3[%mul3A_1382] : memref<100000xi32, #tpu.memory_space<hbm>> -> memref<128xi32, #tpu.memory_space<hbm>>
      tpu.wait_dma2 semaphore(%arg26 : memref<!tpu.dma_semaphore, #tpu.memory_space<semaphore_mem>>) src(%dma_wait3A_1390 : memref<128xi32, #tpu.memory_space<hbm>>) dst(%dma_wait3A_1389 : memref<128xi32, #tpu.memory_space<vmem>>)
    } else {
    }
    %mul3A_566 = arith.constant 21 : i32
    %mul3A_567 = arith.muli %add3A, %mul3A_566 : i32
    %add3A_568 = arith.constant 17 : i32
    %add3A_569 = arith.addi %mul3A_567, %add3A_568 : i32
    %mul3A_570 = arith.constant 128 : i32
    %mul3A_571 = arith.muli %add3A_569, %mul3A_570 : i32
    %add3A_572 = arith.constant 128 : i32
    %add3A_573 = arith.addi %mul3A_571, %add3A_572 : i32
    %le3A_574 = arith.constant 83200 : i32
    %le3A_575 = arith.cmpi sle, %add3A_573, %le3A_574 : i32
    %convert_element_type3A_576 = arith.extui %le3A_575 : i1 to i32
    %cond3A_577 = arith.constant 0 : i32
    %cond3A_578 = arith.cmpi ne, %convert_element_type3A_576, %cond3A_577 : i32
    scf.if %cond3A_578 {
      %mul3A_1377 = arith.constant 21 : i32
      %mul3A_1378 = arith.muli %add3A, %mul3A_1377 : i32
      %add3A_1379 = arith.constant 17 : i32
      %add3A_1380 = arith.addi %mul3A_1378, %add3A_1379 : i32
      %mul3A_1381 = arith.constant 128 : i32
      %mul3A_1382 = arith.muli %add3A_1380, %mul3A_1381 : i32
      %dma_wait3A = arith.constant 17 : i32
      %dma_wait3A_1383 = arith.constant 0 : i32
      %dma_wait3A_1384 = tpu.memref_slice %arg5[%dma_wait3A, %dma_wait3A_1383] : memref<21x128xi32, #tpu.memory_space<vmem>> -> memref<1x128xi32, #tpu.memory_space<vmem>>
      %dma_wait3A_1385 = tpu.memref_squeeze %dma_wait3A_1384 : memref<1x128xi32, #tpu.memory_space<vmem>> -> memref<128xi32, #tpu.memory_space<vmem>>
      %dma_wait3A_1386 = tpu.memref_slice %arg3[%mul3A_1382] : memref<100000xi32, #tpu.memory_space<hbm>> -> memref<128xi32, #tpu.memory_space<hbm>>
      %dma_wait3A_1387 = arith.constant 0 : i32
      %dma_wait3A_1388 = tpu.memref_slice %arg5[%dma_wait3A, %dma_wait3A_1387] : memref<21x128xi32, #tpu.memory_space<vmem>> -> memref<1x128xi32, #tpu.memory_space<vmem>>
      %dma_wait3A_1389 = tpu.memref_squeeze %dma_wait3A_1388 : memref<1x128xi32, #tpu.memory_space<vmem>> -> memref<128xi32, #tpu.memory_space<vmem>>
      %dma_wait3A_1390 = tpu.memref_slice %arg3[%mul3A_1382] : memref<100000xi32, #tpu.memory_space<hbm>> -> memref<128xi32, #tpu.memory_space<hbm>>
      tpu.wait_dma2 semaphore(%arg26 : memref<!tpu.dma_semaphore, #tpu.memory_space<semaphore_mem>>) src(%dma_wait3A_1390 : memref<128xi32, #tpu.memory_space<hbm>>) dst(%dma_wait3A_1389 : memref<128xi32, #tpu.memory_space<vmem>>)
    } else {
    }
    %mul3A_579 = arith.constant 21 : i32
    %mul3A_580 = arith.muli %add3A, %mul3A_579 : i32
    %add3A_581 = arith.constant 18 : i32
    %add3A_582 = arith.addi %mul3A_580, %add3A_581 : i32
    %mul3A_583 = arith.constant 128 : i32
    %mul3A_584 = arith.muli %add3A_582, %mul3A_583 : i32
    %add3A_585 = arith.constant 128 : i32
    %add3A_586 = arith.addi %mul3A_584, %add3A_585 : i32
    %le3A_587 = arith.constant 83200 : i32
    %le3A_588 = arith.cmpi sle, %add3A_586, %le3A_587 : i32
    %convert_element_type3A_589 = arith.extui %le3A_588 : i1 to i32
    %cond3A_590 = arith.constant 0 : i32
    %cond3A_591 = arith.cmpi ne, %convert_element_type3A_589, %cond3A_590 : i32
    scf.if %cond3A_591 {
      %mul3A_1377 = arith.constant 21 : i32
      %mul3A_1378 = arith.muli %add3A, %mul3A_1377 : i32
      %add3A_1379 = arith.constant 18 : i32
      %add3A_1380 = arith.addi %mul3A_1378, %add3A_1379 : i32
      %mul3A_1381 = arith.constant 128 : i32
      %mul3A_1382 = arith.muli %add3A_1380, %mul3A_1381 : i32
      %dma_wait3A = arith.constant 18 : i32
      %dma_wait3A_1383 = arith.constant 0 : i32
      %dma_wait3A_1384 = tpu.memref_slice %arg5[%dma_wait3A, %dma_wait3A_1383] : memref<21x128xi32, #tpu.memory_space<vmem>> -> memref<1x128xi32, #tpu.memory_space<vmem>>
      %dma_wait3A_1385 = tpu.memref_squeeze %dma_wait3A_1384 : memref<1x128xi32, #tpu.memory_space<vmem>> -> memref<128xi32, #tpu.memory_space<vmem>>
      %dma_wait3A_1386 = tpu.memref_slice %arg3[%mul3A_1382] : memref<100000xi32, #tpu.memory_space<hbm>> -> memref<128xi32, #tpu.memory_space<hbm>>
      %dma_wait3A_1387 = arith.constant 0 : i32
      %dma_wait3A_1388 = tpu.memref_slice %arg5[%dma_wait3A, %dma_wait3A_1387] : memref<21x128xi32, #tpu.memory_space<vmem>> -> memref<1x128xi32, #tpu.memory_space<vmem>>
      %dma_wait3A_1389 = tpu.memref_squeeze %dma_wait3A_1388 : memref<1x128xi32, #tpu.memory_space<vmem>> -> memref<128xi32, #tpu.memory_space<vmem>>
      %dma_wait3A_1390 = tpu.memref_slice %arg3[%mul3A_1382] : memref<100000xi32, #tpu.memory_space<hbm>> -> memref<128xi32, #tpu.memory_space<hbm>>
      tpu.wait_dma2 semaphore(%arg26 : memref<!tpu.dma_semaphore, #tpu.memory_space<semaphore_mem>>) src(%dma_wait3A_1390 : memref<128xi32, #tpu.memory_space<hbm>>) dst(%dma_wait3A_1389 : memref<128xi32, #tpu.memory_space<vmem>>)
    } else {
    }
    %mul3A_592 = arith.constant 21 : i32
    %mul3A_593 = arith.muli %add3A, %mul3A_592 : i32
    %add3A_594 = arith.constant 19 : i32
    %add3A_595 = arith.addi %mul3A_593, %add3A_594 : i32
    %mul3A_596 = arith.constant 128 : i32
    %mul3A_597 = arith.muli %add3A_595, %mul3A_596 : i32
    %add3A_598 = arith.constant 128 : i32
    %add3A_599 = arith.addi %mul3A_597, %add3A_598 : i32
    %le3A_600 = arith.constant 83200 : i32
    %le3A_601 = arith.cmpi sle, %add3A_599, %le3A_600 : i32
    %convert_element_type3A_602 = arith.extui %le3A_601 : i1 to i32
    %cond3A_603 = arith.constant 0 : i32
    %cond3A_604 = arith.cmpi ne, %convert_element_type3A_602, %cond3A_603 : i32
    scf.if %cond3A_604 {
      %mul3A_1377 = arith.constant 21 : i32
      %mul3A_1378 = arith.muli %add3A, %mul3A_1377 : i32
      %add3A_1379 = arith.constant 19 : i32
      %add3A_1380 = arith.addi %mul3A_1378, %add3A_1379 : i32
      %mul3A_1381 = arith.constant 128 : i32
      %mul3A_1382 = arith.muli %add3A_1380, %mul3A_1381 : i32
      %dma_wait3A = arith.constant 19 : i32
      %dma_wait3A_1383 = arith.constant 0 : i32
      %dma_wait3A_1384 = tpu.memref_slice %arg5[%dma_wait3A, %dma_wait3A_1383] : memref<21x128xi32, #tpu.memory_space<vmem>> -> memref<1x128xi32, #tpu.memory_space<vmem>>
      %dma_wait3A_1385 = tpu.memref_squeeze %dma_wait3A_1384 : memref<1x128xi32, #tpu.memory_space<vmem>> -> memref<128xi32, #tpu.memory_space<vmem>>
      %dma_wait3A_1386 = tpu.memref_slice %arg3[%mul3A_1382] : memref<100000xi32, #tpu.memory_space<hbm>> -> memref<128xi32, #tpu.memory_space<hbm>>
      %dma_wait3A_1387 = arith.constant 0 : i32
      %dma_wait3A_1388 = tpu.memref_slice %arg5[%dma_wait3A, %dma_wait3A_1387] : memref<21x128xi32, #tpu.memory_space<vmem>> -> memref<1x128xi32, #tpu.memory_space<vmem>>
      %dma_wait3A_1389 = tpu.memref_squeeze %dma_wait3A_1388 : memref<1x128xi32, #tpu.memory_space<vmem>> -> memref<128xi32, #tpu.memory_space<vmem>>
      %dma_wait3A_1390 = tpu.memref_slice %arg3[%mul3A_1382] : memref<100000xi32, #tpu.memory_space<hbm>> -> memref<128xi32, #tpu.memory_space<hbm>>
      tpu.wait_dma2 semaphore(%arg26 : memref<!tpu.dma_semaphore, #tpu.memory_space<semaphore_mem>>) src(%dma_wait3A_1390 : memref<128xi32, #tpu.memory_space<hbm>>) dst(%dma_wait3A_1389 : memref<128xi32, #tpu.memory_space<vmem>>)
    } else {
    }
    %mul3A_605 = arith.constant 21 : i32
    %mul3A_606 = arith.muli %add3A, %mul3A_605 : i32
    %add3A_607 = arith.constant 20 : i32
    %add3A_608 = arith.addi %mul3A_606, %add3A_607 : i32
    %mul3A_609 = arith.constant 128 : i32
    %mul3A_610 = arith.muli %add3A_608, %mul3A_609 : i32
    %add3A_611 = arith.constant 128 : i32
    %add3A_612 = arith.addi %mul3A_610, %add3A_611 : i32
    %le3A_613 = arith.constant 83200 : i32
    %le3A_614 = arith.cmpi sle, %add3A_612, %le3A_613 : i32
    %convert_element_type3A_615 = arith.extui %le3A_614 : i1 to i32
    %cond3A_616 = arith.constant 0 : i32
    %cond3A_617 = arith.cmpi ne, %convert_element_type3A_615, %cond3A_616 : i32
    scf.if %cond3A_617 {
      %mul3A_1377 = arith.constant 21 : i32
      %mul3A_1378 = arith.muli %add3A, %mul3A_1377 : i32
      %add3A_1379 = arith.constant 20 : i32
      %add3A_1380 = arith.addi %mul3A_1378, %add3A_1379 : i32
      %mul3A_1381 = arith.constant 128 : i32
      %mul3A_1382 = arith.muli %add3A_1380, %mul3A_1381 : i32
      %dma_wait3A = arith.constant 20 : i32
      %dma_wait3A_1383 = arith.constant 0 : i32
      %dma_wait3A_1384 = tpu.memref_slice %arg5[%dma_wait3A, %dma_wait3A_1383] : memref<21x128xi32, #tpu.memory_space<vmem>> -> memref<1x128xi32, #tpu.memory_space<vmem>>
      %dma_wait3A_1385 = tpu.memref_squeeze %dma_wait3A_1384 : memref<1x128xi32, #tpu.memory_space<vmem>> -> memref<128xi32, #tpu.memory_space<vmem>>
      %dma_wait3A_1386 = tpu.memref_slice %arg3[%mul3A_1382] : memref<100000xi32, #tpu.memory_space<hbm>> -> memref<128xi32, #tpu.memory_space<hbm>>
      %dma_wait3A_1387 = arith.constant 0 : i32
      %dma_wait3A_1388 = tpu.memref_slice %arg5[%dma_wait3A, %dma_wait3A_1387] : memref<21x128xi32, #tpu.memory_space<vmem>> -> memref<1x128xi32, #tpu.memory_space<vmem>>
      %dma_wait3A_1389 = tpu.memref_squeeze %dma_wait3A_1388 : memref<1x128xi32, #tpu.memory_space<vmem>> -> memref<128xi32, #tpu.memory_space<vmem>>
      %dma_wait3A_1390 = tpu.memref_slice %arg3[%mul3A_1382] : memref<100000xi32, #tpu.memory_space<hbm>> -> memref<128xi32, #tpu.memory_space<hbm>>
      tpu.wait_dma2 semaphore(%arg26 : memref<!tpu.dma_semaphore, #tpu.memory_space<semaphore_mem>>) src(%dma_wait3A_1390 : memref<128xi32, #tpu.memory_space<hbm>>) dst(%dma_wait3A_1389 : memref<128xi32, #tpu.memory_space<vmem>>)
    } else {
    }
    %barrier3A = arith.constant 0 : index
    tpu.barrier barrier_id(%barrier3A)
    %mul3A_618 = arith.constant 21 : i32
    %mul3A_619 = arith.muli %add3A, %mul3A_618 : i32
    %add3A_620 = arith.constant 0 : i32
    %add3A_621 = arith.addi %mul3A_619, %add3A_620 : i32
    %mul3A_622 = arith.constant 128 : i32
    %mul3A_623 = arith.muli %add3A_621, %mul3A_622 : i32
    %add3A_624 = arith.constant 128 : i32
    %add3A_625 = arith.addi %mul3A_623, %add3A_624 : i32
    %le3A_626 = arith.constant 83200 : i32
    %le3A_627 = arith.cmpi sle, %add3A_625, %le3A_626 : i32
    %convert_element_type3A_628 = arith.extui %le3A_627 : i1 to i32
    %cond3A_629 = arith.constant 0 : i32
    %cond3A_630 = arith.cmpi ne, %convert_element_type3A_628, %cond3A_629 : i32
    scf.if %cond3A_630 {
      %mul3A_1377 = arith.constant 21 : i32
      %mul3A_1378 = arith.muli %add3A, %mul3A_1377 : i32
      %add3A_1379 = arith.constant 0 : i32
      %add3A_1380 = arith.addi %mul3A_1378, %add3A_1379 : i32
      %mul3A_1381 = arith.constant 128 : i32
      %mul3A_1382 = arith.muli %add3A_1380, %mul3A_1381 : i32
      %dma_wait3A = arith.constant 0 : i32
      %dma_wait3A_1383 = tpu.memref_slice %arg2[%mul3A_1382, %dma_wait3A] : memref<100000x128xf32, #tpu.memory_space<hbm>> -> memref<128x128xf32, #tpu.memory_space<hbm>>
      %dma_wait3A_1384 = arith.constant 0 : i32
      %dma_wait3A_1385 = tpu.memref_slice %arg2[%mul3A_1382, %dma_wait3A_1384] : memref<100000x128xf32, #tpu.memory_space<hbm>> -> memref<128x128xf32, #tpu.memory_space<hbm>>
      tpu.wait_dma2 semaphore(%arg14 : memref<!tpu.dma_semaphore, #tpu.memory_space<semaphore_mem>>) src(%dma_wait3A_1385 : memref<128x128xf32, #tpu.memory_space<hbm>>) dst(%arg6 : memref<128x128xf32, #tpu.memory_space<vmem>>)
      %dma_start3A = arith.constant 0 : i32
      %dma_start3A_1386 = arith.constant 0 : i32
      %dma_start3A_1387 = tpu.memref_slice %arg5[%dma_start3A, %dma_start3A_1386] : memref<21x128xi32, #tpu.memory_space<vmem>> -> memref<1x128xi32, #tpu.memory_space<vmem>>
      %dma_start3A_1388 = tpu.memref_squeeze %dma_start3A_1387 : memref<1x128xi32, #tpu.memory_space<vmem>> -> memref<128xi32, #tpu.memory_space<vmem>>
      %dma_start3A_1389 = arith.constant 0 : i32
      %dma_start3A_1390 = arith.constant 0 : i32
      %dma_start3A_1391 = tpu.memref_slice %arg13[%dma_start3A_1389, %dma_start3A_1390] : memref<1152x128xf32, #tpu.memory_space<vmem_shared>> -> memref<1152x128xf32, #tpu.memory_space<vmem_shared>>
      tpu.enqueue_indirect_dma source(%arg6 : memref<128x128xf32, #tpu.memory_space<vmem>>) target(%dma_start3A_1391 : memref<1152x128xf32, #tpu.memory_space<vmem_shared>>) offsets(%dma_start3A_1388 : memref<128xi32, #tpu.memory_space<vmem>>) semaphore(%arg20 : memref<!tpu.dma_semaphore, #tpu.memory_space<semaphore_mem>>) {add = true}
    } else {
    }
    %mul3A_631 = arith.constant 21 : i32
    %mul3A_632 = arith.muli %add3A, %mul3A_631 : i32
    %add3A_633 = arith.constant 5 : i32
    %add3A_634 = arith.addi %mul3A_632, %add3A_633 : i32
    %mul3A_635 = arith.constant 128 : i32
    %mul3A_636 = arith.muli %add3A_634, %mul3A_635 : i32
    %add3A_637 = arith.constant 128 : i32
    %add3A_638 = arith.addi %mul3A_636, %add3A_637 : i32
    %le3A_639 = arith.constant 83200 : i32
    %le3A_640 = arith.cmpi sle, %add3A_638, %le3A_639 : i32
    %convert_element_type3A_641 = arith.extui %le3A_640 : i1 to i32
    %cond3A_642 = arith.constant 0 : i32
    %cond3A_643 = arith.cmpi ne, %convert_element_type3A_641, %cond3A_642 : i32
    scf.if %cond3A_643 {
      %mul3A_1377 = arith.constant 21 : i32
      %mul3A_1378 = arith.muli %add3A, %mul3A_1377 : i32
      %add3A_1379 = arith.constant 5 : i32
      %add3A_1380 = arith.addi %mul3A_1378, %add3A_1379 : i32
      %mul3A_1381 = arith.constant 128 : i32
      %mul3A_1382 = arith.muli %add3A_1380, %mul3A_1381 : i32
      %dma_start3A = arith.constant 0 : i32
      %dma_start3A_1383 = tpu.memref_slice %arg2[%mul3A_1382, %dma_start3A] : memref<100000x128xf32, #tpu.memory_space<hbm>> -> memref<128x128xf32, #tpu.memory_space<hbm>>
      %dma_start3A_1384 = arith.constant 0 : i32
      %dma_start3A_1385 = tpu.memref_slice %arg2[%mul3A_1382, %dma_start3A_1384] : memref<100000x128xf32, #tpu.memory_space<hbm>> -> memref<128x128xf32, #tpu.memory_space<hbm>>
      tpu.enqueue_dma source(%dma_start3A_1385 : memref<128x128xf32, #tpu.memory_space<hbm>>) target(%arg11 : memref<128x128xf32, #tpu.memory_space<vmem>>) target_semaphore(%arg19 : memref<!tpu.dma_semaphore, #tpu.memory_space<semaphore_mem>>)
    } else {
    }
    %mul3A_644 = arith.constant 21 : i32
    %mul3A_645 = arith.muli %add3A, %mul3A_644 : i32
    %add3A_646 = arith.constant 1 : i32
    %add3A_647 = arith.addi %mul3A_645, %add3A_646 : i32
    %mul3A_648 = arith.constant 128 : i32
    %mul3A_649 = arith.muli %add3A_647, %mul3A_648 : i32
    %add3A_650 = arith.constant 128 : i32
    %add3A_651 = arith.addi %mul3A_649, %add3A_650 : i32
    %le3A_652 = arith.constant 83200 : i32
    %le3A_653 = arith.cmpi sle, %add3A_651, %le3A_652 : i32
    %convert_element_type3A_654 = arith.extui %le3A_653 : i1 to i32
    %cond3A_655 = arith.constant 0 : i32
    %cond3A_656 = arith.cmpi ne, %convert_element_type3A_654, %cond3A_655 : i32
    scf.if %cond3A_656 {
      %mul3A_1377 = arith.constant 21 : i32
      %mul3A_1378 = arith.muli %add3A, %mul3A_1377 : i32
      %add3A_1379 = arith.constant 1 : i32
      %add3A_1380 = arith.addi %mul3A_1378, %add3A_1379 : i32
      %mul3A_1381 = arith.constant 128 : i32
      %mul3A_1382 = arith.muli %add3A_1380, %mul3A_1381 : i32
      %dma_wait3A = arith.constant 0 : i32
      %dma_wait3A_1383 = tpu.memref_slice %arg2[%mul3A_1382, %dma_wait3A] : memref<100000x128xf32, #tpu.memory_space<hbm>> -> memref<128x128xf32, #tpu.memory_space<hbm>>
      %dma_wait3A_1384 = arith.constant 0 : i32
      %dma_wait3A_1385 = tpu.memref_slice %arg2[%mul3A_1382, %dma_wait3A_1384] : memref<100000x128xf32, #tpu.memory_space<hbm>> -> memref<128x128xf32, #tpu.memory_space<hbm>>
      tpu.wait_dma2 semaphore(%arg15 : memref<!tpu.dma_semaphore, #tpu.memory_space<semaphore_mem>>) src(%dma_wait3A_1385 : memref<128x128xf32, #tpu.memory_space<hbm>>) dst(%arg7 : memref<128x128xf32, #tpu.memory_space<vmem>>)
      %dma_start3A = arith.constant 1 : i32
      %dma_start3A_1386 = arith.constant 0 : i32
      %dma_start3A_1387 = tpu.memref_slice %arg5[%dma_start3A, %dma_start3A_1386] : memref<21x128xi32, #tpu.memory_space<vmem>> -> memref<1x128xi32, #tpu.memory_space<vmem>>
      %dma_start3A_1388 = tpu.memref_squeeze %dma_start3A_1387 : memref<1x128xi32, #tpu.memory_space<vmem>> -> memref<128xi32, #tpu.memory_space<vmem>>
      %dma_start3A_1389 = arith.constant 0 : i32
      %dma_start3A_1390 = arith.constant 0 : i32
      %dma_start3A_1391 = tpu.memref_slice %arg13[%dma_start3A_1389, %dma_start3A_1390] : memref<1152x128xf32, #tpu.memory_space<vmem_shared>> -> memref<1152x128xf32, #tpu.memory_space<vmem_shared>>
      tpu.enqueue_indirect_dma source(%arg7 : memref<128x128xf32, #tpu.memory_space<vmem>>) target(%dma_start3A_1391 : memref<1152x128xf32, #tpu.memory_space<vmem_shared>>) offsets(%dma_start3A_1388 : memref<128xi32, #tpu.memory_space<vmem>>) semaphore(%arg21 : memref<!tpu.dma_semaphore, #tpu.memory_space<semaphore_mem>>) {add = true}
    } else {
    }
    %mul3A_657 = arith.constant 21 : i32
    %mul3A_658 = arith.muli %add3A, %mul3A_657 : i32
    %add3A_659 = arith.constant 0 : i32
    %add3A_660 = arith.addi %mul3A_658, %add3A_659 : i32
    %mul3A_661 = arith.constant 128 : i32
    %mul3A_662 = arith.muli %add3A_660, %mul3A_661 : i32
    %add3A_663 = arith.constant 128 : i32
    %add3A_664 = arith.addi %mul3A_662, %add3A_663 : i32
    %le3A_665 = arith.constant 83200 : i32
    %le3A_666 = arith.cmpi sle, %add3A_664, %le3A_665 : i32
    %convert_element_type3A_667 = arith.extui %le3A_666 : i1 to i32
    %cond3A_668 = arith.constant 0 : i32
    %cond3A_669 = arith.cmpi ne, %convert_element_type3A_667, %cond3A_668 : i32
    scf.if %cond3A_669 {
      %dma_wait3A = arith.constant 0 : i32
      %dma_wait3A_1377 = arith.constant 0 : i32
      %dma_wait3A_1378 = tpu.memref_slice %arg5[%dma_wait3A, %dma_wait3A_1377] : memref<21x128xi32, #tpu.memory_space<vmem>> -> memref<1x128xi32, #tpu.memory_space<vmem>>
      %dma_wait3A_1379 = tpu.memref_squeeze %dma_wait3A_1378 : memref<1x128xi32, #tpu.memory_space<vmem>> -> memref<128xi32, #tpu.memory_space<vmem>>
      %dma_wait3A_1380 = arith.constant 0 : i32
      %dma_wait3A_1381 = arith.constant 0 : i32
      %dma_wait3A_1382 = tpu.memref_slice %arg13[%dma_wait3A_1380, %dma_wait3A_1381] : memref<1152x128xf32, #tpu.memory_space<vmem_shared>> -> memref<1152x128xf32, #tpu.memory_space<vmem_shared>>
      tpu.wait_indirect_dma semaphore(%arg20 : memref<!tpu.dma_semaphore, #tpu.memory_space<semaphore_mem>>) src(%arg6 : memref<128x128xf32, #tpu.memory_space<vmem>>) dst(%dma_wait3A_1382 : memref<1152x128xf32, #tpu.memory_space<vmem_shared>>)
    } else {
    }
    %mul3A_670 = arith.constant 21 : i32
    %mul3A_671 = arith.muli %add3A, %mul3A_670 : i32
    %add3A_672 = arith.constant 6 : i32
    %add3A_673 = arith.addi %mul3A_671, %add3A_672 : i32
    %mul3A_674 = arith.constant 128 : i32
    %mul3A_675 = arith.muli %add3A_673, %mul3A_674 : i32
    %add3A_676 = arith.constant 128 : i32
    %add3A_677 = arith.addi %mul3A_675, %add3A_676 : i32
    %le3A_678 = arith.constant 83200 : i32
    %le3A_679 = arith.cmpi sle, %add3A_677, %le3A_678 : i32
    %convert_element_type3A_680 = arith.extui %le3A_679 : i1 to i32
    %cond3A_681 = arith.constant 0 : i32
    %cond3A_682 = arith.cmpi ne, %convert_element_type3A_680, %cond3A_681 : i32
    scf.if %cond3A_682 {
      %mul3A_1377 = arith.constant 21 : i32
      %mul3A_1378 = arith.muli %add3A, %mul3A_1377 : i32
      %add3A_1379 = arith.constant 6 : i32
      %add3A_1380 = arith.addi %mul3A_1378, %add3A_1379 : i32
      %mul3A_1381 = arith.constant 128 : i32
      %mul3A_1382 = arith.muli %add3A_1380, %mul3A_1381 : i32
      %dma_start3A = arith.constant 0 : i32
      %dma_start3A_1383 = tpu.memref_slice %arg2[%mul3A_1382, %dma_start3A] : memref<100000x128xf32, #tpu.memory_space<hbm>> -> memref<128x128xf32, #tpu.memory_space<hbm>>
      %dma_start3A_1384 = arith.constant 0 : i32
      %dma_start3A_1385 = tpu.memref_slice %arg2[%mul3A_1382, %dma_start3A_1384] : memref<100000x128xf32, #tpu.memory_space<hbm>> -> memref<128x128xf32, #tpu.memory_space<hbm>>
      tpu.enqueue_dma source(%dma_start3A_1385 : memref<128x128xf32, #tpu.memory_space<hbm>>) target(%arg6 : memref<128x128xf32, #tpu.memory_space<vmem>>) target_semaphore(%arg14 : memref<!tpu.dma_semaphore, #tpu.memory_space<semaphore_mem>>)
    } else {
    }
    %mul3A_683 = arith.constant 21 : i32
    %mul3A_684 = arith.muli %add3A, %mul3A_683 : i32
    %add3A_685 = arith.constant 2 : i32
    %add3A_686 = arith.addi %mul3A_684, %add3A_685 : i32
    %mul3A_687 = arith.constant 128 : i32
    %mul3A_688 = arith.muli %add3A_686, %mul3A_687 : i32
    %add3A_689 = arith.constant 128 : i32
    %add3A_690 = arith.addi %mul3A_688, %add3A_689 : i32
    %le3A_691 = arith.constant 83200 : i32
    %le3A_692 = arith.cmpi sle, %add3A_690, %le3A_691 : i32
    %convert_element_type3A_693 = arith.extui %le3A_692 : i1 to i32
    %cond3A_694 = arith.constant 0 : i32
    %cond3A_695 = arith.cmpi ne, %convert_element_type3A_693, %cond3A_694 : i32
    scf.if %cond3A_695 {
      %mul3A_1377 = arith.constant 21 : i32
      %mul3A_1378 = arith.muli %add3A, %mul3A_1377 : i32
      %add3A_1379 = arith.constant 2 : i32
      %add3A_1380 = arith.addi %mul3A_1378, %add3A_1379 : i32
      %mul3A_1381 = arith.constant 128 : i32
      %mul3A_1382 = arith.muli %add3A_1380, %mul3A_1381 : i32
      %dma_wait3A = arith.constant 0 : i32
      %dma_wait3A_1383 = tpu.memref_slice %arg2[%mul3A_1382, %dma_wait3A] : memref<100000x128xf32, #tpu.memory_space<hbm>> -> memref<128x128xf32, #tpu.memory_space<hbm>>
      %dma_wait3A_1384 = arith.constant 0 : i32
      %dma_wait3A_1385 = tpu.memref_slice %arg2[%mul3A_1382, %dma_wait3A_1384] : memref<100000x128xf32, #tpu.memory_space<hbm>> -> memref<128x128xf32, #tpu.memory_space<hbm>>
      tpu.wait_dma2 semaphore(%arg16 : memref<!tpu.dma_semaphore, #tpu.memory_space<semaphore_mem>>) src(%dma_wait3A_1385 : memref<128x128xf32, #tpu.memory_space<hbm>>) dst(%arg8 : memref<128x128xf32, #tpu.memory_space<vmem>>)
      %dma_start3A = arith.constant 2 : i32
      %dma_start3A_1386 = arith.constant 0 : i32
      %dma_start3A_1387 = tpu.memref_slice %arg5[%dma_start3A, %dma_start3A_1386] : memref<21x128xi32, #tpu.memory_space<vmem>> -> memref<1x128xi32, #tpu.memory_space<vmem>>
      %dma_start3A_1388 = tpu.memref_squeeze %dma_start3A_1387 : memref<1x128xi32, #tpu.memory_space<vmem>> -> memref<128xi32, #tpu.memory_space<vmem>>
      %dma_start3A_1389 = arith.constant 0 : i32
      %dma_start3A_1390 = arith.constant 0 : i32
      %dma_start3A_1391 = tpu.memref_slice %arg13[%dma_start3A_1389, %dma_start3A_1390] : memref<1152x128xf32, #tpu.memory_space<vmem_shared>> -> memref<1152x128xf32, #tpu.memory_space<vmem_shared>>
      tpu.enqueue_indirect_dma source(%arg8 : memref<128x128xf32, #tpu.memory_space<vmem>>) target(%dma_start3A_1391 : memref<1152x128xf32, #tpu.memory_space<vmem_shared>>) offsets(%dma_start3A_1388 : memref<128xi32, #tpu.memory_space<vmem>>) semaphore(%arg22 : memref<!tpu.dma_semaphore, #tpu.memory_space<semaphore_mem>>) {add = true}
    } else {
    }
    %mul3A_696 = arith.constant 21 : i32
    %mul3A_697 = arith.muli %add3A, %mul3A_696 : i32
    %add3A_698 = arith.constant 1 : i32
    %add3A_699 = arith.addi %mul3A_697, %add3A_698 : i32
    %mul3A_700 = arith.constant 128 : i32
    %mul3A_701 = arith.muli %add3A_699, %mul3A_700 : i32
    %add3A_702 = arith.constant 128 : i32
    %add3A_703 = arith.addi %mul3A_701, %add3A_702 : i32
    %le3A_704 = arith.constant 83200 : i32
    %le3A_705 = arith.cmpi sle, %add3A_703, %le3A_704 : i32
    %convert_element_type3A_706 = arith.extui %le3A_705 : i1 to i32
    %cond3A_707 = arith.constant 0 : i32
    %cond3A_708 = arith.cmpi ne, %convert_element_type3A_706, %cond3A_707 : i32
    scf.if %cond3A_708 {
      %dma_wait3A = arith.constant 1 : i32
      %dma_wait3A_1377 = arith.constant 0 : i32
      %dma_wait3A_1378 = tpu.memref_slice %arg5[%dma_wait3A, %dma_wait3A_1377] : memref<21x128xi32, #tpu.memory_space<vmem>> -> memref<1x128xi32, #tpu.memory_space<vmem>>
      %dma_wait3A_1379 = tpu.memref_squeeze %dma_wait3A_1378 : memref<1x128xi32, #tpu.memory_space<vmem>> -> memref<128xi32, #tpu.memory_space<vmem>>
      %dma_wait3A_1380 = arith.constant 0 : i32
      %dma_wait3A_1381 = arith.constant 0 : i32
      %dma_wait3A_1382 = tpu.memref_slice %arg13[%dma_wait3A_1380, %dma_wait3A_1381] : memref<1152x128xf32, #tpu.memory_space<vmem_shared>> -> memref<1152x128xf32, #tpu.memory_space<vmem_shared>>
      tpu.wait_indirect_dma semaphore(%arg21 : memref<!tpu.dma_semaphore, #tpu.memory_space<semaphore_mem>>) src(%arg7 : memref<128x128xf32, #tpu.memory_space<vmem>>) dst(%dma_wait3A_1382 : memref<1152x128xf32, #tpu.memory_space<vmem_shared>>)
    } else {
    }
    %mul3A_709 = arith.constant 21 : i32
    %mul3A_710 = arith.muli %add3A, %mul3A_709 : i32
    %add3A_711 = arith.constant 7 : i32
    %add3A_712 = arith.addi %mul3A_710, %add3A_711 : i32
    %mul3A_713 = arith.constant 128 : i32
    %mul3A_714 = arith.muli %add3A_712, %mul3A_713 : i32
    %add3A_715 = arith.constant 128 : i32
    %add3A_716 = arith.addi %mul3A_714, %add3A_715 : i32
    %le3A_717 = arith.constant 83200 : i32
    %le3A_718 = arith.cmpi sle, %add3A_716, %le3A_717 : i32
    %convert_element_type3A_719 = arith.extui %le3A_718 : i1 to i32
    %cond3A_720 = arith.constant 0 : i32
    %cond3A_721 = arith.cmpi ne, %convert_element_type3A_719, %cond3A_720 : i32
    scf.if %cond3A_721 {
      %mul3A_1377 = arith.constant 21 : i32
      %mul3A_1378 = arith.muli %add3A, %mul3A_1377 : i32
      %add3A_1379 = arith.constant 7 : i32
      %add3A_1380 = arith.addi %mul3A_1378, %add3A_1379 : i32
      %mul3A_1381 = arith.constant 128 : i32
      %mul3A_1382 = arith.muli %add3A_1380, %mul3A_1381 : i32
      %dma_start3A = arith.constant 0 : i32
      %dma_start3A_1383 = tpu.memref_slice %arg2[%mul3A_1382, %dma_start3A] : memref<100000x128xf32, #tpu.memory_space<hbm>> -> memref<128x128xf32, #tpu.memory_space<hbm>>
      %dma_start3A_1384 = arith.constant 0 : i32
      %dma_start3A_1385 = tpu.memref_slice %arg2[%mul3A_1382, %dma_start3A_1384] : memref<100000x128xf32, #tpu.memory_space<hbm>> -> memref<128x128xf32, #tpu.memory_space<hbm>>
      tpu.enqueue_dma source(%dma_start3A_1385 : memref<128x128xf32, #tpu.memory_space<hbm>>) target(%arg7 : memref<128x128xf32, #tpu.memory_space<vmem>>) target_semaphore(%arg15 : memref<!tpu.dma_semaphore, #tpu.memory_space<semaphore_mem>>)
    } else {
    }
    %mul3A_722 = arith.constant 21 : i32
    %mul3A_723 = arith.muli %add3A, %mul3A_722 : i32
    %add3A_724 = arith.constant 3 : i32
    %add3A_725 = arith.addi %mul3A_723, %add3A_724 : i32
    %mul3A_726 = arith.constant 128 : i32
    %mul3A_727 = arith.muli %add3A_725, %mul3A_726 : i32
    %add3A_728 = arith.constant 128 : i32
    %add3A_729 = arith.addi %mul3A_727, %add3A_728 : i32
    %le3A_730 = arith.constant 83200 : i32
    %le3A_731 = arith.cmpi sle, %add3A_729, %le3A_730 : i32
    %convert_element_type3A_732 = arith.extui %le3A_731 : i1 to i32
    %cond3A_733 = arith.constant 0 : i32
    %cond3A_734 = arith.cmpi ne, %convert_element_type3A_732, %cond3A_733 : i32
    scf.if %cond3A_734 {
      %mul3A_1377 = arith.constant 21 : i32
      %mul3A_1378 = arith.muli %add3A, %mul3A_1377 : i32
      %add3A_1379 = arith.constant 3 : i32
      %add3A_1380 = arith.addi %mul3A_1378, %add3A_1379 : i32
      %mul3A_1381 = arith.constant 128 : i32
      %mul3A_1382 = arith.muli %add3A_1380, %mul3A_1381 : i32
      %dma_wait3A = arith.constant 0 : i32
      %dma_wait3A_1383 = tpu.memref_slice %arg2[%mul3A_1382, %dma_wait3A] : memref<100000x128xf32, #tpu.memory_space<hbm>> -> memref<128x128xf32, #tpu.memory_space<hbm>>
      %dma_wait3A_1384 = arith.constant 0 : i32
      %dma_wait3A_1385 = tpu.memref_slice %arg2[%mul3A_1382, %dma_wait3A_1384] : memref<100000x128xf32, #tpu.memory_space<hbm>> -> memref<128x128xf32, #tpu.memory_space<hbm>>
      tpu.wait_dma2 semaphore(%arg17 : memref<!tpu.dma_semaphore, #tpu.memory_space<semaphore_mem>>) src(%dma_wait3A_1385 : memref<128x128xf32, #tpu.memory_space<hbm>>) dst(%arg9 : memref<128x128xf32, #tpu.memory_space<vmem>>)
      %dma_start3A = arith.constant 3 : i32
      %dma_start3A_1386 = arith.constant 0 : i32
      %dma_start3A_1387 = tpu.memref_slice %arg5[%dma_start3A, %dma_start3A_1386] : memref<21x128xi32, #tpu.memory_space<vmem>> -> memref<1x128xi32, #tpu.memory_space<vmem>>
      %dma_start3A_1388 = tpu.memref_squeeze %dma_start3A_1387 : memref<1x128xi32, #tpu.memory_space<vmem>> -> memref<128xi32, #tpu.memory_space<vmem>>
      %dma_start3A_1389 = arith.constant 0 : i32
      %dma_start3A_1390 = arith.constant 0 : i32
      %dma_start3A_1391 = tpu.memref_slice %arg13[%dma_start3A_1389, %dma_start3A_1390] : memref<1152x128xf32, #tpu.memory_space<vmem_shared>> -> memref<1152x128xf32, #tpu.memory_space<vmem_shared>>
      tpu.enqueue_indirect_dma source(%arg9 : memref<128x128xf32, #tpu.memory_space<vmem>>) target(%dma_start3A_1391 : memref<1152x128xf32, #tpu.memory_space<vmem_shared>>) offsets(%dma_start3A_1388 : memref<128xi32, #tpu.memory_space<vmem>>) semaphore(%arg23 : memref<!tpu.dma_semaphore, #tpu.memory_space<semaphore_mem>>) {add = true}
    } else {
    }
    %mul3A_735 = arith.constant 21 : i32
    %mul3A_736 = arith.muli %add3A, %mul3A_735 : i32
    %add3A_737 = arith.constant 2 : i32
    %add3A_738 = arith.addi %mul3A_736, %add3A_737 : i32
    %mul3A_739 = arith.constant 128 : i32
    %mul3A_740 = arith.muli %add3A_738, %mul3A_739 : i32
    %add3A_741 = arith.constant 128 : i32
    %add3A_742 = arith.addi %mul3A_740, %add3A_741 : i32
    %le3A_743 = arith.constant 83200 : i32
    %le3A_744 = arith.cmpi sle, %add3A_742, %le3A_743 : i32
    %convert_element_type3A_745 = arith.extui %le3A_744 : i1 to i32
    %cond3A_746 = arith.constant 0 : i32
    %cond3A_747 = arith.cmpi ne, %convert_element_type3A_745, %cond3A_746 : i32
    scf.if %cond3A_747 {
      %dma_wait3A = arith.constant 2 : i32
      %dma_wait3A_1377 = arith.constant 0 : i32
      %dma_wait3A_1378 = tpu.memref_slice %arg5[%dma_wait3A, %dma_wait3A_1377] : memref<21x128xi32, #tpu.memory_space<vmem>> -> memref<1x128xi32, #tpu.memory_space<vmem>>
      %dma_wait3A_1379 = tpu.memref_squeeze %dma_wait3A_1378 : memref<1x128xi32, #tpu.memory_space<vmem>> -> memref<128xi32, #tpu.memory_space<vmem>>
      %dma_wait3A_1380 = arith.constant 0 : i32
      %dma_wait3A_1381 = arith.constant 0 : i32
      %dma_wait3A_1382 = tpu.memref_slice %arg13[%dma_wait3A_1380, %dma_wait3A_1381] : memref<1152x128xf32, #tpu.memory_space<vmem_shared>> -> memref<1152x128xf32, #tpu.memory_space<vmem_shared>>
      tpu.wait_indirect_dma semaphore(%arg22 : memref<!tpu.dma_semaphore, #tpu.memory_space<semaphore_mem>>) src(%arg8 : memref<128x128xf32, #tpu.memory_space<vmem>>) dst(%dma_wait3A_1382 : memref<1152x128xf32, #tpu.memory_space<vmem_shared>>)
    } else {
    }
    %mul3A_748 = arith.constant 21 : i32
    %mul3A_749 = arith.muli %add3A, %mul3A_748 : i32
    %add3A_750 = arith.constant 8 : i32
    %add3A_751 = arith.addi %mul3A_749, %add3A_750 : i32
    %mul3A_752 = arith.constant 128 : i32
    %mul3A_753 = arith.muli %add3A_751, %mul3A_752 : i32
    %add3A_754 = arith.constant 128 : i32
    %add3A_755 = arith.addi %mul3A_753, %add3A_754 : i32
    %le3A_756 = arith.constant 83200 : i32
    %le3A_757 = arith.cmpi sle, %add3A_755, %le3A_756 : i32
    %convert_element_type3A_758 = arith.extui %le3A_757 : i1 to i32
    %cond3A_759 = arith.constant 0 : i32
    %cond3A_760 = arith.cmpi ne, %convert_element_type3A_758, %cond3A_759 : i32
    scf.if %cond3A_760 {
      %mul3A_1377 = arith.constant 21 : i32
      %mul3A_1378 = arith.muli %add3A, %mul3A_1377 : i32
      %add3A_1379 = arith.constant 8 : i32
      %add3A_1380 = arith.addi %mul3A_1378, %add3A_1379 : i32
      %mul3A_1381 = arith.constant 128 : i32
      %mul3A_1382 = arith.muli %add3A_1380, %mul3A_1381 : i32
      %dma_start3A = arith.constant 0 : i32
      %dma_start3A_1383 = tpu.memref_slice %arg2[%mul3A_1382, %dma_start3A] : memref<100000x128xf32, #tpu.memory_space<hbm>> -> memref<128x128xf32, #tpu.memory_space<hbm>>
      %dma_start3A_1384 = arith.constant 0 : i32
      %dma_start3A_1385 = tpu.memref_slice %arg2[%mul3A_1382, %dma_start3A_1384] : memref<100000x128xf32, #tpu.memory_space<hbm>> -> memref<128x128xf32, #tpu.memory_space<hbm>>
      tpu.enqueue_dma source(%dma_start3A_1385 : memref<128x128xf32, #tpu.memory_space<hbm>>) target(%arg8 : memref<128x128xf32, #tpu.memory_space<vmem>>) target_semaphore(%arg16 : memref<!tpu.dma_semaphore, #tpu.memory_space<semaphore_mem>>)
    } else {
    }
    %mul3A_761 = arith.constant 21 : i32
    %mul3A_762 = arith.muli %add3A, %mul3A_761 : i32
    %add3A_763 = arith.constant 4 : i32
    %add3A_764 = arith.addi %mul3A_762, %add3A_763 : i32
    %mul3A_765 = arith.constant 128 : i32
    %mul3A_766 = arith.muli %add3A_764, %mul3A_765 : i32
    %add3A_767 = arith.constant 128 : i32
    %add3A_768 = arith.addi %mul3A_766, %add3A_767 : i32
    %le3A_769 = arith.constant 83200 : i32
    %le3A_770 = arith.cmpi sle, %add3A_768, %le3A_769 : i32
    %convert_element_type3A_771 = arith.extui %le3A_770 : i1 to i32
    %cond3A_772 = arith.constant 0 : i32
    %cond3A_773 = arith.cmpi ne, %convert_element_type3A_771, %cond3A_772 : i32
    scf.if %cond3A_773 {
      %mul3A_1377 = arith.constant 21 : i32
      %mul3A_1378 = arith.muli %add3A, %mul3A_1377 : i32
      %add3A_1379 = arith.constant 4 : i32
      %add3A_1380 = arith.addi %mul3A_1378, %add3A_1379 : i32
      %mul3A_1381 = arith.constant 128 : i32
      %mul3A_1382 = arith.muli %add3A_1380, %mul3A_1381 : i32
      %dma_wait3A = arith.constant 0 : i32
      %dma_wait3A_1383 = tpu.memref_slice %arg2[%mul3A_1382, %dma_wait3A] : memref<100000x128xf32, #tpu.memory_space<hbm>> -> memref<128x128xf32, #tpu.memory_space<hbm>>
      %dma_wait3A_1384 = arith.constant 0 : i32
      %dma_wait3A_1385 = tpu.memref_slice %arg2[%mul3A_1382, %dma_wait3A_1384] : memref<100000x128xf32, #tpu.memory_space<hbm>> -> memref<128x128xf32, #tpu.memory_space<hbm>>
      tpu.wait_dma2 semaphore(%arg18 : memref<!tpu.dma_semaphore, #tpu.memory_space<semaphore_mem>>) src(%dma_wait3A_1385 : memref<128x128xf32, #tpu.memory_space<hbm>>) dst(%arg10 : memref<128x128xf32, #tpu.memory_space<vmem>>)
      %dma_start3A = arith.constant 4 : i32
      %dma_start3A_1386 = arith.constant 0 : i32
      %dma_start3A_1387 = tpu.memref_slice %arg5[%dma_start3A, %dma_start3A_1386] : memref<21x128xi32, #tpu.memory_space<vmem>> -> memref<1x128xi32, #tpu.memory_space<vmem>>
      %dma_start3A_1388 = tpu.memref_squeeze %dma_start3A_1387 : memref<1x128xi32, #tpu.memory_space<vmem>> -> memref<128xi32, #tpu.memory_space<vmem>>
      %dma_start3A_1389 = arith.constant 0 : i32
      %dma_start3A_1390 = arith.constant 0 : i32
      %dma_start3A_1391 = tpu.memref_slice %arg13[%dma_start3A_1389, %dma_start3A_1390] : memref<1152x128xf32, #tpu.memory_space<vmem_shared>> -> memref<1152x128xf32, #tpu.memory_space<vmem_shared>>
      tpu.enqueue_indirect_dma source(%arg10 : memref<128x128xf32, #tpu.memory_space<vmem>>) target(%dma_start3A_1391 : memref<1152x128xf32, #tpu.memory_space<vmem_shared>>) offsets(%dma_start3A_1388 : memref<128xi32, #tpu.memory_space<vmem>>) semaphore(%arg24 : memref<!tpu.dma_semaphore, #tpu.memory_space<semaphore_mem>>) {add = true}
    } else {
    }
    %mul3A_774 = arith.constant 21 : i32
    %mul3A_775 = arith.muli %add3A, %mul3A_774 : i32
    %add3A_776 = arith.constant 3 : i32
    %add3A_777 = arith.addi %mul3A_775, %add3A_776 : i32
    %mul3A_778 = arith.constant 128 : i32
    %mul3A_779 = arith.muli %add3A_777, %mul3A_778 : i32
    %add3A_780 = arith.constant 128 : i32
    %add3A_781 = arith.addi %mul3A_779, %add3A_780 : i32
    %le3A_782 = arith.constant 83200 : i32
    %le3A_783 = arith.cmpi sle, %add3A_781, %le3A_782 : i32
    %convert_element_type3A_784 = arith.extui %le3A_783 : i1 to i32
    %cond3A_785 = arith.constant 0 : i32
    %cond3A_786 = arith.cmpi ne, %convert_element_type3A_784, %cond3A_785 : i32
    scf.if %cond3A_786 {
      %dma_wait3A = arith.constant 3 : i32
      %dma_wait3A_1377 = arith.constant 0 : i32
      %dma_wait3A_1378 = tpu.memref_slice %arg5[%dma_wait3A, %dma_wait3A_1377] : memref<21x128xi32, #tpu.memory_space<vmem>> -> memref<1x128xi32, #tpu.memory_space<vmem>>
      %dma_wait3A_1379 = tpu.memref_squeeze %dma_wait3A_1378 : memref<1x128xi32, #tpu.memory_space<vmem>> -> memref<128xi32, #tpu.memory_space<vmem>>
      %dma_wait3A_1380 = arith.constant 0 : i32
      %dma_wait3A_1381 = arith.constant 0 : i32
      %dma_wait3A_1382 = tpu.memref_slice %arg13[%dma_wait3A_1380, %dma_wait3A_1381] : memref<1152x128xf32, #tpu.memory_space<vmem_shared>> -> memref<1152x128xf32, #tpu.memory_space<vmem_shared>>
      tpu.wait_indirect_dma semaphore(%arg23 : memref<!tpu.dma_semaphore, #tpu.memory_space<semaphore_mem>>) src(%arg9 : memref<128x128xf32, #tpu.memory_space<vmem>>) dst(%dma_wait3A_1382 : memref<1152x128xf32, #tpu.memory_space<vmem_shared>>)
    } else {
    }
    %mul3A_787 = arith.constant 21 : i32
    %mul3A_788 = arith.muli %add3A, %mul3A_787 : i32
    %add3A_789 = arith.constant 9 : i32
    %add3A_790 = arith.addi %mul3A_788, %add3A_789 : i32
    %mul3A_791 = arith.constant 128 : i32
    %mul3A_792 = arith.muli %add3A_790, %mul3A_791 : i32
    %add3A_793 = arith.constant 128 : i32
    %add3A_794 = arith.addi %mul3A_792, %add3A_793 : i32
    %le3A_795 = arith.constant 83200 : i32
    %le3A_796 = arith.cmpi sle, %add3A_794, %le3A_795 : i32
    %convert_element_type3A_797 = arith.extui %le3A_796 : i1 to i32
    %cond3A_798 = arith.constant 0 : i32
    %cond3A_799 = arith.cmpi ne, %convert_element_type3A_797, %cond3A_798 : i32
    scf.if %cond3A_799 {
      %mul3A_1377 = arith.constant 21 : i32
      %mul3A_1378 = arith.muli %add3A, %mul3A_1377 : i32
      %add3A_1379 = arith.constant 9 : i32
      %add3A_1380 = arith.addi %mul3A_1378, %add3A_1379 : i32
      %mul3A_1381 = arith.constant 128 : i32
      %mul3A_1382 = arith.muli %add3A_1380, %mul3A_1381 : i32
      %dma_start3A = arith.constant 0 : i32
      %dma_start3A_1383 = tpu.memref_slice %arg2[%mul3A_1382, %dma_start3A] : memref<100000x128xf32, #tpu.memory_space<hbm>> -> memref<128x128xf32, #tpu.memory_space<hbm>>
      %dma_start3A_1384 = arith.constant 0 : i32
      %dma_start3A_1385 = tpu.memref_slice %arg2[%mul3A_1382, %dma_start3A_1384] : memref<100000x128xf32, #tpu.memory_space<hbm>> -> memref<128x128xf32, #tpu.memory_space<hbm>>
      tpu.enqueue_dma source(%dma_start3A_1385 : memref<128x128xf32, #tpu.memory_space<hbm>>) target(%arg9 : memref<128x128xf32, #tpu.memory_space<vmem>>) target_semaphore(%arg17 : memref<!tpu.dma_semaphore, #tpu.memory_space<semaphore_mem>>)
    } else {
    }
    %mul3A_800 = arith.constant 21 : i32
    %mul3A_801 = arith.muli %add3A, %mul3A_800 : i32
    %add3A_802 = arith.constant 5 : i32
    %add3A_803 = arith.addi %mul3A_801, %add3A_802 : i32
    %mul3A_804 = arith.constant 128 : i32
    %mul3A_805 = arith.muli %add3A_803, %mul3A_804 : i32
    %add3A_806 = arith.constant 128 : i32
    %add3A_807 = arith.addi %mul3A_805, %add3A_806 : i32
    %le3A_808 = arith.constant 83200 : i32
    %le3A_809 = arith.cmpi sle, %add3A_807, %le3A_808 : i32
    %convert_element_type3A_810 = arith.extui %le3A_809 : i1 to i32
    %cond3A_811 = arith.constant 0 : i32
    %cond3A_812 = arith.cmpi ne, %convert_element_type3A_810, %cond3A_811 : i32
    scf.if %cond3A_812 {
      %mul3A_1377 = arith.constant 21 : i32
      %mul3A_1378 = arith.muli %add3A, %mul3A_1377 : i32
      %add3A_1379 = arith.constant 5 : i32
      %add3A_1380 = arith.addi %mul3A_1378, %add3A_1379 : i32
      %mul3A_1381 = arith.constant 128 : i32
      %mul3A_1382 = arith.muli %add3A_1380, %mul3A_1381 : i32
      %dma_wait3A = arith.constant 0 : i32
      %dma_wait3A_1383 = tpu.memref_slice %arg2[%mul3A_1382, %dma_wait3A] : memref<100000x128xf32, #tpu.memory_space<hbm>> -> memref<128x128xf32, #tpu.memory_space<hbm>>
      %dma_wait3A_1384 = arith.constant 0 : i32
      %dma_wait3A_1385 = tpu.memref_slice %arg2[%mul3A_1382, %dma_wait3A_1384] : memref<100000x128xf32, #tpu.memory_space<hbm>> -> memref<128x128xf32, #tpu.memory_space<hbm>>
      tpu.wait_dma2 semaphore(%arg19 : memref<!tpu.dma_semaphore, #tpu.memory_space<semaphore_mem>>) src(%dma_wait3A_1385 : memref<128x128xf32, #tpu.memory_space<hbm>>) dst(%arg11 : memref<128x128xf32, #tpu.memory_space<vmem>>)
      %dma_start3A = arith.constant 5 : i32
      %dma_start3A_1386 = arith.constant 0 : i32
      %dma_start3A_1387 = tpu.memref_slice %arg5[%dma_start3A, %dma_start3A_1386] : memref<21x128xi32, #tpu.memory_space<vmem>> -> memref<1x128xi32, #tpu.memory_space<vmem>>
      %dma_start3A_1388 = tpu.memref_squeeze %dma_start3A_1387 : memref<1x128xi32, #tpu.memory_space<vmem>> -> memref<128xi32, #tpu.memory_space<vmem>>
      %dma_start3A_1389 = arith.constant 0 : i32
      %dma_start3A_1390 = arith.constant 0 : i32
      %dma_start3A_1391 = tpu.memref_slice %arg13[%dma_start3A_1389, %dma_start3A_1390] : memref<1152x128xf32, #tpu.memory_space<vmem_shared>> -> memref<1152x128xf32, #tpu.memory_space<vmem_shared>>
      tpu.enqueue_indirect_dma source(%arg11 : memref<128x128xf32, #tpu.memory_space<vmem>>) target(%dma_start3A_1391 : memref<1152x128xf32, #tpu.memory_space<vmem_shared>>) offsets(%dma_start3A_1388 : memref<128xi32, #tpu.memory_space<vmem>>) semaphore(%arg25 : memref<!tpu.dma_semaphore, #tpu.memory_space<semaphore_mem>>) {add = true}
    } else {
    }
    %mul3A_813 = arith.constant 21 : i32
    %mul3A_814 = arith.muli %add3A, %mul3A_813 : i32
    %add3A_815 = arith.constant 4 : i32
    %add3A_816 = arith.addi %mul3A_814, %add3A_815 : i32
    %mul3A_817 = arith.constant 128 : i32
    %mul3A_818 = arith.muli %add3A_816, %mul3A_817 : i32
    %add3A_819 = arith.constant 128 : i32
    %add3A_820 = arith.addi %mul3A_818, %add3A_819 : i32
    %le3A_821 = arith.constant 83200 : i32
    %le3A_822 = arith.cmpi sle, %add3A_820, %le3A_821 : i32
    %convert_element_type3A_823 = arith.extui %le3A_822 : i1 to i32
    %cond3A_824 = arith.constant 0 : i32
    %cond3A_825 = arith.cmpi ne, %convert_element_type3A_823, %cond3A_824 : i32
    scf.if %cond3A_825 {
      %dma_wait3A = arith.constant 4 : i32
      %dma_wait3A_1377 = arith.constant 0 : i32
      %dma_wait3A_1378 = tpu.memref_slice %arg5[%dma_wait3A, %dma_wait3A_1377] : memref<21x128xi32, #tpu.memory_space<vmem>> -> memref<1x128xi32, #tpu.memory_space<vmem>>
      %dma_wait3A_1379 = tpu.memref_squeeze %dma_wait3A_1378 : memref<1x128xi32, #tpu.memory_space<vmem>> -> memref<128xi32, #tpu.memory_space<vmem>>
      %dma_wait3A_1380 = arith.constant 0 : i32
      %dma_wait3A_1381 = arith.constant 0 : i32
      %dma_wait3A_1382 = tpu.memref_slice %arg13[%dma_wait3A_1380, %dma_wait3A_1381] : memref<1152x128xf32, #tpu.memory_space<vmem_shared>> -> memref<1152x128xf32, #tpu.memory_space<vmem_shared>>
      tpu.wait_indirect_dma semaphore(%arg24 : memref<!tpu.dma_semaphore, #tpu.memory_space<semaphore_mem>>) src(%arg10 : memref<128x128xf32, #tpu.memory_space<vmem>>) dst(%dma_wait3A_1382 : memref<1152x128xf32, #tpu.memory_space<vmem_shared>>)
    } else {
    }
    %mul3A_826 = arith.constant 21 : i32
    %mul3A_827 = arith.muli %add3A, %mul3A_826 : i32
    %add3A_828 = arith.constant 10 : i32
    %add3A_829 = arith.addi %mul3A_827, %add3A_828 : i32
    %mul3A_830 = arith.constant 128 : i32
    %mul3A_831 = arith.muli %add3A_829, %mul3A_830 : i32
    %add3A_832 = arith.constant 128 : i32
    %add3A_833 = arith.addi %mul3A_831, %add3A_832 : i32
    %le3A_834 = arith.constant 83200 : i32
    %le3A_835 = arith.cmpi sle, %add3A_833, %le3A_834 : i32
    %convert_element_type3A_836 = arith.extui %le3A_835 : i1 to i32
    %cond3A_837 = arith.constant 0 : i32
    %cond3A_838 = arith.cmpi ne, %convert_element_type3A_836, %cond3A_837 : i32
    scf.if %cond3A_838 {
      %mul3A_1377 = arith.constant 21 : i32
      %mul3A_1378 = arith.muli %add3A, %mul3A_1377 : i32
      %add3A_1379 = arith.constant 10 : i32
      %add3A_1380 = arith.addi %mul3A_1378, %add3A_1379 : i32
      %mul3A_1381 = arith.constant 128 : i32
      %mul3A_1382 = arith.muli %add3A_1380, %mul3A_1381 : i32
      %dma_start3A = arith.constant 0 : i32
      %dma_start3A_1383 = tpu.memref_slice %arg2[%mul3A_1382, %dma_start3A] : memref<100000x128xf32, #tpu.memory_space<hbm>> -> memref<128x128xf32, #tpu.memory_space<hbm>>
      %dma_start3A_1384 = arith.constant 0 : i32
      %dma_start3A_1385 = tpu.memref_slice %arg2[%mul3A_1382, %dma_start3A_1384] : memref<100000x128xf32, #tpu.memory_space<hbm>> -> memref<128x128xf32, #tpu.memory_space<hbm>>
      tpu.enqueue_dma source(%dma_start3A_1385 : memref<128x128xf32, #tpu.memory_space<hbm>>) target(%arg10 : memref<128x128xf32, #tpu.memory_space<vmem>>) target_semaphore(%arg18 : memref<!tpu.dma_semaphore, #tpu.memory_space<semaphore_mem>>)
    } else {
    }
    %mul3A_839 = arith.constant 21 : i32
    %mul3A_840 = arith.muli %add3A, %mul3A_839 : i32
    %add3A_841 = arith.constant 6 : i32
    %add3A_842 = arith.addi %mul3A_840, %add3A_841 : i32
    %mul3A_843 = arith.constant 128 : i32
    %mul3A_844 = arith.muli %add3A_842, %mul3A_843 : i32
    %add3A_845 = arith.constant 128 : i32
    %add3A_846 = arith.addi %mul3A_844, %add3A_845 : i32
    %le3A_847 = arith.constant 83200 : i32
    %le3A_848 = arith.cmpi sle, %add3A_846, %le3A_847 : i32
    %convert_element_type3A_849 = arith.extui %le3A_848 : i1 to i32
    %cond3A_850 = arith.constant 0 : i32
    %cond3A_851 = arith.cmpi ne, %convert_element_type3A_849, %cond3A_850 : i32
    scf.if %cond3A_851 {
      %mul3A_1377 = arith.constant 21 : i32
      %mul3A_1378 = arith.muli %add3A, %mul3A_1377 : i32
      %add3A_1379 = arith.constant 6 : i32
      %add3A_1380 = arith.addi %mul3A_1378, %add3A_1379 : i32
      %mul3A_1381 = arith.constant 128 : i32
      %mul3A_1382 = arith.muli %add3A_1380, %mul3A_1381 : i32
      %dma_wait3A = arith.constant 0 : i32
      %dma_wait3A_1383 = tpu.memref_slice %arg2[%mul3A_1382, %dma_wait3A] : memref<100000x128xf32, #tpu.memory_space<hbm>> -> memref<128x128xf32, #tpu.memory_space<hbm>>
      %dma_wait3A_1384 = arith.constant 0 : i32
      %dma_wait3A_1385 = tpu.memref_slice %arg2[%mul3A_1382, %dma_wait3A_1384] : memref<100000x128xf32, #tpu.memory_space<hbm>> -> memref<128x128xf32, #tpu.memory_space<hbm>>
      tpu.wait_dma2 semaphore(%arg14 : memref<!tpu.dma_semaphore, #tpu.memory_space<semaphore_mem>>) src(%dma_wait3A_1385 : memref<128x128xf32, #tpu.memory_space<hbm>>) dst(%arg6 : memref<128x128xf32, #tpu.memory_space<vmem>>)
      %dma_start3A = arith.constant 6 : i32
      %dma_start3A_1386 = arith.constant 0 : i32
      %dma_start3A_1387 = tpu.memref_slice %arg5[%dma_start3A, %dma_start3A_1386] : memref<21x128xi32, #tpu.memory_space<vmem>> -> memref<1x128xi32, #tpu.memory_space<vmem>>
      %dma_start3A_1388 = tpu.memref_squeeze %dma_start3A_1387 : memref<1x128xi32, #tpu.memory_space<vmem>> -> memref<128xi32, #tpu.memory_space<vmem>>
      %dma_start3A_1389 = arith.constant 0 : i32
      %dma_start3A_1390 = arith.constant 0 : i32
      %dma_start3A_1391 = tpu.memref_slice %arg13[%dma_start3A_1389, %dma_start3A_1390] : memref<1152x128xf32, #tpu.memory_space<vmem_shared>> -> memref<1152x128xf32, #tpu.memory_space<vmem_shared>>
      tpu.enqueue_indirect_dma source(%arg6 : memref<128x128xf32, #tpu.memory_space<vmem>>) target(%dma_start3A_1391 : memref<1152x128xf32, #tpu.memory_space<vmem_shared>>) offsets(%dma_start3A_1388 : memref<128xi32, #tpu.memory_space<vmem>>) semaphore(%arg20 : memref<!tpu.dma_semaphore, #tpu.memory_space<semaphore_mem>>) {add = true}
    } else {
    }
    %mul3A_852 = arith.constant 21 : i32
    %mul3A_853 = arith.muli %add3A, %mul3A_852 : i32
    %add3A_854 = arith.constant 5 : i32
    %add3A_855 = arith.addi %mul3A_853, %add3A_854 : i32
    %mul3A_856 = arith.constant 128 : i32
    %mul3A_857 = arith.muli %add3A_855, %mul3A_856 : i32
    %add3A_858 = arith.constant 128 : i32
    %add3A_859 = arith.addi %mul3A_857, %add3A_858 : i32
    %le3A_860 = arith.constant 83200 : i32
    %le3A_861 = arith.cmpi sle, %add3A_859, %le3A_860 : i32
    %convert_element_type3A_862 = arith.extui %le3A_861 : i1 to i32
    %cond3A_863 = arith.constant 0 : i32
    %cond3A_864 = arith.cmpi ne, %convert_element_type3A_862, %cond3A_863 : i32
    scf.if %cond3A_864 {
      %dma_wait3A = arith.constant 5 : i32
      %dma_wait3A_1377 = arith.constant 0 : i32
      %dma_wait3A_1378 = tpu.memref_slice %arg5[%dma_wait3A, %dma_wait3A_1377] : memref<21x128xi32, #tpu.memory_space<vmem>> -> memref<1x128xi32, #tpu.memory_space<vmem>>
      %dma_wait3A_1379 = tpu.memref_squeeze %dma_wait3A_1378 : memref<1x128xi32, #tpu.memory_space<vmem>> -> memref<128xi32, #tpu.memory_space<vmem>>
      %dma_wait3A_1380 = arith.constant 0 : i32
      %dma_wait3A_1381 = arith.constant 0 : i32
      %dma_wait3A_1382 = tpu.memref_slice %arg13[%dma_wait3A_1380, %dma_wait3A_1381] : memref<1152x128xf32, #tpu.memory_space<vmem_shared>> -> memref<1152x128xf32, #tpu.memory_space<vmem_shared>>
      tpu.wait_indirect_dma semaphore(%arg25 : memref<!tpu.dma_semaphore, #tpu.memory_space<semaphore_mem>>) src(%arg11 : memref<128x128xf32, #tpu.memory_space<vmem>>) dst(%dma_wait3A_1382 : memref<1152x128xf32, #tpu.memory_space<vmem_shared>>)
    } else {
    }
    %mul3A_865 = arith.constant 21 : i32
    %mul3A_866 = arith.muli %add3A, %mul3A_865 : i32
    %add3A_867 = arith.constant 11 : i32
    %add3A_868 = arith.addi %mul3A_866, %add3A_867 : i32
    %mul3A_869 = arith.constant 128 : i32
    %mul3A_870 = arith.muli %add3A_868, %mul3A_869 : i32
    %add3A_871 = arith.constant 128 : i32
    %add3A_872 = arith.addi %mul3A_870, %add3A_871 : i32
    %le3A_873 = arith.constant 83200 : i32
    %le3A_874 = arith.cmpi sle, %add3A_872, %le3A_873 : i32
    %convert_element_type3A_875 = arith.extui %le3A_874 : i1 to i32
    %cond3A_876 = arith.constant 0 : i32
    %cond3A_877 = arith.cmpi ne, %convert_element_type3A_875, %cond3A_876 : i32
    scf.if %cond3A_877 {
      %mul3A_1377 = arith.constant 21 : i32
      %mul3A_1378 = arith.muli %add3A, %mul3A_1377 : i32
      %add3A_1379 = arith.constant 11 : i32
      %add3A_1380 = arith.addi %mul3A_1378, %add3A_1379 : i32
      %mul3A_1381 = arith.constant 128 : i32
      %mul3A_1382 = arith.muli %add3A_1380, %mul3A_1381 : i32
      %dma_start3A = arith.constant 0 : i32
      %dma_start3A_1383 = tpu.memref_slice %arg2[%mul3A_1382, %dma_start3A] : memref<100000x128xf32, #tpu.memory_space<hbm>> -> memref<128x128xf32, #tpu.memory_space<hbm>>
      %dma_start3A_1384 = arith.constant 0 : i32
      %dma_start3A_1385 = tpu.memref_slice %arg2[%mul3A_1382, %dma_start3A_1384] : memref<100000x128xf32, #tpu.memory_space<hbm>> -> memref<128x128xf32, #tpu.memory_space<hbm>>
      tpu.enqueue_dma source(%dma_start3A_1385 : memref<128x128xf32, #tpu.memory_space<hbm>>) target(%arg11 : memref<128x128xf32, #tpu.memory_space<vmem>>) target_semaphore(%arg19 : memref<!tpu.dma_semaphore, #tpu.memory_space<semaphore_mem>>)
    } else {
    }
    %mul3A_878 = arith.constant 21 : i32
    %mul3A_879 = arith.muli %add3A, %mul3A_878 : i32
    %add3A_880 = arith.constant 7 : i32
    %add3A_881 = arith.addi %mul3A_879, %add3A_880 : i32
    %mul3A_882 = arith.constant 128 : i32
    %mul3A_883 = arith.muli %add3A_881, %mul3A_882 : i32
    %add3A_884 = arith.constant 128 : i32
    %add3A_885 = arith.addi %mul3A_883, %add3A_884 : i32
    %le3A_886 = arith.constant 83200 : i32
    %le3A_887 = arith.cmpi sle, %add3A_885, %le3A_886 : i32
    %convert_element_type3A_888 = arith.extui %le3A_887 : i1 to i32
    %cond3A_889 = arith.constant 0 : i32
    %cond3A_890 = arith.cmpi ne, %convert_element_type3A_888, %cond3A_889 : i32
    scf.if %cond3A_890 {
      %mul3A_1377 = arith.constant 21 : i32
      %mul3A_1378 = arith.muli %add3A, %mul3A_1377 : i32
      %add3A_1379 = arith.constant 7 : i32
      %add3A_1380 = arith.addi %mul3A_1378, %add3A_1379 : i32
      %mul3A_1381 = arith.constant 128 : i32
      %mul3A_1382 = arith.muli %add3A_1380, %mul3A_1381 : i32
      %dma_wait3A = arith.constant 0 : i32
      %dma_wait3A_1383 = tpu.memref_slice %arg2[%mul3A_1382, %dma_wait3A] : memref<100000x128xf32, #tpu.memory_space<hbm>> -> memref<128x128xf32, #tpu.memory_space<hbm>>
      %dma_wait3A_1384 = arith.constant 0 : i32
      %dma_wait3A_1385 = tpu.memref_slice %arg2[%mul3A_1382, %dma_wait3A_1384] : memref<100000x128xf32, #tpu.memory_space<hbm>> -> memref<128x128xf32, #tpu.memory_space<hbm>>
      tpu.wait_dma2 semaphore(%arg15 : memref<!tpu.dma_semaphore, #tpu.memory_space<semaphore_mem>>) src(%dma_wait3A_1385 : memref<128x128xf32, #tpu.memory_space<hbm>>) dst(%arg7 : memref<128x128xf32, #tpu.memory_space<vmem>>)
      %dma_start3A = arith.constant 7 : i32
      %dma_start3A_1386 = arith.constant 0 : i32
      %dma_start3A_1387 = tpu.memref_slice %arg5[%dma_start3A, %dma_start3A_1386] : memref<21x128xi32, #tpu.memory_space<vmem>> -> memref<1x128xi32, #tpu.memory_space<vmem>>
      %dma_start3A_1388 = tpu.memref_squeeze %dma_start3A_1387 : memref<1x128xi32, #tpu.memory_space<vmem>> -> memref<128xi32, #tpu.memory_space<vmem>>
      %dma_start3A_1389 = arith.constant 0 : i32
      %dma_start3A_1390 = arith.constant 0 : i32
      %dma_start3A_1391 = tpu.memref_slice %arg13[%dma_start3A_1389, %dma_start3A_1390] : memref<1152x128xf32, #tpu.memory_space<vmem_shared>> -> memref<1152x128xf32, #tpu.memory_space<vmem_shared>>
      tpu.enqueue_indirect_dma source(%arg7 : memref<128x128xf32, #tpu.memory_space<vmem>>) target(%dma_start3A_1391 : memref<1152x128xf32, #tpu.memory_space<vmem_shared>>) offsets(%dma_start3A_1388 : memref<128xi32, #tpu.memory_space<vmem>>) semaphore(%arg21 : memref<!tpu.dma_semaphore, #tpu.memory_space<semaphore_mem>>) {add = true}
    } else {
    }
    %mul3A_891 = arith.constant 21 : i32
    %mul3A_892 = arith.muli %add3A, %mul3A_891 : i32
    %add3A_893 = arith.constant 6 : i32
    %add3A_894 = arith.addi %mul3A_892, %add3A_893 : i32
    %mul3A_895 = arith.constant 128 : i32
    %mul3A_896 = arith.muli %add3A_894, %mul3A_895 : i32
    %add3A_897 = arith.constant 128 : i32
    %add3A_898 = arith.addi %mul3A_896, %add3A_897 : i32
    %le3A_899 = arith.constant 83200 : i32
    %le3A_900 = arith.cmpi sle, %add3A_898, %le3A_899 : i32
    %convert_element_type3A_901 = arith.extui %le3A_900 : i1 to i32
    %cond3A_902 = arith.constant 0 : i32
    %cond3A_903 = arith.cmpi ne, %convert_element_type3A_901, %cond3A_902 : i32
    scf.if %cond3A_903 {
      %dma_wait3A = arith.constant 6 : i32
      %dma_wait3A_1377 = arith.constant 0 : i32
      %dma_wait3A_1378 = tpu.memref_slice %arg5[%dma_wait3A, %dma_wait3A_1377] : memref<21x128xi32, #tpu.memory_space<vmem>> -> memref<1x128xi32, #tpu.memory_space<vmem>>
      %dma_wait3A_1379 = tpu.memref_squeeze %dma_wait3A_1378 : memref<1x128xi32, #tpu.memory_space<vmem>> -> memref<128xi32, #tpu.memory_space<vmem>>
      %dma_wait3A_1380 = arith.constant 0 : i32
      %dma_wait3A_1381 = arith.constant 0 : i32
      %dma_wait3A_1382 = tpu.memref_slice %arg13[%dma_wait3A_1380, %dma_wait3A_1381] : memref<1152x128xf32, #tpu.memory_space<vmem_shared>> -> memref<1152x128xf32, #tpu.memory_space<vmem_shared>>
      tpu.wait_indirect_dma semaphore(%arg20 : memref<!tpu.dma_semaphore, #tpu.memory_space<semaphore_mem>>) src(%arg6 : memref<128x128xf32, #tpu.memory_space<vmem>>) dst(%dma_wait3A_1382 : memref<1152x128xf32, #tpu.memory_space<vmem_shared>>)
    } else {
    }
    %mul3A_904 = arith.constant 21 : i32
    %mul3A_905 = arith.muli %add3A, %mul3A_904 : i32
    %add3A_906 = arith.constant 12 : i32
    %add3A_907 = arith.addi %mul3A_905, %add3A_906 : i32
    %mul3A_908 = arith.constant 128 : i32
    %mul3A_909 = arith.muli %add3A_907, %mul3A_908 : i32
    %add3A_910 = arith.constant 128 : i32
    %add3A_911 = arith.addi %mul3A_909, %add3A_910 : i32
    %le3A_912 = arith.constant 83200 : i32
    %le3A_913 = arith.cmpi sle, %add3A_911, %le3A_912 : i32
    %convert_element_type3A_914 = arith.extui %le3A_913 : i1 to i32
    %cond3A_915 = arith.constant 0 : i32
    %cond3A_916 = arith.cmpi ne, %convert_element_type3A_914, %cond3A_915 : i32
    scf.if %cond3A_916 {
      %mul3A_1377 = arith.constant 21 : i32
      %mul3A_1378 = arith.muli %add3A, %mul3A_1377 : i32
      %add3A_1379 = arith.constant 12 : i32
      %add3A_1380 = arith.addi %mul3A_1378, %add3A_1379 : i32
      %mul3A_1381 = arith.constant 128 : i32
      %mul3A_1382 = arith.muli %add3A_1380, %mul3A_1381 : i32
      %dma_start3A = arith.constant 0 : i32
      %dma_start3A_1383 = tpu.memref_slice %arg2[%mul3A_1382, %dma_start3A] : memref<100000x128xf32, #tpu.memory_space<hbm>> -> memref<128x128xf32, #tpu.memory_space<hbm>>
      %dma_start3A_1384 = arith.constant 0 : i32
      %dma_start3A_1385 = tpu.memref_slice %arg2[%mul3A_1382, %dma_start3A_1384] : memref<100000x128xf32, #tpu.memory_space<hbm>> -> memref<128x128xf32, #tpu.memory_space<hbm>>
      tpu.enqueue_dma source(%dma_start3A_1385 : memref<128x128xf32, #tpu.memory_space<hbm>>) target(%arg6 : memref<128x128xf32, #tpu.memory_space<vmem>>) target_semaphore(%arg14 : memref<!tpu.dma_semaphore, #tpu.memory_space<semaphore_mem>>)
    } else {
    }
    %mul3A_917 = arith.constant 21 : i32
    %mul3A_918 = arith.muli %add3A, %mul3A_917 : i32
    %add3A_919 = arith.constant 8 : i32
    %add3A_920 = arith.addi %mul3A_918, %add3A_919 : i32
    %mul3A_921 = arith.constant 128 : i32
    %mul3A_922 = arith.muli %add3A_920, %mul3A_921 : i32
    %add3A_923 = arith.constant 128 : i32
    %add3A_924 = arith.addi %mul3A_922, %add3A_923 : i32
    %le3A_925 = arith.constant 83200 : i32
    %le3A_926 = arith.cmpi sle, %add3A_924, %le3A_925 : i32
    %convert_element_type3A_927 = arith.extui %le3A_926 : i1 to i32
    %cond3A_928 = arith.constant 0 : i32
    %cond3A_929 = arith.cmpi ne, %convert_element_type3A_927, %cond3A_928 : i32
    scf.if %cond3A_929 {
      %mul3A_1377 = arith.constant 21 : i32
      %mul3A_1378 = arith.muli %add3A, %mul3A_1377 : i32
      %add3A_1379 = arith.constant 8 : i32
      %add3A_1380 = arith.addi %mul3A_1378, %add3A_1379 : i32
      %mul3A_1381 = arith.constant 128 : i32
      %mul3A_1382 = arith.muli %add3A_1380, %mul3A_1381 : i32
      %dma_wait3A = arith.constant 0 : i32
      %dma_wait3A_1383 = tpu.memref_slice %arg2[%mul3A_1382, %dma_wait3A] : memref<100000x128xf32, #tpu.memory_space<hbm>> -> memref<128x128xf32, #tpu.memory_space<hbm>>
      %dma_wait3A_1384 = arith.constant 0 : i32
      %dma_wait3A_1385 = tpu.memref_slice %arg2[%mul3A_1382, %dma_wait3A_1384] : memref<100000x128xf32, #tpu.memory_space<hbm>> -> memref<128x128xf32, #tpu.memory_space<hbm>>
      tpu.wait_dma2 semaphore(%arg16 : memref<!tpu.dma_semaphore, #tpu.memory_space<semaphore_mem>>) src(%dma_wait3A_1385 : memref<128x128xf32, #tpu.memory_space<hbm>>) dst(%arg8 : memref<128x128xf32, #tpu.memory_space<vmem>>)
      %dma_start3A = arith.constant 8 : i32
      %dma_start3A_1386 = arith.constant 0 : i32
      %dma_start3A_1387 = tpu.memref_slice %arg5[%dma_start3A, %dma_start3A_1386] : memref<21x128xi32, #tpu.memory_space<vmem>> -> memref<1x128xi32, #tpu.memory_space<vmem>>
      %dma_start3A_1388 = tpu.memref_squeeze %dma_start3A_1387 : memref<1x128xi32, #tpu.memory_space<vmem>> -> memref<128xi32, #tpu.memory_space<vmem>>
      %dma_start3A_1389 = arith.constant 0 : i32
      %dma_start3A_1390 = arith.constant 0 : i32
      %dma_start3A_1391 = tpu.memref_slice %arg13[%dma_start3A_1389, %dma_start3A_1390] : memref<1152x128xf32, #tpu.memory_space<vmem_shared>> -> memref<1152x128xf32, #tpu.memory_space<vmem_shared>>
      tpu.enqueue_indirect_dma source(%arg8 : memref<128x128xf32, #tpu.memory_space<vmem>>) target(%dma_start3A_1391 : memref<1152x128xf32, #tpu.memory_space<vmem_shared>>) offsets(%dma_start3A_1388 : memref<128xi32, #tpu.memory_space<vmem>>) semaphore(%arg22 : memref<!tpu.dma_semaphore, #tpu.memory_space<semaphore_mem>>) {add = true}
    } else {
    }
    %mul3A_930 = arith.constant 21 : i32
    %mul3A_931 = arith.muli %add3A, %mul3A_930 : i32
    %add3A_932 = arith.constant 7 : i32
    %add3A_933 = arith.addi %mul3A_931, %add3A_932 : i32
    %mul3A_934 = arith.constant 128 : i32
    %mul3A_935 = arith.muli %add3A_933, %mul3A_934 : i32
    %add3A_936 = arith.constant 128 : i32
    %add3A_937 = arith.addi %mul3A_935, %add3A_936 : i32
    %le3A_938 = arith.constant 83200 : i32
    %le3A_939 = arith.cmpi sle, %add3A_937, %le3A_938 : i32
    %convert_element_type3A_940 = arith.extui %le3A_939 : i1 to i32
    %cond3A_941 = arith.constant 0 : i32
    %cond3A_942 = arith.cmpi ne, %convert_element_type3A_940, %cond3A_941 : i32
    scf.if %cond3A_942 {
      %dma_wait3A = arith.constant 7 : i32
      %dma_wait3A_1377 = arith.constant 0 : i32
      %dma_wait3A_1378 = tpu.memref_slice %arg5[%dma_wait3A, %dma_wait3A_1377] : memref<21x128xi32, #tpu.memory_space<vmem>> -> memref<1x128xi32, #tpu.memory_space<vmem>>
      %dma_wait3A_1379 = tpu.memref_squeeze %dma_wait3A_1378 : memref<1x128xi32, #tpu.memory_space<vmem>> -> memref<128xi32, #tpu.memory_space<vmem>>
      %dma_wait3A_1380 = arith.constant 0 : i32
      %dma_wait3A_1381 = arith.constant 0 : i32
      %dma_wait3A_1382 = tpu.memref_slice %arg13[%dma_wait3A_1380, %dma_wait3A_1381] : memref<1152x128xf32, #tpu.memory_space<vmem_shared>> -> memref<1152x128xf32, #tpu.memory_space<vmem_shared>>
      tpu.wait_indirect_dma semaphore(%arg21 : memref<!tpu.dma_semaphore, #tpu.memory_space<semaphore_mem>>) src(%arg7 : memref<128x128xf32, #tpu.memory_space<vmem>>) dst(%dma_wait3A_1382 : memref<1152x128xf32, #tpu.memory_space<vmem_shared>>)
    } else {
    }
    %mul3A_943 = arith.constant 21 : i32
    %mul3A_944 = arith.muli %add3A, %mul3A_943 : i32
    %add3A_945 = arith.constant 13 : i32
    %add3A_946 = arith.addi %mul3A_944, %add3A_945 : i32
    %mul3A_947 = arith.constant 128 : i32
    %mul3A_948 = arith.muli %add3A_946, %mul3A_947 : i32
    %add3A_949 = arith.constant 128 : i32
    %add3A_950 = arith.addi %mul3A_948, %add3A_949 : i32
    %le3A_951 = arith.constant 83200 : i32
    %le3A_952 = arith.cmpi sle, %add3A_950, %le3A_951 : i32
    %convert_element_type3A_953 = arith.extui %le3A_952 : i1 to i32
    %cond3A_954 = arith.constant 0 : i32
    %cond3A_955 = arith.cmpi ne, %convert_element_type3A_953, %cond3A_954 : i32
    scf.if %cond3A_955 {
      %mul3A_1377 = arith.constant 21 : i32
      %mul3A_1378 = arith.muli %add3A, %mul3A_1377 : i32
      %add3A_1379 = arith.constant 13 : i32
      %add3A_1380 = arith.addi %mul3A_1378, %add3A_1379 : i32
      %mul3A_1381 = arith.constant 128 : i32
      %mul3A_1382 = arith.muli %add3A_1380, %mul3A_1381 : i32
      %dma_start3A = arith.constant 0 : i32
      %dma_start3A_1383 = tpu.memref_slice %arg2[%mul3A_1382, %dma_start3A] : memref<100000x128xf32, #tpu.memory_space<hbm>> -> memref<128x128xf32, #tpu.memory_space<hbm>>
      %dma_start3A_1384 = arith.constant 0 : i32
      %dma_start3A_1385 = tpu.memref_slice %arg2[%mul3A_1382, %dma_start3A_1384] : memref<100000x128xf32, #tpu.memory_space<hbm>> -> memref<128x128xf32, #tpu.memory_space<hbm>>
      tpu.enqueue_dma source(%dma_start3A_1385 : memref<128x128xf32, #tpu.memory_space<hbm>>) target(%arg7 : memref<128x128xf32, #tpu.memory_space<vmem>>) target_semaphore(%arg15 : memref<!tpu.dma_semaphore, #tpu.memory_space<semaphore_mem>>)
    } else {
    }
    %mul3A_956 = arith.constant 21 : i32
    %mul3A_957 = arith.muli %add3A, %mul3A_956 : i32
    %add3A_958 = arith.constant 9 : i32
    %add3A_959 = arith.addi %mul3A_957, %add3A_958 : i32
    %mul3A_960 = arith.constant 128 : i32
    %mul3A_961 = arith.muli %add3A_959, %mul3A_960 : i32
    %add3A_962 = arith.constant 128 : i32
    %add3A_963 = arith.addi %mul3A_961, %add3A_962 : i32
    %le3A_964 = arith.constant 83200 : i32
    %le3A_965 = arith.cmpi sle, %add3A_963, %le3A_964 : i32
    %convert_element_type3A_966 = arith.extui %le3A_965 : i1 to i32
    %cond3A_967 = arith.constant 0 : i32
    %cond3A_968 = arith.cmpi ne, %convert_element_type3A_966, %cond3A_967 : i32
    scf.if %cond3A_968 {
      %mul3A_1377 = arith.constant 21 : i32
      %mul3A_1378 = arith.muli %add3A, %mul3A_1377 : i32
      %add3A_1379 = arith.constant 9 : i32
      %add3A_1380 = arith.addi %mul3A_1378, %add3A_1379 : i32
      %mul3A_1381 = arith.constant 128 : i32
      %mul3A_1382 = arith.muli %add3A_1380, %mul3A_1381 : i32
      %dma_wait3A = arith.constant 0 : i32
      %dma_wait3A_1383 = tpu.memref_slice %arg2[%mul3A_1382, %dma_wait3A] : memref<100000x128xf32, #tpu.memory_space<hbm>> -> memref<128x128xf32, #tpu.memory_space<hbm>>
      %dma_wait3A_1384 = arith.constant 0 : i32
      %dma_wait3A_1385 = tpu.memref_slice %arg2[%mul3A_1382, %dma_wait3A_1384] : memref<100000x128xf32, #tpu.memory_space<hbm>> -> memref<128x128xf32, #tpu.memory_space<hbm>>
      tpu.wait_dma2 semaphore(%arg17 : memref<!tpu.dma_semaphore, #tpu.memory_space<semaphore_mem>>) src(%dma_wait3A_1385 : memref<128x128xf32, #tpu.memory_space<hbm>>) dst(%arg9 : memref<128x128xf32, #tpu.memory_space<vmem>>)
      %dma_start3A = arith.constant 9 : i32
      %dma_start3A_1386 = arith.constant 0 : i32
      %dma_start3A_1387 = tpu.memref_slice %arg5[%dma_start3A, %dma_start3A_1386] : memref<21x128xi32, #tpu.memory_space<vmem>> -> memref<1x128xi32, #tpu.memory_space<vmem>>
      %dma_start3A_1388 = tpu.memref_squeeze %dma_start3A_1387 : memref<1x128xi32, #tpu.memory_space<vmem>> -> memref<128xi32, #tpu.memory_space<vmem>>
      %dma_start3A_1389 = arith.constant 0 : i32
      %dma_start3A_1390 = arith.constant 0 : i32
      %dma_start3A_1391 = tpu.memref_slice %arg13[%dma_start3A_1389, %dma_start3A_1390] : memref<1152x128xf32, #tpu.memory_space<vmem_shared>> -> memref<1152x128xf32, #tpu.memory_space<vmem_shared>>
      tpu.enqueue_indirect_dma source(%arg9 : memref<128x128xf32, #tpu.memory_space<vmem>>) target(%dma_start3A_1391 : memref<1152x128xf32, #tpu.memory_space<vmem_shared>>) offsets(%dma_start3A_1388 : memref<128xi32, #tpu.memory_space<vmem>>) semaphore(%arg23 : memref<!tpu.dma_semaphore, #tpu.memory_space<semaphore_mem>>) {add = true}
    } else {
    }
    %mul3A_969 = arith.constant 21 : i32
    %mul3A_970 = arith.muli %add3A, %mul3A_969 : i32
    %add3A_971 = arith.constant 8 : i32
    %add3A_972 = arith.addi %mul3A_970, %add3A_971 : i32
    %mul3A_973 = arith.constant 128 : i32
    %mul3A_974 = arith.muli %add3A_972, %mul3A_973 : i32
    %add3A_975 = arith.constant 128 : i32
    %add3A_976 = arith.addi %mul3A_974, %add3A_975 : i32
    %le3A_977 = arith.constant 83200 : i32
    %le3A_978 = arith.cmpi sle, %add3A_976, %le3A_977 : i32
    %convert_element_type3A_979 = arith.extui %le3A_978 : i1 to i32
    %cond3A_980 = arith.constant 0 : i32
    %cond3A_981 = arith.cmpi ne, %convert_element_type3A_979, %cond3A_980 : i32
    scf.if %cond3A_981 {
      %dma_wait3A = arith.constant 8 : i32
      %dma_wait3A_1377 = arith.constant 0 : i32
      %dma_wait3A_1378 = tpu.memref_slice %arg5[%dma_wait3A, %dma_wait3A_1377] : memref<21x128xi32, #tpu.memory_space<vmem>> -> memref<1x128xi32, #tpu.memory_space<vmem>>
      %dma_wait3A_1379 = tpu.memref_squeeze %dma_wait3A_1378 : memref<1x128xi32, #tpu.memory_space<vmem>> -> memref<128xi32, #tpu.memory_space<vmem>>
      %dma_wait3A_1380 = arith.constant 0 : i32
      %dma_wait3A_1381 = arith.constant 0 : i32
      %dma_wait3A_1382 = tpu.memref_slice %arg13[%dma_wait3A_1380, %dma_wait3A_1381] : memref<1152x128xf32, #tpu.memory_space<vmem_shared>> -> memref<1152x128xf32, #tpu.memory_space<vmem_shared>>
      tpu.wait_indirect_dma semaphore(%arg22 : memref<!tpu.dma_semaphore, #tpu.memory_space<semaphore_mem>>) src(%arg8 : memref<128x128xf32, #tpu.memory_space<vmem>>) dst(%dma_wait3A_1382 : memref<1152x128xf32, #tpu.memory_space<vmem_shared>>)
    } else {
    }
    %mul3A_982 = arith.constant 21 : i32
    %mul3A_983 = arith.muli %add3A, %mul3A_982 : i32
    %add3A_984 = arith.constant 14 : i32
    %add3A_985 = arith.addi %mul3A_983, %add3A_984 : i32
    %mul3A_986 = arith.constant 128 : i32
    %mul3A_987 = arith.muli %add3A_985, %mul3A_986 : i32
    %add3A_988 = arith.constant 128 : i32
    %add3A_989 = arith.addi %mul3A_987, %add3A_988 : i32
    %le3A_990 = arith.constant 83200 : i32
    %le3A_991 = arith.cmpi sle, %add3A_989, %le3A_990 : i32
    %convert_element_type3A_992 = arith.extui %le3A_991 : i1 to i32
    %cond3A_993 = arith.constant 0 : i32
    %cond3A_994 = arith.cmpi ne, %convert_element_type3A_992, %cond3A_993 : i32
    scf.if %cond3A_994 {
      %mul3A_1377 = arith.constant 21 : i32
      %mul3A_1378 = arith.muli %add3A, %mul3A_1377 : i32
      %add3A_1379 = arith.constant 14 : i32
      %add3A_1380 = arith.addi %mul3A_1378, %add3A_1379 : i32
      %mul3A_1381 = arith.constant 128 : i32
      %mul3A_1382 = arith.muli %add3A_1380, %mul3A_1381 : i32
      %dma_start3A = arith.constant 0 : i32
      %dma_start3A_1383 = tpu.memref_slice %arg2[%mul3A_1382, %dma_start3A] : memref<100000x128xf32, #tpu.memory_space<hbm>> -> memref<128x128xf32, #tpu.memory_space<hbm>>
      %dma_start3A_1384 = arith.constant 0 : i32
      %dma_start3A_1385 = tpu.memref_slice %arg2[%mul3A_1382, %dma_start3A_1384] : memref<100000x128xf32, #tpu.memory_space<hbm>> -> memref<128x128xf32, #tpu.memory_space<hbm>>
      tpu.enqueue_dma source(%dma_start3A_1385 : memref<128x128xf32, #tpu.memory_space<hbm>>) target(%arg8 : memref<128x128xf32, #tpu.memory_space<vmem>>) target_semaphore(%arg16 : memref<!tpu.dma_semaphore, #tpu.memory_space<semaphore_mem>>)
    } else {
    }
    %mul3A_995 = arith.constant 21 : i32
    %mul3A_996 = arith.muli %add3A, %mul3A_995 : i32
    %add3A_997 = arith.constant 10 : i32
    %add3A_998 = arith.addi %mul3A_996, %add3A_997 : i32
    %mul3A_999 = arith.constant 128 : i32
    %mul3A_1000 = arith.muli %add3A_998, %mul3A_999 : i32
    %add3A_1001 = arith.constant 128 : i32
    %add3A_1002 = arith.addi %mul3A_1000, %add3A_1001 : i32
    %le3A_1003 = arith.constant 83200 : i32
    %le3A_1004 = arith.cmpi sle, %add3A_1002, %le3A_1003 : i32
    %convert_element_type3A_1005 = arith.extui %le3A_1004 : i1 to i32
    %cond3A_1006 = arith.constant 0 : i32
    %cond3A_1007 = arith.cmpi ne, %convert_element_type3A_1005, %cond3A_1006 : i32
    scf.if %cond3A_1007 {
      %mul3A_1377 = arith.constant 21 : i32
      %mul3A_1378 = arith.muli %add3A, %mul3A_1377 : i32
      %add3A_1379 = arith.constant 10 : i32
      %add3A_1380 = arith.addi %mul3A_1378, %add3A_1379 : i32
      %mul3A_1381 = arith.constant 128 : i32
      %mul3A_1382 = arith.muli %add3A_1380, %mul3A_1381 : i32
      %dma_wait3A = arith.constant 0 : i32
      %dma_wait3A_1383 = tpu.memref_slice %arg2[%mul3A_1382, %dma_wait3A] : memref<100000x128xf32, #tpu.memory_space<hbm>> -> memref<128x128xf32, #tpu.memory_space<hbm>>
      %dma_wait3A_1384 = arith.constant 0 : i32
      %dma_wait3A_1385 = tpu.memref_slice %arg2[%mul3A_1382, %dma_wait3A_1384] : memref<100000x128xf32, #tpu.memory_space<hbm>> -> memref<128x128xf32, #tpu.memory_space<hbm>>
      tpu.wait_dma2 semaphore(%arg18 : memref<!tpu.dma_semaphore, #tpu.memory_space<semaphore_mem>>) src(%dma_wait3A_1385 : memref<128x128xf32, #tpu.memory_space<hbm>>) dst(%arg10 : memref<128x128xf32, #tpu.memory_space<vmem>>)
      %dma_start3A = arith.constant 10 : i32
      %dma_start3A_1386 = arith.constant 0 : i32
      %dma_start3A_1387 = tpu.memref_slice %arg5[%dma_start3A, %dma_start3A_1386] : memref<21x128xi32, #tpu.memory_space<vmem>> -> memref<1x128xi32, #tpu.memory_space<vmem>>
      %dma_start3A_1388 = tpu.memref_squeeze %dma_start3A_1387 : memref<1x128xi32, #tpu.memory_space<vmem>> -> memref<128xi32, #tpu.memory_space<vmem>>
      %dma_start3A_1389 = arith.constant 0 : i32
      %dma_start3A_1390 = arith.constant 0 : i32
      %dma_start3A_1391 = tpu.memref_slice %arg13[%dma_start3A_1389, %dma_start3A_1390] : memref<1152x128xf32, #tpu.memory_space<vmem_shared>> -> memref<1152x128xf32, #tpu.memory_space<vmem_shared>>
      tpu.enqueue_indirect_dma source(%arg10 : memref<128x128xf32, #tpu.memory_space<vmem>>) target(%dma_start3A_1391 : memref<1152x128xf32, #tpu.memory_space<vmem_shared>>) offsets(%dma_start3A_1388 : memref<128xi32, #tpu.memory_space<vmem>>) semaphore(%arg24 : memref<!tpu.dma_semaphore, #tpu.memory_space<semaphore_mem>>) {add = true}
    } else {
    }
    %mul3A_1008 = arith.constant 21 : i32
    %mul3A_1009 = arith.muli %add3A, %mul3A_1008 : i32
    %add3A_1010 = arith.constant 9 : i32
    %add3A_1011 = arith.addi %mul3A_1009, %add3A_1010 : i32
    %mul3A_1012 = arith.constant 128 : i32
    %mul3A_1013 = arith.muli %add3A_1011, %mul3A_1012 : i32
    %add3A_1014 = arith.constant 128 : i32
    %add3A_1015 = arith.addi %mul3A_1013, %add3A_1014 : i32
    %le3A_1016 = arith.constant 83200 : i32
    %le3A_1017 = arith.cmpi sle, %add3A_1015, %le3A_1016 : i32
    %convert_element_type3A_1018 = arith.extui %le3A_1017 : i1 to i32
    %cond3A_1019 = arith.constant 0 : i32
    %cond3A_1020 = arith.cmpi ne, %convert_element_type3A_1018, %cond3A_1019 : i32
    scf.if %cond3A_1020 {
      %dma_wait3A = arith.constant 9 : i32
      %dma_wait3A_1377 = arith.constant 0 : i32
      %dma_wait3A_1378 = tpu.memref_slice %arg5[%dma_wait3A, %dma_wait3A_1377] : memref<21x128xi32, #tpu.memory_space<vmem>> -> memref<1x128xi32, #tpu.memory_space<vmem>>
      %dma_wait3A_1379 = tpu.memref_squeeze %dma_wait3A_1378 : memref<1x128xi32, #tpu.memory_space<vmem>> -> memref<128xi32, #tpu.memory_space<vmem>>
      %dma_wait3A_1380 = arith.constant 0 : i32
      %dma_wait3A_1381 = arith.constant 0 : i32
      %dma_wait3A_1382 = tpu.memref_slice %arg13[%dma_wait3A_1380, %dma_wait3A_1381] : memref<1152x128xf32, #tpu.memory_space<vmem_shared>> -> memref<1152x128xf32, #tpu.memory_space<vmem_shared>>
      tpu.wait_indirect_dma semaphore(%arg23 : memref<!tpu.dma_semaphore, #tpu.memory_space<semaphore_mem>>) src(%arg9 : memref<128x128xf32, #tpu.memory_space<vmem>>) dst(%dma_wait3A_1382 : memref<1152x128xf32, #tpu.memory_space<vmem_shared>>)
    } else {
    }
    %mul3A_1021 = arith.constant 21 : i32
    %mul3A_1022 = arith.muli %add3A, %mul3A_1021 : i32
    %add3A_1023 = arith.constant 15 : i32
    %add3A_1024 = arith.addi %mul3A_1022, %add3A_1023 : i32
    %mul3A_1025 = arith.constant 128 : i32
    %mul3A_1026 = arith.muli %add3A_1024, %mul3A_1025 : i32
    %add3A_1027 = arith.constant 128 : i32
    %add3A_1028 = arith.addi %mul3A_1026, %add3A_1027 : i32
    %le3A_1029 = arith.constant 83200 : i32
    %le3A_1030 = arith.cmpi sle, %add3A_1028, %le3A_1029 : i32
    %convert_element_type3A_1031 = arith.extui %le3A_1030 : i1 to i32
    %cond3A_1032 = arith.constant 0 : i32
    %cond3A_1033 = arith.cmpi ne, %convert_element_type3A_1031, %cond3A_1032 : i32
    scf.if %cond3A_1033 {
      %mul3A_1377 = arith.constant 21 : i32
      %mul3A_1378 = arith.muli %add3A, %mul3A_1377 : i32
      %add3A_1379 = arith.constant 15 : i32
      %add3A_1380 = arith.addi %mul3A_1378, %add3A_1379 : i32
      %mul3A_1381 = arith.constant 128 : i32
      %mul3A_1382 = arith.muli %add3A_1380, %mul3A_1381 : i32
      %dma_start3A = arith.constant 0 : i32
      %dma_start3A_1383 = tpu.memref_slice %arg2[%mul3A_1382, %dma_start3A] : memref<100000x128xf32, #tpu.memory_space<hbm>> -> memref<128x128xf32, #tpu.memory_space<hbm>>
      %dma_start3A_1384 = arith.constant 0 : i32
      %dma_start3A_1385 = tpu.memref_slice %arg2[%mul3A_1382, %dma_start3A_1384] : memref<100000x128xf32, #tpu.memory_space<hbm>> -> memref<128x128xf32, #tpu.memory_space<hbm>>
      tpu.enqueue_dma source(%dma_start3A_1385 : memref<128x128xf32, #tpu.memory_space<hbm>>) target(%arg9 : memref<128x128xf32, #tpu.memory_space<vmem>>) target_semaphore(%arg17 : memref<!tpu.dma_semaphore, #tpu.memory_space<semaphore_mem>>)
    } else {
    }
    %mul3A_1034 = arith.constant 21 : i32
    %mul3A_1035 = arith.muli %add3A, %mul3A_1034 : i32
    %add3A_1036 = arith.constant 11 : i32
    %add3A_1037 = arith.addi %mul3A_1035, %add3A_1036 : i32
    %mul3A_1038 = arith.constant 128 : i32
    %mul3A_1039 = arith.muli %add3A_1037, %mul3A_1038 : i32
    %add3A_1040 = arith.constant 128 : i32
    %add3A_1041 = arith.addi %mul3A_1039, %add3A_1040 : i32
    %le3A_1042 = arith.constant 83200 : i32
    %le3A_1043 = arith.cmpi sle, %add3A_1041, %le3A_1042 : i32
    %convert_element_type3A_1044 = arith.extui %le3A_1043 : i1 to i32
    %cond3A_1045 = arith.constant 0 : i32
    %cond3A_1046 = arith.cmpi ne, %convert_element_type3A_1044, %cond3A_1045 : i32
    scf.if %cond3A_1046 {
      %mul3A_1377 = arith.constant 21 : i32
      %mul3A_1378 = arith.muli %add3A, %mul3A_1377 : i32
      %add3A_1379 = arith.constant 11 : i32
      %add3A_1380 = arith.addi %mul3A_1378, %add3A_1379 : i32
      %mul3A_1381 = arith.constant 128 : i32
      %mul3A_1382 = arith.muli %add3A_1380, %mul3A_1381 : i32
      %dma_wait3A = arith.constant 0 : i32
      %dma_wait3A_1383 = tpu.memref_slice %arg2[%mul3A_1382, %dma_wait3A] : memref<100000x128xf32, #tpu.memory_space<hbm>> -> memref<128x128xf32, #tpu.memory_space<hbm>>
      %dma_wait3A_1384 = arith.constant 0 : i32
      %dma_wait3A_1385 = tpu.memref_slice %arg2[%mul3A_1382, %dma_wait3A_1384] : memref<100000x128xf32, #tpu.memory_space<hbm>> -> memref<128x128xf32, #tpu.memory_space<hbm>>
      tpu.wait_dma2 semaphore(%arg19 : memref<!tpu.dma_semaphore, #tpu.memory_space<semaphore_mem>>) src(%dma_wait3A_1385 : memref<128x128xf32, #tpu.memory_space<hbm>>) dst(%arg11 : memref<128x128xf32, #tpu.memory_space<vmem>>)
      %dma_start3A = arith.constant 11 : i32
      %dma_start3A_1386 = arith.constant 0 : i32
      %dma_start3A_1387 = tpu.memref_slice %arg5[%dma_start3A, %dma_start3A_1386] : memref<21x128xi32, #tpu.memory_space<vmem>> -> memref<1x128xi32, #tpu.memory_space<vmem>>
      %dma_start3A_1388 = tpu.memref_squeeze %dma_start3A_1387 : memref<1x128xi32, #tpu.memory_space<vmem>> -> memref<128xi32, #tpu.memory_space<vmem>>
      %dma_start3A_1389 = arith.constant 0 : i32
      %dma_start3A_1390 = arith.constant 0 : i32
      %dma_start3A_1391 = tpu.memref_slice %arg13[%dma_start3A_1389, %dma_start3A_1390] : memref<1152x128xf32, #tpu.memory_space<vmem_shared>> -> memref<1152x128xf32, #tpu.memory_space<vmem_shared>>
      tpu.enqueue_indirect_dma source(%arg11 : memref<128x128xf32, #tpu.memory_space<vmem>>) target(%dma_start3A_1391 : memref<1152x128xf32, #tpu.memory_space<vmem_shared>>) offsets(%dma_start3A_1388 : memref<128xi32, #tpu.memory_space<vmem>>) semaphore(%arg25 : memref<!tpu.dma_semaphore, #tpu.memory_space<semaphore_mem>>) {add = true}
    } else {
    }
    %mul3A_1047 = arith.constant 21 : i32
    %mul3A_1048 = arith.muli %add3A, %mul3A_1047 : i32
    %add3A_1049 = arith.constant 10 : i32
    %add3A_1050 = arith.addi %mul3A_1048, %add3A_1049 : i32
    %mul3A_1051 = arith.constant 128 : i32
    %mul3A_1052 = arith.muli %add3A_1050, %mul3A_1051 : i32
    %add3A_1053 = arith.constant 128 : i32
    %add3A_1054 = arith.addi %mul3A_1052, %add3A_1053 : i32
    %le3A_1055 = arith.constant 83200 : i32
    %le3A_1056 = arith.cmpi sle, %add3A_1054, %le3A_1055 : i32
    %convert_element_type3A_1057 = arith.extui %le3A_1056 : i1 to i32
    %cond3A_1058 = arith.constant 0 : i32
    %cond3A_1059 = arith.cmpi ne, %convert_element_type3A_1057, %cond3A_1058 : i32
    scf.if %cond3A_1059 {
      %dma_wait3A = arith.constant 10 : i32
      %dma_wait3A_1377 = arith.constant 0 : i32
      %dma_wait3A_1378 = tpu.memref_slice %arg5[%dma_wait3A, %dma_wait3A_1377] : memref<21x128xi32, #tpu.memory_space<vmem>> -> memref<1x128xi32, #tpu.memory_space<vmem>>
      %dma_wait3A_1379 = tpu.memref_squeeze %dma_wait3A_1378 : memref<1x128xi32, #tpu.memory_space<vmem>> -> memref<128xi32, #tpu.memory_space<vmem>>
      %dma_wait3A_1380 = arith.constant 0 : i32
      %dma_wait3A_1381 = arith.constant 0 : i32
      %dma_wait3A_1382 = tpu.memref_slice %arg13[%dma_wait3A_1380, %dma_wait3A_1381] : memref<1152x128xf32, #tpu.memory_space<vmem_shared>> -> memref<1152x128xf32, #tpu.memory_space<vmem_shared>>
      tpu.wait_indirect_dma semaphore(%arg24 : memref<!tpu.dma_semaphore, #tpu.memory_space<semaphore_mem>>) src(%arg10 : memref<128x128xf32, #tpu.memory_space<vmem>>) dst(%dma_wait3A_1382 : memref<1152x128xf32, #tpu.memory_space<vmem_shared>>)
    } else {
    }
    %mul3A_1060 = arith.constant 21 : i32
    %mul3A_1061 = arith.muli %add3A, %mul3A_1060 : i32
    %add3A_1062 = arith.constant 16 : i32
    %add3A_1063 = arith.addi %mul3A_1061, %add3A_1062 : i32
    %mul3A_1064 = arith.constant 128 : i32
    %mul3A_1065 = arith.muli %add3A_1063, %mul3A_1064 : i32
    %add3A_1066 = arith.constant 128 : i32
    %add3A_1067 = arith.addi %mul3A_1065, %add3A_1066 : i32
    %le3A_1068 = arith.constant 83200 : i32
    %le3A_1069 = arith.cmpi sle, %add3A_1067, %le3A_1068 : i32
    %convert_element_type3A_1070 = arith.extui %le3A_1069 : i1 to i32
    %cond3A_1071 = arith.constant 0 : i32
    %cond3A_1072 = arith.cmpi ne, %convert_element_type3A_1070, %cond3A_1071 : i32
    scf.if %cond3A_1072 {
      %mul3A_1377 = arith.constant 21 : i32
      %mul3A_1378 = arith.muli %add3A, %mul3A_1377 : i32
      %add3A_1379 = arith.constant 16 : i32
      %add3A_1380 = arith.addi %mul3A_1378, %add3A_1379 : i32
      %mul3A_1381 = arith.constant 128 : i32
      %mul3A_1382 = arith.muli %add3A_1380, %mul3A_1381 : i32
      %dma_start3A = arith.constant 0 : i32
      %dma_start3A_1383 = tpu.memref_slice %arg2[%mul3A_1382, %dma_start3A] : memref<100000x128xf32, #tpu.memory_space<hbm>> -> memref<128x128xf32, #tpu.memory_space<hbm>>
      %dma_start3A_1384 = arith.constant 0 : i32
      %dma_start3A_1385 = tpu.memref_slice %arg2[%mul3A_1382, %dma_start3A_1384] : memref<100000x128xf32, #tpu.memory_space<hbm>> -> memref<128x128xf32, #tpu.memory_space<hbm>>
      tpu.enqueue_dma source(%dma_start3A_1385 : memref<128x128xf32, #tpu.memory_space<hbm>>) target(%arg10 : memref<128x128xf32, #tpu.memory_space<vmem>>) target_semaphore(%arg18 : memref<!tpu.dma_semaphore, #tpu.memory_space<semaphore_mem>>)
    } else {
    }
    %mul3A_1073 = arith.constant 21 : i32
    %mul3A_1074 = arith.muli %add3A, %mul3A_1073 : i32
    %add3A_1075 = arith.constant 12 : i32
    %add3A_1076 = arith.addi %mul3A_1074, %add3A_1075 : i32
    %mul3A_1077 = arith.constant 128 : i32
    %mul3A_1078 = arith.muli %add3A_1076, %mul3A_1077 : i32
    %add3A_1079 = arith.constant 128 : i32
    %add3A_1080 = arith.addi %mul3A_1078, %add3A_1079 : i32
    %le3A_1081 = arith.constant 83200 : i32
    %le3A_1082 = arith.cmpi sle, %add3A_1080, %le3A_1081 : i32
    %convert_element_type3A_1083 = arith.extui %le3A_1082 : i1 to i32
    %cond3A_1084 = arith.constant 0 : i32
    %cond3A_1085 = arith.cmpi ne, %convert_element_type3A_1083, %cond3A_1084 : i32
    scf.if %cond3A_1085 {
      %mul3A_1377 = arith.constant 21 : i32
      %mul3A_1378 = arith.muli %add3A, %mul3A_1377 : i32
      %add3A_1379 = arith.constant 12 : i32
      %add3A_1380 = arith.addi %mul3A_1378, %add3A_1379 : i32
      %mul3A_1381 = arith.constant 128 : i32
      %mul3A_1382 = arith.muli %add3A_1380, %mul3A_1381 : i32
      %dma_wait3A = arith.constant 0 : i32
      %dma_wait3A_1383 = tpu.memref_slice %arg2[%mul3A_1382, %dma_wait3A] : memref<100000x128xf32, #tpu.memory_space<hbm>> -> memref<128x128xf32, #tpu.memory_space<hbm>>
      %dma_wait3A_1384 = arith.constant 0 : i32
      %dma_wait3A_1385 = tpu.memref_slice %arg2[%mul3A_1382, %dma_wait3A_1384] : memref<100000x128xf32, #tpu.memory_space<hbm>> -> memref<128x128xf32, #tpu.memory_space<hbm>>
      tpu.wait_dma2 semaphore(%arg14 : memref<!tpu.dma_semaphore, #tpu.memory_space<semaphore_mem>>) src(%dma_wait3A_1385 : memref<128x128xf32, #tpu.memory_space<hbm>>) dst(%arg6 : memref<128x128xf32, #tpu.memory_space<vmem>>)
      %dma_start3A = arith.constant 12 : i32
      %dma_start3A_1386 = arith.constant 0 : i32
      %dma_start3A_1387 = tpu.memref_slice %arg5[%dma_start3A, %dma_start3A_1386] : memref<21x128xi32, #tpu.memory_space<vmem>> -> memref<1x128xi32, #tpu.memory_space<vmem>>
      %dma_start3A_1388 = tpu.memref_squeeze %dma_start3A_1387 : memref<1x128xi32, #tpu.memory_space<vmem>> -> memref<128xi32, #tpu.memory_space<vmem>>
      %dma_start3A_1389 = arith.constant 0 : i32
      %dma_start3A_1390 = arith.constant 0 : i32
      %dma_start3A_1391 = tpu.memref_slice %arg13[%dma_start3A_1389, %dma_start3A_1390] : memref<1152x128xf32, #tpu.memory_space<vmem_shared>> -> memref<1152x128xf32, #tpu.memory_space<vmem_shared>>
      tpu.enqueue_indirect_dma source(%arg6 : memref<128x128xf32, #tpu.memory_space<vmem>>) target(%dma_start3A_1391 : memref<1152x128xf32, #tpu.memory_space<vmem_shared>>) offsets(%dma_start3A_1388 : memref<128xi32, #tpu.memory_space<vmem>>) semaphore(%arg20 : memref<!tpu.dma_semaphore, #tpu.memory_space<semaphore_mem>>) {add = true}
    } else {
    }
    %mul3A_1086 = arith.constant 21 : i32
    %mul3A_1087 = arith.muli %add3A, %mul3A_1086 : i32
    %add3A_1088 = arith.constant 11 : i32
    %add3A_1089 = arith.addi %mul3A_1087, %add3A_1088 : i32
    %mul3A_1090 = arith.constant 128 : i32
    %mul3A_1091 = arith.muli %add3A_1089, %mul3A_1090 : i32
    %add3A_1092 = arith.constant 128 : i32
    %add3A_1093 = arith.addi %mul3A_1091, %add3A_1092 : i32
    %le3A_1094 = arith.constant 83200 : i32
    %le3A_1095 = arith.cmpi sle, %add3A_1093, %le3A_1094 : i32
    %convert_element_type3A_1096 = arith.extui %le3A_1095 : i1 to i32
    %cond3A_1097 = arith.constant 0 : i32
    %cond3A_1098 = arith.cmpi ne, %convert_element_type3A_1096, %cond3A_1097 : i32
    scf.if %cond3A_1098 {
      %dma_wait3A = arith.constant 11 : i32
      %dma_wait3A_1377 = arith.constant 0 : i32
      %dma_wait3A_1378 = tpu.memref_slice %arg5[%dma_wait3A, %dma_wait3A_1377] : memref<21x128xi32, #tpu.memory_space<vmem>> -> memref<1x128xi32, #tpu.memory_space<vmem>>
      %dma_wait3A_1379 = tpu.memref_squeeze %dma_wait3A_1378 : memref<1x128xi32, #tpu.memory_space<vmem>> -> memref<128xi32, #tpu.memory_space<vmem>>
      %dma_wait3A_1380 = arith.constant 0 : i32
      %dma_wait3A_1381 = arith.constant 0 : i32
      %dma_wait3A_1382 = tpu.memref_slice %arg13[%dma_wait3A_1380, %dma_wait3A_1381] : memref<1152x128xf32, #tpu.memory_space<vmem_shared>> -> memref<1152x128xf32, #tpu.memory_space<vmem_shared>>
      tpu.wait_indirect_dma semaphore(%arg25 : memref<!tpu.dma_semaphore, #tpu.memory_space<semaphore_mem>>) src(%arg11 : memref<128x128xf32, #tpu.memory_space<vmem>>) dst(%dma_wait3A_1382 : memref<1152x128xf32, #tpu.memory_space<vmem_shared>>)
    } else {
    }
    %mul3A_1099 = arith.constant 21 : i32
    %mul3A_1100 = arith.muli %add3A, %mul3A_1099 : i32
    %add3A_1101 = arith.constant 17 : i32
    %add3A_1102 = arith.addi %mul3A_1100, %add3A_1101 : i32
    %mul3A_1103 = arith.constant 128 : i32
    %mul3A_1104 = arith.muli %add3A_1102, %mul3A_1103 : i32
    %add3A_1105 = arith.constant 128 : i32
    %add3A_1106 = arith.addi %mul3A_1104, %add3A_1105 : i32
    %le3A_1107 = arith.constant 83200 : i32
    %le3A_1108 = arith.cmpi sle, %add3A_1106, %le3A_1107 : i32
    %convert_element_type3A_1109 = arith.extui %le3A_1108 : i1 to i32
    %cond3A_1110 = arith.constant 0 : i32
    %cond3A_1111 = arith.cmpi ne, %convert_element_type3A_1109, %cond3A_1110 : i32
    scf.if %cond3A_1111 {
      %mul3A_1377 = arith.constant 21 : i32
      %mul3A_1378 = arith.muli %add3A, %mul3A_1377 : i32
      %add3A_1379 = arith.constant 17 : i32
      %add3A_1380 = arith.addi %mul3A_1378, %add3A_1379 : i32
      %mul3A_1381 = arith.constant 128 : i32
      %mul3A_1382 = arith.muli %add3A_1380, %mul3A_1381 : i32
      %dma_start3A = arith.constant 0 : i32
      %dma_start3A_1383 = tpu.memref_slice %arg2[%mul3A_1382, %dma_start3A] : memref<100000x128xf32, #tpu.memory_space<hbm>> -> memref<128x128xf32, #tpu.memory_space<hbm>>
      %dma_start3A_1384 = arith.constant 0 : i32
      %dma_start3A_1385 = tpu.memref_slice %arg2[%mul3A_1382, %dma_start3A_1384] : memref<100000x128xf32, #tpu.memory_space<hbm>> -> memref<128x128xf32, #tpu.memory_space<hbm>>
      tpu.enqueue_dma source(%dma_start3A_1385 : memref<128x128xf32, #tpu.memory_space<hbm>>) target(%arg11 : memref<128x128xf32, #tpu.memory_space<vmem>>) target_semaphore(%arg19 : memref<!tpu.dma_semaphore, #tpu.memory_space<semaphore_mem>>)
    } else {
    }
    %mul3A_1112 = arith.constant 21 : i32
    %mul3A_1113 = arith.muli %add3A, %mul3A_1112 : i32
    %add3A_1114 = arith.constant 13 : i32
    %add3A_1115 = arith.addi %mul3A_1113, %add3A_1114 : i32
    %mul3A_1116 = arith.constant 128 : i32
    %mul3A_1117 = arith.muli %add3A_1115, %mul3A_1116 : i32
    %add3A_1118 = arith.constant 128 : i32
    %add3A_1119 = arith.addi %mul3A_1117, %add3A_1118 : i32
    %le3A_1120 = arith.constant 83200 : i32
    %le3A_1121 = arith.cmpi sle, %add3A_1119, %le3A_1120 : i32
    %convert_element_type3A_1122 = arith.extui %le3A_1121 : i1 to i32
    %cond3A_1123 = arith.constant 0 : i32
    %cond3A_1124 = arith.cmpi ne, %convert_element_type3A_1122, %cond3A_1123 : i32
    scf.if %cond3A_1124 {
      %mul3A_1377 = arith.constant 21 : i32
      %mul3A_1378 = arith.muli %add3A, %mul3A_1377 : i32
      %add3A_1379 = arith.constant 13 : i32
      %add3A_1380 = arith.addi %mul3A_1378, %add3A_1379 : i32
      %mul3A_1381 = arith.constant 128 : i32
      %mul3A_1382 = arith.muli %add3A_1380, %mul3A_1381 : i32
      %dma_wait3A = arith.constant 0 : i32
      %dma_wait3A_1383 = tpu.memref_slice %arg2[%mul3A_1382, %dma_wait3A] : memref<100000x128xf32, #tpu.memory_space<hbm>> -> memref<128x128xf32, #tpu.memory_space<hbm>>
      %dma_wait3A_1384 = arith.constant 0 : i32
      %dma_wait3A_1385 = tpu.memref_slice %arg2[%mul3A_1382, %dma_wait3A_1384] : memref<100000x128xf32, #tpu.memory_space<hbm>> -> memref<128x128xf32, #tpu.memory_space<hbm>>
      tpu.wait_dma2 semaphore(%arg15 : memref<!tpu.dma_semaphore, #tpu.memory_space<semaphore_mem>>) src(%dma_wait3A_1385 : memref<128x128xf32, #tpu.memory_space<hbm>>) dst(%arg7 : memref<128x128xf32, #tpu.memory_space<vmem>>)
      %dma_start3A = arith.constant 13 : i32
      %dma_start3A_1386 = arith.constant 0 : i32
      %dma_start3A_1387 = tpu.memref_slice %arg5[%dma_start3A, %dma_start3A_1386] : memref<21x128xi32, #tpu.memory_space<vmem>> -> memref<1x128xi32, #tpu.memory_space<vmem>>
      %dma_start3A_1388 = tpu.memref_squeeze %dma_start3A_1387 : memref<1x128xi32, #tpu.memory_space<vmem>> -> memref<128xi32, #tpu.memory_space<vmem>>
      %dma_start3A_1389 = arith.constant 0 : i32
      %dma_start3A_1390 = arith.constant 0 : i32
      %dma_start3A_1391 = tpu.memref_slice %arg13[%dma_start3A_1389, %dma_start3A_1390] : memref<1152x128xf32, #tpu.memory_space<vmem_shared>> -> memref<1152x128xf32, #tpu.memory_space<vmem_shared>>
      tpu.enqueue_indirect_dma source(%arg7 : memref<128x128xf32, #tpu.memory_space<vmem>>) target(%dma_start3A_1391 : memref<1152x128xf32, #tpu.memory_space<vmem_shared>>) offsets(%dma_start3A_1388 : memref<128xi32, #tpu.memory_space<vmem>>) semaphore(%arg21 : memref<!tpu.dma_semaphore, #tpu.memory_space<semaphore_mem>>) {add = true}
    } else {
    }
    %mul3A_1125 = arith.constant 21 : i32
    %mul3A_1126 = arith.muli %add3A, %mul3A_1125 : i32
    %add3A_1127 = arith.constant 12 : i32
    %add3A_1128 = arith.addi %mul3A_1126, %add3A_1127 : i32
    %mul3A_1129 = arith.constant 128 : i32
    %mul3A_1130 = arith.muli %add3A_1128, %mul3A_1129 : i32
    %add3A_1131 = arith.constant 128 : i32
    %add3A_1132 = arith.addi %mul3A_1130, %add3A_1131 : i32
    %le3A_1133 = arith.constant 83200 : i32
    %le3A_1134 = arith.cmpi sle, %add3A_1132, %le3A_1133 : i32
    %convert_element_type3A_1135 = arith.extui %le3A_1134 : i1 to i32
    %cond3A_1136 = arith.constant 0 : i32
    %cond3A_1137 = arith.cmpi ne, %convert_element_type3A_1135, %cond3A_1136 : i32
    scf.if %cond3A_1137 {
      %dma_wait3A = arith.constant 12 : i32
      %dma_wait3A_1377 = arith.constant 0 : i32
      %dma_wait3A_1378 = tpu.memref_slice %arg5[%dma_wait3A, %dma_wait3A_1377] : memref<21x128xi32, #tpu.memory_space<vmem>> -> memref<1x128xi32, #tpu.memory_space<vmem>>
      %dma_wait3A_1379 = tpu.memref_squeeze %dma_wait3A_1378 : memref<1x128xi32, #tpu.memory_space<vmem>> -> memref<128xi32, #tpu.memory_space<vmem>>
      %dma_wait3A_1380 = arith.constant 0 : i32
      %dma_wait3A_1381 = arith.constant 0 : i32
      %dma_wait3A_1382 = tpu.memref_slice %arg13[%dma_wait3A_1380, %dma_wait3A_1381] : memref<1152x128xf32, #tpu.memory_space<vmem_shared>> -> memref<1152x128xf32, #tpu.memory_space<vmem_shared>>
      tpu.wait_indirect_dma semaphore(%arg20 : memref<!tpu.dma_semaphore, #tpu.memory_space<semaphore_mem>>) src(%arg6 : memref<128x128xf32, #tpu.memory_space<vmem>>) dst(%dma_wait3A_1382 : memref<1152x128xf32, #tpu.memory_space<vmem_shared>>)
    } else {
    }
    %mul3A_1138 = arith.constant 21 : i32
    %mul3A_1139 = arith.muli %add3A, %mul3A_1138 : i32
    %add3A_1140 = arith.constant 18 : i32
    %add3A_1141 = arith.addi %mul3A_1139, %add3A_1140 : i32
    %mul3A_1142 = arith.constant 128 : i32
    %mul3A_1143 = arith.muli %add3A_1141, %mul3A_1142 : i32
    %add3A_1144 = arith.constant 128 : i32
    %add3A_1145 = arith.addi %mul3A_1143, %add3A_1144 : i32
    %le3A_1146 = arith.constant 83200 : i32
    %le3A_1147 = arith.cmpi sle, %add3A_1145, %le3A_1146 : i32
    %convert_element_type3A_1148 = arith.extui %le3A_1147 : i1 to i32
    %cond3A_1149 = arith.constant 0 : i32
    %cond3A_1150 = arith.cmpi ne, %convert_element_type3A_1148, %cond3A_1149 : i32
    scf.if %cond3A_1150 {
      %mul3A_1377 = arith.constant 21 : i32
      %mul3A_1378 = arith.muli %add3A, %mul3A_1377 : i32
      %add3A_1379 = arith.constant 18 : i32
      %add3A_1380 = arith.addi %mul3A_1378, %add3A_1379 : i32
      %mul3A_1381 = arith.constant 128 : i32
      %mul3A_1382 = arith.muli %add3A_1380, %mul3A_1381 : i32
      %dma_start3A = arith.constant 0 : i32
      %dma_start3A_1383 = tpu.memref_slice %arg2[%mul3A_1382, %dma_start3A] : memref<100000x128xf32, #tpu.memory_space<hbm>> -> memref<128x128xf32, #tpu.memory_space<hbm>>
      %dma_start3A_1384 = arith.constant 0 : i32
      %dma_start3A_1385 = tpu.memref_slice %arg2[%mul3A_1382, %dma_start3A_1384] : memref<100000x128xf32, #tpu.memory_space<hbm>> -> memref<128x128xf32, #tpu.memory_space<hbm>>
      tpu.enqueue_dma source(%dma_start3A_1385 : memref<128x128xf32, #tpu.memory_space<hbm>>) target(%arg6 : memref<128x128xf32, #tpu.memory_space<vmem>>) target_semaphore(%arg14 : memref<!tpu.dma_semaphore, #tpu.memory_space<semaphore_mem>>)
    } else {
    }
    %mul3A_1151 = arith.constant 21 : i32
    %mul3A_1152 = arith.muli %add3A, %mul3A_1151 : i32
    %add3A_1153 = arith.constant 14 : i32
    %add3A_1154 = arith.addi %mul3A_1152, %add3A_1153 : i32
    %mul3A_1155 = arith.constant 128 : i32
    %mul3A_1156 = arith.muli %add3A_1154, %mul3A_1155 : i32
    %add3A_1157 = arith.constant 128 : i32
    %add3A_1158 = arith.addi %mul3A_1156, %add3A_1157 : i32
    %le3A_1159 = arith.constant 83200 : i32
    %le3A_1160 = arith.cmpi sle, %add3A_1158, %le3A_1159 : i32
    %convert_element_type3A_1161 = arith.extui %le3A_1160 : i1 to i32
    %cond3A_1162 = arith.constant 0 : i32
    %cond3A_1163 = arith.cmpi ne, %convert_element_type3A_1161, %cond3A_1162 : i32
    scf.if %cond3A_1163 {
      %mul3A_1377 = arith.constant 21 : i32
      %mul3A_1378 = arith.muli %add3A, %mul3A_1377 : i32
      %add3A_1379 = arith.constant 14 : i32
      %add3A_1380 = arith.addi %mul3A_1378, %add3A_1379 : i32
      %mul3A_1381 = arith.constant 128 : i32
      %mul3A_1382 = arith.muli %add3A_1380, %mul3A_1381 : i32
      %dma_wait3A = arith.constant 0 : i32
      %dma_wait3A_1383 = tpu.memref_slice %arg2[%mul3A_1382, %dma_wait3A] : memref<100000x128xf32, #tpu.memory_space<hbm>> -> memref<128x128xf32, #tpu.memory_space<hbm>>
      %dma_wait3A_1384 = arith.constant 0 : i32
      %dma_wait3A_1385 = tpu.memref_slice %arg2[%mul3A_1382, %dma_wait3A_1384] : memref<100000x128xf32, #tpu.memory_space<hbm>> -> memref<128x128xf32, #tpu.memory_space<hbm>>
      tpu.wait_dma2 semaphore(%arg16 : memref<!tpu.dma_semaphore, #tpu.memory_space<semaphore_mem>>) src(%dma_wait3A_1385 : memref<128x128xf32, #tpu.memory_space<hbm>>) dst(%arg8 : memref<128x128xf32, #tpu.memory_space<vmem>>)
      %dma_start3A = arith.constant 14 : i32
      %dma_start3A_1386 = arith.constant 0 : i32
      %dma_start3A_1387 = tpu.memref_slice %arg5[%dma_start3A, %dma_start3A_1386] : memref<21x128xi32, #tpu.memory_space<vmem>> -> memref<1x128xi32, #tpu.memory_space<vmem>>
      %dma_start3A_1388 = tpu.memref_squeeze %dma_start3A_1387 : memref<1x128xi32, #tpu.memory_space<vmem>> -> memref<128xi32, #tpu.memory_space<vmem>>
      %dma_start3A_1389 = arith.constant 0 : i32
      %dma_start3A_1390 = arith.constant 0 : i32
      %dma_start3A_1391 = tpu.memref_slice %arg13[%dma_start3A_1389, %dma_start3A_1390] : memref<1152x128xf32, #tpu.memory_space<vmem_shared>> -> memref<1152x128xf32, #tpu.memory_space<vmem_shared>>
      tpu.enqueue_indirect_dma source(%arg8 : memref<128x128xf32, #tpu.memory_space<vmem>>) target(%dma_start3A_1391 : memref<1152x128xf32, #tpu.memory_space<vmem_shared>>) offsets(%dma_start3A_1388 : memref<128xi32, #tpu.memory_space<vmem>>) semaphore(%arg22 : memref<!tpu.dma_semaphore, #tpu.memory_space<semaphore_mem>>) {add = true}
    } else {
    }
    %mul3A_1164 = arith.constant 21 : i32
    %mul3A_1165 = arith.muli %add3A, %mul3A_1164 : i32
    %add3A_1166 = arith.constant 13 : i32
    %add3A_1167 = arith.addi %mul3A_1165, %add3A_1166 : i32
    %mul3A_1168 = arith.constant 128 : i32
    %mul3A_1169 = arith.muli %add3A_1167, %mul3A_1168 : i32
    %add3A_1170 = arith.constant 128 : i32
    %add3A_1171 = arith.addi %mul3A_1169, %add3A_1170 : i32
    %le3A_1172 = arith.constant 83200 : i32
    %le3A_1173 = arith.cmpi sle, %add3A_1171, %le3A_1172 : i32
    %convert_element_type3A_1174 = arith.extui %le3A_1173 : i1 to i32
    %cond3A_1175 = arith.constant 0 : i32
    %cond3A_1176 = arith.cmpi ne, %convert_element_type3A_1174, %cond3A_1175 : i32
    scf.if %cond3A_1176 {
      %dma_wait3A = arith.constant 13 : i32
      %dma_wait3A_1377 = arith.constant 0 : i32
      %dma_wait3A_1378 = tpu.memref_slice %arg5[%dma_wait3A, %dma_wait3A_1377] : memref<21x128xi32, #tpu.memory_space<vmem>> -> memref<1x128xi32, #tpu.memory_space<vmem>>
      %dma_wait3A_1379 = tpu.memref_squeeze %dma_wait3A_1378 : memref<1x128xi32, #tpu.memory_space<vmem>> -> memref<128xi32, #tpu.memory_space<vmem>>
      %dma_wait3A_1380 = arith.constant 0 : i32
      %dma_wait3A_1381 = arith.constant 0 : i32
      %dma_wait3A_1382 = tpu.memref_slice %arg13[%dma_wait3A_1380, %dma_wait3A_1381] : memref<1152x128xf32, #tpu.memory_space<vmem_shared>> -> memref<1152x128xf32, #tpu.memory_space<vmem_shared>>
      tpu.wait_indirect_dma semaphore(%arg21 : memref<!tpu.dma_semaphore, #tpu.memory_space<semaphore_mem>>) src(%arg7 : memref<128x128xf32, #tpu.memory_space<vmem>>) dst(%dma_wait3A_1382 : memref<1152x128xf32, #tpu.memory_space<vmem_shared>>)
    } else {
    }
    %mul3A_1177 = arith.constant 21 : i32
    %mul3A_1178 = arith.muli %add3A, %mul3A_1177 : i32
    %add3A_1179 = arith.constant 19 : i32
    %add3A_1180 = arith.addi %mul3A_1178, %add3A_1179 : i32
    %mul3A_1181 = arith.constant 128 : i32
    %mul3A_1182 = arith.muli %add3A_1180, %mul3A_1181 : i32
    %add3A_1183 = arith.constant 128 : i32
    %add3A_1184 = arith.addi %mul3A_1182, %add3A_1183 : i32
    %le3A_1185 = arith.constant 83200 : i32
    %le3A_1186 = arith.cmpi sle, %add3A_1184, %le3A_1185 : i32
    %convert_element_type3A_1187 = arith.extui %le3A_1186 : i1 to i32
    %cond3A_1188 = arith.constant 0 : i32
    %cond3A_1189 = arith.cmpi ne, %convert_element_type3A_1187, %cond3A_1188 : i32
    scf.if %cond3A_1189 {
      %mul3A_1377 = arith.constant 21 : i32
      %mul3A_1378 = arith.muli %add3A, %mul3A_1377 : i32
      %add3A_1379 = arith.constant 19 : i32
      %add3A_1380 = arith.addi %mul3A_1378, %add3A_1379 : i32
      %mul3A_1381 = arith.constant 128 : i32
      %mul3A_1382 = arith.muli %add3A_1380, %mul3A_1381 : i32
      %dma_start3A = arith.constant 0 : i32
      %dma_start3A_1383 = tpu.memref_slice %arg2[%mul3A_1382, %dma_start3A] : memref<100000x128xf32, #tpu.memory_space<hbm>> -> memref<128x128xf32, #tpu.memory_space<hbm>>
      %dma_start3A_1384 = arith.constant 0 : i32
      %dma_start3A_1385 = tpu.memref_slice %arg2[%mul3A_1382, %dma_start3A_1384] : memref<100000x128xf32, #tpu.memory_space<hbm>> -> memref<128x128xf32, #tpu.memory_space<hbm>>
      tpu.enqueue_dma source(%dma_start3A_1385 : memref<128x128xf32, #tpu.memory_space<hbm>>) target(%arg7 : memref<128x128xf32, #tpu.memory_space<vmem>>) target_semaphore(%arg15 : memref<!tpu.dma_semaphore, #tpu.memory_space<semaphore_mem>>)
    } else {
    }
    %mul3A_1190 = arith.constant 21 : i32
    %mul3A_1191 = arith.muli %add3A, %mul3A_1190 : i32
    %add3A_1192 = arith.constant 15 : i32
    %add3A_1193 = arith.addi %mul3A_1191, %add3A_1192 : i32
    %mul3A_1194 = arith.constant 128 : i32
    %mul3A_1195 = arith.muli %add3A_1193, %mul3A_1194 : i32
    %add3A_1196 = arith.constant 128 : i32
    %add3A_1197 = arith.addi %mul3A_1195, %add3A_1196 : i32
    %le3A_1198 = arith.constant 83200 : i32
    %le3A_1199 = arith.cmpi sle, %add3A_1197, %le3A_1198 : i32
    %convert_element_type3A_1200 = arith.extui %le3A_1199 : i1 to i32
    %cond3A_1201 = arith.constant 0 : i32
    %cond3A_1202 = arith.cmpi ne, %convert_element_type3A_1200, %cond3A_1201 : i32
    scf.if %cond3A_1202 {
      %mul3A_1377 = arith.constant 21 : i32
      %mul3A_1378 = arith.muli %add3A, %mul3A_1377 : i32
      %add3A_1379 = arith.constant 15 : i32
      %add3A_1380 = arith.addi %mul3A_1378, %add3A_1379 : i32
      %mul3A_1381 = arith.constant 128 : i32
      %mul3A_1382 = arith.muli %add3A_1380, %mul3A_1381 : i32
      %dma_wait3A = arith.constant 0 : i32
      %dma_wait3A_1383 = tpu.memref_slice %arg2[%mul3A_1382, %dma_wait3A] : memref<100000x128xf32, #tpu.memory_space<hbm>> -> memref<128x128xf32, #tpu.memory_space<hbm>>
      %dma_wait3A_1384 = arith.constant 0 : i32
      %dma_wait3A_1385 = tpu.memref_slice %arg2[%mul3A_1382, %dma_wait3A_1384] : memref<100000x128xf32, #tpu.memory_space<hbm>> -> memref<128x128xf32, #tpu.memory_space<hbm>>
      tpu.wait_dma2 semaphore(%arg17 : memref<!tpu.dma_semaphore, #tpu.memory_space<semaphore_mem>>) src(%dma_wait3A_1385 : memref<128x128xf32, #tpu.memory_space<hbm>>) dst(%arg9 : memref<128x128xf32, #tpu.memory_space<vmem>>)
      %dma_start3A = arith.constant 15 : i32
      %dma_start3A_1386 = arith.constant 0 : i32
      %dma_start3A_1387 = tpu.memref_slice %arg5[%dma_start3A, %dma_start3A_1386] : memref<21x128xi32, #tpu.memory_space<vmem>> -> memref<1x128xi32, #tpu.memory_space<vmem>>
      %dma_start3A_1388 = tpu.memref_squeeze %dma_start3A_1387 : memref<1x128xi32, #tpu.memory_space<vmem>> -> memref<128xi32, #tpu.memory_space<vmem>>
      %dma_start3A_1389 = arith.constant 0 : i32
      %dma_start3A_1390 = arith.constant 0 : i32
      %dma_start3A_1391 = tpu.memref_slice %arg13[%dma_start3A_1389, %dma_start3A_1390] : memref<1152x128xf32, #tpu.memory_space<vmem_shared>> -> memref<1152x128xf32, #tpu.memory_space<vmem_shared>>
      tpu.enqueue_indirect_dma source(%arg9 : memref<128x128xf32, #tpu.memory_space<vmem>>) target(%dma_start3A_1391 : memref<1152x128xf32, #tpu.memory_space<vmem_shared>>) offsets(%dma_start3A_1388 : memref<128xi32, #tpu.memory_space<vmem>>) semaphore(%arg23 : memref<!tpu.dma_semaphore, #tpu.memory_space<semaphore_mem>>) {add = true}
    } else {
    }
    %mul3A_1203 = arith.constant 21 : i32
    %mul3A_1204 = arith.muli %add3A, %mul3A_1203 : i32
    %add3A_1205 = arith.constant 14 : i32
    %add3A_1206 = arith.addi %mul3A_1204, %add3A_1205 : i32
    %mul3A_1207 = arith.constant 128 : i32
    %mul3A_1208 = arith.muli %add3A_1206, %mul3A_1207 : i32
    %add3A_1209 = arith.constant 128 : i32
    %add3A_1210 = arith.addi %mul3A_1208, %add3A_1209 : i32
    %le3A_1211 = arith.constant 83200 : i32
    %le3A_1212 = arith.cmpi sle, %add3A_1210, %le3A_1211 : i32
    %convert_element_type3A_1213 = arith.extui %le3A_1212 : i1 to i32
    %cond3A_1214 = arith.constant 0 : i32
    %cond3A_1215 = arith.cmpi ne, %convert_element_type3A_1213, %cond3A_1214 : i32
    scf.if %cond3A_1215 {
      %dma_wait3A = arith.constant 14 : i32
      %dma_wait3A_1377 = arith.constant 0 : i32
      %dma_wait3A_1378 = tpu.memref_slice %arg5[%dma_wait3A, %dma_wait3A_1377] : memref<21x128xi32, #tpu.memory_space<vmem>> -> memref<1x128xi32, #tpu.memory_space<vmem>>
      %dma_wait3A_1379 = tpu.memref_squeeze %dma_wait3A_1378 : memref<1x128xi32, #tpu.memory_space<vmem>> -> memref<128xi32, #tpu.memory_space<vmem>>
      %dma_wait3A_1380 = arith.constant 0 : i32
      %dma_wait3A_1381 = arith.constant 0 : i32
      %dma_wait3A_1382 = tpu.memref_slice %arg13[%dma_wait3A_1380, %dma_wait3A_1381] : memref<1152x128xf32, #tpu.memory_space<vmem_shared>> -> memref<1152x128xf32, #tpu.memory_space<vmem_shared>>
      tpu.wait_indirect_dma semaphore(%arg22 : memref<!tpu.dma_semaphore, #tpu.memory_space<semaphore_mem>>) src(%arg8 : memref<128x128xf32, #tpu.memory_space<vmem>>) dst(%dma_wait3A_1382 : memref<1152x128xf32, #tpu.memory_space<vmem_shared>>)
    } else {
    }
    %mul3A_1216 = arith.constant 21 : i32
    %mul3A_1217 = arith.muli %add3A, %mul3A_1216 : i32
    %add3A_1218 = arith.constant 20 : i32
    %add3A_1219 = arith.addi %mul3A_1217, %add3A_1218 : i32
    %mul3A_1220 = arith.constant 128 : i32
    %mul3A_1221 = arith.muli %add3A_1219, %mul3A_1220 : i32
    %add3A_1222 = arith.constant 128 : i32
    %add3A_1223 = arith.addi %mul3A_1221, %add3A_1222 : i32
    %le3A_1224 = arith.constant 83200 : i32
    %le3A_1225 = arith.cmpi sle, %add3A_1223, %le3A_1224 : i32
    %convert_element_type3A_1226 = arith.extui %le3A_1225 : i1 to i32
    %cond3A_1227 = arith.constant 0 : i32
    %cond3A_1228 = arith.cmpi ne, %convert_element_type3A_1226, %cond3A_1227 : i32
    scf.if %cond3A_1228 {
      %mul3A_1377 = arith.constant 21 : i32
      %mul3A_1378 = arith.muli %add3A, %mul3A_1377 : i32
      %add3A_1379 = arith.constant 20 : i32
      %add3A_1380 = arith.addi %mul3A_1378, %add3A_1379 : i32
      %mul3A_1381 = arith.constant 128 : i32
      %mul3A_1382 = arith.muli %add3A_1380, %mul3A_1381 : i32
      %dma_start3A = arith.constant 0 : i32
      %dma_start3A_1383 = tpu.memref_slice %arg2[%mul3A_1382, %dma_start3A] : memref<100000x128xf32, #tpu.memory_space<hbm>> -> memref<128x128xf32, #tpu.memory_space<hbm>>
      %dma_start3A_1384 = arith.constant 0 : i32
      %dma_start3A_1385 = tpu.memref_slice %arg2[%mul3A_1382, %dma_start3A_1384] : memref<100000x128xf32, #tpu.memory_space<hbm>> -> memref<128x128xf32, #tpu.memory_space<hbm>>
      tpu.enqueue_dma source(%dma_start3A_1385 : memref<128x128xf32, #tpu.memory_space<hbm>>) target(%arg8 : memref<128x128xf32, #tpu.memory_space<vmem>>) target_semaphore(%arg16 : memref<!tpu.dma_semaphore, #tpu.memory_space<semaphore_mem>>)
    } else {
    }
    %mul3A_1229 = arith.constant 21 : i32
    %mul3A_1230 = arith.muli %add3A, %mul3A_1229 : i32
    %add3A_1231 = arith.constant 16 : i32
    %add3A_1232 = arith.addi %mul3A_1230, %add3A_1231 : i32
    %mul3A_1233 = arith.constant 128 : i32
    %mul3A_1234 = arith.muli %add3A_1232, %mul3A_1233 : i32
    %add3A_1235 = arith.constant 128 : i32
    %add3A_1236 = arith.addi %mul3A_1234, %add3A_1235 : i32
    %le3A_1237 = arith.constant 83200 : i32
    %le3A_1238 = arith.cmpi sle, %add3A_1236, %le3A_1237 : i32
    %convert_element_type3A_1239 = arith.extui %le3A_1238 : i1 to i32
    %cond3A_1240 = arith.constant 0 : i32
    %cond3A_1241 = arith.cmpi ne, %convert_element_type3A_1239, %cond3A_1240 : i32
    scf.if %cond3A_1241 {
      %mul3A_1377 = arith.constant 21 : i32
      %mul3A_1378 = arith.muli %add3A, %mul3A_1377 : i32
      %add3A_1379 = arith.constant 16 : i32
      %add3A_1380 = arith.addi %mul3A_1378, %add3A_1379 : i32
      %mul3A_1381 = arith.constant 128 : i32
      %mul3A_1382 = arith.muli %add3A_1380, %mul3A_1381 : i32
      %dma_wait3A = arith.constant 0 : i32
      %dma_wait3A_1383 = tpu.memref_slice %arg2[%mul3A_1382, %dma_wait3A] : memref<100000x128xf32, #tpu.memory_space<hbm>> -> memref<128x128xf32, #tpu.memory_space<hbm>>
      %dma_wait3A_1384 = arith.constant 0 : i32
      %dma_wait3A_1385 = tpu.memref_slice %arg2[%mul3A_1382, %dma_wait3A_1384] : memref<100000x128xf32, #tpu.memory_space<hbm>> -> memref<128x128xf32, #tpu.memory_space<hbm>>
      tpu.wait_dma2 semaphore(%arg18 : memref<!tpu.dma_semaphore, #tpu.memory_space<semaphore_mem>>) src(%dma_wait3A_1385 : memref<128x128xf32, #tpu.memory_space<hbm>>) dst(%arg10 : memref<128x128xf32, #tpu.memory_space<vmem>>)
      %dma_start3A = arith.constant 16 : i32
      %dma_start3A_1386 = arith.constant 0 : i32
      %dma_start3A_1387 = tpu.memref_slice %arg5[%dma_start3A, %dma_start3A_1386] : memref<21x128xi32, #tpu.memory_space<vmem>> -> memref<1x128xi32, #tpu.memory_space<vmem>>
      %dma_start3A_1388 = tpu.memref_squeeze %dma_start3A_1387 : memref<1x128xi32, #tpu.memory_space<vmem>> -> memref<128xi32, #tpu.memory_space<vmem>>
      %dma_start3A_1389 = arith.constant 0 : i32
      %dma_start3A_1390 = arith.constant 0 : i32
      %dma_start3A_1391 = tpu.memref_slice %arg13[%dma_start3A_1389, %dma_start3A_1390] : memref<1152x128xf32, #tpu.memory_space<vmem_shared>> -> memref<1152x128xf32, #tpu.memory_space<vmem_shared>>
      tpu.enqueue_indirect_dma source(%arg10 : memref<128x128xf32, #tpu.memory_space<vmem>>) target(%dma_start3A_1391 : memref<1152x128xf32, #tpu.memory_space<vmem_shared>>) offsets(%dma_start3A_1388 : memref<128xi32, #tpu.memory_space<vmem>>) semaphore(%arg24 : memref<!tpu.dma_semaphore, #tpu.memory_space<semaphore_mem>>) {add = true}
    } else {
    }
    %mul3A_1242 = arith.constant 21 : i32
    %mul3A_1243 = arith.muli %add3A, %mul3A_1242 : i32
    %add3A_1244 = arith.constant 17 : i32
    %add3A_1245 = arith.addi %mul3A_1243, %add3A_1244 : i32
    %mul3A_1246 = arith.constant 128 : i32
    %mul3A_1247 = arith.muli %add3A_1245, %mul3A_1246 : i32
    %add3A_1248 = arith.constant 128 : i32
    %add3A_1249 = arith.addi %mul3A_1247, %add3A_1248 : i32
    %le3A_1250 = arith.constant 83200 : i32
    %le3A_1251 = arith.cmpi sle, %add3A_1249, %le3A_1250 : i32
    %convert_element_type3A_1252 = arith.extui %le3A_1251 : i1 to i32
    %cond3A_1253 = arith.constant 0 : i32
    %cond3A_1254 = arith.cmpi ne, %convert_element_type3A_1252, %cond3A_1253 : i32
    scf.if %cond3A_1254 {
      %mul3A_1377 = arith.constant 21 : i32
      %mul3A_1378 = arith.muli %add3A, %mul3A_1377 : i32
      %add3A_1379 = arith.constant 17 : i32
      %add3A_1380 = arith.addi %mul3A_1378, %add3A_1379 : i32
      %mul3A_1381 = arith.constant 128 : i32
      %mul3A_1382 = arith.muli %add3A_1380, %mul3A_1381 : i32
      %dma_wait3A = arith.constant 0 : i32
      %dma_wait3A_1383 = tpu.memref_slice %arg2[%mul3A_1382, %dma_wait3A] : memref<100000x128xf32, #tpu.memory_space<hbm>> -> memref<128x128xf32, #tpu.memory_space<hbm>>
      %dma_wait3A_1384 = arith.constant 0 : i32
      %dma_wait3A_1385 = tpu.memref_slice %arg2[%mul3A_1382, %dma_wait3A_1384] : memref<100000x128xf32, #tpu.memory_space<hbm>> -> memref<128x128xf32, #tpu.memory_space<hbm>>
      tpu.wait_dma2 semaphore(%arg19 : memref<!tpu.dma_semaphore, #tpu.memory_space<semaphore_mem>>) src(%dma_wait3A_1385 : memref<128x128xf32, #tpu.memory_space<hbm>>) dst(%arg11 : memref<128x128xf32, #tpu.memory_space<vmem>>)
      %dma_start3A = arith.constant 17 : i32
      %dma_start3A_1386 = arith.constant 0 : i32
      %dma_start3A_1387 = tpu.memref_slice %arg5[%dma_start3A, %dma_start3A_1386] : memref<21x128xi32, #tpu.memory_space<vmem>> -> memref<1x128xi32, #tpu.memory_space<vmem>>
      %dma_start3A_1388 = tpu.memref_squeeze %dma_start3A_1387 : memref<1x128xi32, #tpu.memory_space<vmem>> -> memref<128xi32, #tpu.memory_space<vmem>>
      %dma_start3A_1389 = arith.constant 0 : i32
      %dma_start3A_1390 = arith.constant 0 : i32
      %dma_start3A_1391 = tpu.memref_slice %arg13[%dma_start3A_1389, %dma_start3A_1390] : memref<1152x128xf32, #tpu.memory_space<vmem_shared>> -> memref<1152x128xf32, #tpu.memory_space<vmem_shared>>
      tpu.enqueue_indirect_dma source(%arg11 : memref<128x128xf32, #tpu.memory_space<vmem>>) target(%dma_start3A_1391 : memref<1152x128xf32, #tpu.memory_space<vmem_shared>>) offsets(%dma_start3A_1388 : memref<128xi32, #tpu.memory_space<vmem>>) semaphore(%arg25 : memref<!tpu.dma_semaphore, #tpu.memory_space<semaphore_mem>>) {add = true}
    } else {
    }
    %mul3A_1255 = arith.constant 21 : i32
    %mul3A_1256 = arith.muli %add3A, %mul3A_1255 : i32
    %add3A_1257 = arith.constant 18 : i32
    %add3A_1258 = arith.addi %mul3A_1256, %add3A_1257 : i32
    %mul3A_1259 = arith.constant 128 : i32
    %mul3A_1260 = arith.muli %add3A_1258, %mul3A_1259 : i32
    %add3A_1261 = arith.constant 128 : i32
    %add3A_1262 = arith.addi %mul3A_1260, %add3A_1261 : i32
    %le3A_1263 = arith.constant 83200 : i32
    %le3A_1264 = arith.cmpi sle, %add3A_1262, %le3A_1263 : i32
    %convert_element_type3A_1265 = arith.extui %le3A_1264 : i1 to i32
    %cond3A_1266 = arith.constant 0 : i32
    %cond3A_1267 = arith.cmpi ne, %convert_element_type3A_1265, %cond3A_1266 : i32
    scf.if %cond3A_1267 {
      %mul3A_1377 = arith.constant 21 : i32
      %mul3A_1378 = arith.muli %add3A, %mul3A_1377 : i32
      %add3A_1379 = arith.constant 18 : i32
      %add3A_1380 = arith.addi %mul3A_1378, %add3A_1379 : i32
      %mul3A_1381 = arith.constant 128 : i32
      %mul3A_1382 = arith.muli %add3A_1380, %mul3A_1381 : i32
      %dma_wait3A = arith.constant 0 : i32
      %dma_wait3A_1383 = tpu.memref_slice %arg2[%mul3A_1382, %dma_wait3A] : memref<100000x128xf32, #tpu.memory_space<hbm>> -> memref<128x128xf32, #tpu.memory_space<hbm>>
      %dma_wait3A_1384 = arith.constant 0 : i32
      %dma_wait3A_1385 = tpu.memref_slice %arg2[%mul3A_1382, %dma_wait3A_1384] : memref<100000x128xf32, #tpu.memory_space<hbm>> -> memref<128x128xf32, #tpu.memory_space<hbm>>
      tpu.wait_dma2 semaphore(%arg14 : memref<!tpu.dma_semaphore, #tpu.memory_space<semaphore_mem>>) src(%dma_wait3A_1385 : memref<128x128xf32, #tpu.memory_space<hbm>>) dst(%arg6 : memref<128x128xf32, #tpu.memory_space<vmem>>)
      %dma_start3A = arith.constant 18 : i32
      %dma_start3A_1386 = arith.constant 0 : i32
      %dma_start3A_1387 = tpu.memref_slice %arg5[%dma_start3A, %dma_start3A_1386] : memref<21x128xi32, #tpu.memory_space<vmem>> -> memref<1x128xi32, #tpu.memory_space<vmem>>
      %dma_start3A_1388 = tpu.memref_squeeze %dma_start3A_1387 : memref<1x128xi32, #tpu.memory_space<vmem>> -> memref<128xi32, #tpu.memory_space<vmem>>
      %dma_start3A_1389 = arith.constant 0 : i32
      %dma_start3A_1390 = arith.constant 0 : i32
      %dma_start3A_1391 = tpu.memref_slice %arg13[%dma_start3A_1389, %dma_start3A_1390] : memref<1152x128xf32, #tpu.memory_space<vmem_shared>> -> memref<1152x128xf32, #tpu.memory_space<vmem_shared>>
      tpu.enqueue_indirect_dma source(%arg6 : memref<128x128xf32, #tpu.memory_space<vmem>>) target(%dma_start3A_1391 : memref<1152x128xf32, #tpu.memory_space<vmem_shared>>) offsets(%dma_start3A_1388 : memref<128xi32, #tpu.memory_space<vmem>>) semaphore(%arg20 : memref<!tpu.dma_semaphore, #tpu.memory_space<semaphore_mem>>) {add = true}
    } else {
    }
    %mul3A_1268 = arith.constant 21 : i32
    %mul3A_1269 = arith.muli %add3A, %mul3A_1268 : i32
    %add3A_1270 = arith.constant 19 : i32
    %add3A_1271 = arith.addi %mul3A_1269, %add3A_1270 : i32
    %mul3A_1272 = arith.constant 128 : i32
    %mul3A_1273 = arith.muli %add3A_1271, %mul3A_1272 : i32
    %add3A_1274 = arith.constant 128 : i32
    %add3A_1275 = arith.addi %mul3A_1273, %add3A_1274 : i32
    %le3A_1276 = arith.constant 83200 : i32
    %le3A_1277 = arith.cmpi sle, %add3A_1275, %le3A_1276 : i32
    %convert_element_type3A_1278 = arith.extui %le3A_1277 : i1 to i32
    %cond3A_1279 = arith.constant 0 : i32
    %cond3A_1280 = arith.cmpi ne, %convert_element_type3A_1278, %cond3A_1279 : i32
    scf.if %cond3A_1280 {
      %mul3A_1377 = arith.constant 21 : i32
      %mul3A_1378 = arith.muli %add3A, %mul3A_1377 : i32
      %add3A_1379 = arith.constant 19 : i32
      %add3A_1380 = arith.addi %mul3A_1378, %add3A_1379 : i32
      %mul3A_1381 = arith.constant 128 : i32
      %mul3A_1382 = arith.muli %add3A_1380, %mul3A_1381 : i32
      %dma_wait3A = arith.constant 0 : i32
      %dma_wait3A_1383 = tpu.memref_slice %arg2[%mul3A_1382, %dma_wait3A] : memref<100000x128xf32, #tpu.memory_space<hbm>> -> memref<128x128xf32, #tpu.memory_space<hbm>>
      %dma_wait3A_1384 = arith.constant 0 : i32
      %dma_wait3A_1385 = tpu.memref_slice %arg2[%mul3A_1382, %dma_wait3A_1384] : memref<100000x128xf32, #tpu.memory_space<hbm>> -> memref<128x128xf32, #tpu.memory_space<hbm>>
      tpu.wait_dma2 semaphore(%arg15 : memref<!tpu.dma_semaphore, #tpu.memory_space<semaphore_mem>>) src(%dma_wait3A_1385 : memref<128x128xf32, #tpu.memory_space<hbm>>) dst(%arg7 : memref<128x128xf32, #tpu.memory_space<vmem>>)
      %dma_start3A = arith.constant 19 : i32
      %dma_start3A_1386 = arith.constant 0 : i32
      %dma_start3A_1387 = tpu.memref_slice %arg5[%dma_start3A, %dma_start3A_1386] : memref<21x128xi32, #tpu.memory_space<vmem>> -> memref<1x128xi32, #tpu.memory_space<vmem>>
      %dma_start3A_1388 = tpu.memref_squeeze %dma_start3A_1387 : memref<1x128xi32, #tpu.memory_space<vmem>> -> memref<128xi32, #tpu.memory_space<vmem>>
      %dma_start3A_1389 = arith.constant 0 : i32
      %dma_start3A_1390 = arith.constant 0 : i32
      %dma_start3A_1391 = tpu.memref_slice %arg13[%dma_start3A_1389, %dma_start3A_1390] : memref<1152x128xf32, #tpu.memory_space<vmem_shared>> -> memref<1152x128xf32, #tpu.memory_space<vmem_shared>>
      tpu.enqueue_indirect_dma source(%arg7 : memref<128x128xf32, #tpu.memory_space<vmem>>) target(%dma_start3A_1391 : memref<1152x128xf32, #tpu.memory_space<vmem_shared>>) offsets(%dma_start3A_1388 : memref<128xi32, #tpu.memory_space<vmem>>) semaphore(%arg21 : memref<!tpu.dma_semaphore, #tpu.memory_space<semaphore_mem>>) {add = true}
    } else {
    }
    %mul3A_1281 = arith.constant 21 : i32
    %mul3A_1282 = arith.muli %add3A, %mul3A_1281 : i32
    %add3A_1283 = arith.constant 20 : i32
    %add3A_1284 = arith.addi %mul3A_1282, %add3A_1283 : i32
    %mul3A_1285 = arith.constant 128 : i32
    %mul3A_1286 = arith.muli %add3A_1284, %mul3A_1285 : i32
    %add3A_1287 = arith.constant 128 : i32
    %add3A_1288 = arith.addi %mul3A_1286, %add3A_1287 : i32
    %le3A_1289 = arith.constant 83200 : i32
    %le3A_1290 = arith.cmpi sle, %add3A_1288, %le3A_1289 : i32
    %convert_element_type3A_1291 = arith.extui %le3A_1290 : i1 to i32
    %cond3A_1292 = arith.constant 0 : i32
    %cond3A_1293 = arith.cmpi ne, %convert_element_type3A_1291, %cond3A_1292 : i32
    scf.if %cond3A_1293 {
      %mul3A_1377 = arith.constant 21 : i32
      %mul3A_1378 = arith.muli %add3A, %mul3A_1377 : i32
      %add3A_1379 = arith.constant 20 : i32
      %add3A_1380 = arith.addi %mul3A_1378, %add3A_1379 : i32
      %mul3A_1381 = arith.constant 128 : i32
      %mul3A_1382 = arith.muli %add3A_1380, %mul3A_1381 : i32
      %dma_wait3A = arith.constant 0 : i32
      %dma_wait3A_1383 = tpu.memref_slice %arg2[%mul3A_1382, %dma_wait3A] : memref<100000x128xf32, #tpu.memory_space<hbm>> -> memref<128x128xf32, #tpu.memory_space<hbm>>
      %dma_wait3A_1384 = arith.constant 0 : i32
      %dma_wait3A_1385 = tpu.memref_slice %arg2[%mul3A_1382, %dma_wait3A_1384] : memref<100000x128xf32, #tpu.memory_space<hbm>> -> memref<128x128xf32, #tpu.memory_space<hbm>>
      tpu.wait_dma2 semaphore(%arg16 : memref<!tpu.dma_semaphore, #tpu.memory_space<semaphore_mem>>) src(%dma_wait3A_1385 : memref<128x128xf32, #tpu.memory_space<hbm>>) dst(%arg8 : memref<128x128xf32, #tpu.memory_space<vmem>>)
      %dma_start3A = arith.constant 20 : i32
      %dma_start3A_1386 = arith.constant 0 : i32
      %dma_start3A_1387 = tpu.memref_slice %arg5[%dma_start3A, %dma_start3A_1386] : memref<21x128xi32, #tpu.memory_space<vmem>> -> memref<1x128xi32, #tpu.memory_space<vmem>>
      %dma_start3A_1388 = tpu.memref_squeeze %dma_start3A_1387 : memref<1x128xi32, #tpu.memory_space<vmem>> -> memref<128xi32, #tpu.memory_space<vmem>>
      %dma_start3A_1389 = arith.constant 0 : i32
      %dma_start3A_1390 = arith.constant 0 : i32
      %dma_start3A_1391 = tpu.memref_slice %arg13[%dma_start3A_1389, %dma_start3A_1390] : memref<1152x128xf32, #tpu.memory_space<vmem_shared>> -> memref<1152x128xf32, #tpu.memory_space<vmem_shared>>
      tpu.enqueue_indirect_dma source(%arg8 : memref<128x128xf32, #tpu.memory_space<vmem>>) target(%dma_start3A_1391 : memref<1152x128xf32, #tpu.memory_space<vmem_shared>>) offsets(%dma_start3A_1388 : memref<128xi32, #tpu.memory_space<vmem>>) semaphore(%arg22 : memref<!tpu.dma_semaphore, #tpu.memory_space<semaphore_mem>>) {add = true}
    } else {
    }
    %mul3A_1294 = arith.constant 21 : i32
    %mul3A_1295 = arith.muli %add3A, %mul3A_1294 : i32
    %add3A_1296 = arith.constant 15 : i32
    %add3A_1297 = arith.addi %mul3A_1295, %add3A_1296 : i32
    %mul3A_1298 = arith.constant 128 : i32
    %mul3A_1299 = arith.muli %add3A_1297, %mul3A_1298 : i32
    %add3A_1300 = arith.constant 128 : i32
    %add3A_1301 = arith.addi %mul3A_1299, %add3A_1300 : i32
    %le3A_1302 = arith.constant 83200 : i32
    %le3A_1303 = arith.cmpi sle, %add3A_1301, %le3A_1302 : i32
    %convert_element_type3A_1304 = arith.extui %le3A_1303 : i1 to i32
    %cond3A_1305 = arith.constant 0 : i32
    %cond3A_1306 = arith.cmpi ne, %convert_element_type3A_1304, %cond3A_1305 : i32
    scf.if %cond3A_1306 {
      %dma_wait3A = arith.constant 15 : i32
      %dma_wait3A_1377 = arith.constant 0 : i32
      %dma_wait3A_1378 = tpu.memref_slice %arg5[%dma_wait3A, %dma_wait3A_1377] : memref<21x128xi32, #tpu.memory_space<vmem>> -> memref<1x128xi32, #tpu.memory_space<vmem>>
      %dma_wait3A_1379 = tpu.memref_squeeze %dma_wait3A_1378 : memref<1x128xi32, #tpu.memory_space<vmem>> -> memref<128xi32, #tpu.memory_space<vmem>>
      %dma_wait3A_1380 = arith.constant 0 : i32
      %dma_wait3A_1381 = arith.constant 0 : i32
      %dma_wait3A_1382 = tpu.memref_slice %arg13[%dma_wait3A_1380, %dma_wait3A_1381] : memref<1152x128xf32, #tpu.memory_space<vmem_shared>> -> memref<1152x128xf32, #tpu.memory_space<vmem_shared>>
      tpu.wait_indirect_dma semaphore(%arg23 : memref<!tpu.dma_semaphore, #tpu.memory_space<semaphore_mem>>) src(%arg9 : memref<128x128xf32, #tpu.memory_space<vmem>>) dst(%dma_wait3A_1382 : memref<1152x128xf32, #tpu.memory_space<vmem_shared>>)
    } else {
    }
    %mul3A_1307 = arith.constant 21 : i32
    %mul3A_1308 = arith.muli %add3A, %mul3A_1307 : i32
    %add3A_1309 = arith.constant 16 : i32
    %add3A_1310 = arith.addi %mul3A_1308, %add3A_1309 : i32
    %mul3A_1311 = arith.constant 128 : i32
    %mul3A_1312 = arith.muli %add3A_1310, %mul3A_1311 : i32
    %add3A_1313 = arith.constant 128 : i32
    %add3A_1314 = arith.addi %mul3A_1312, %add3A_1313 : i32
    %le3A_1315 = arith.constant 83200 : i32
    %le3A_1316 = arith.cmpi sle, %add3A_1314, %le3A_1315 : i32
    %convert_element_type3A_1317 = arith.extui %le3A_1316 : i1 to i32
    %cond3A_1318 = arith.constant 0 : i32
    %cond3A_1319 = arith.cmpi ne, %convert_element_type3A_1317, %cond3A_1318 : i32
    scf.if %cond3A_1319 {
      %dma_wait3A = arith.constant 16 : i32
      %dma_wait3A_1377 = arith.constant 0 : i32
      %dma_wait3A_1378 = tpu.memref_slice %arg5[%dma_wait3A, %dma_wait3A_1377] : memref<21x128xi32, #tpu.memory_space<vmem>> -> memref<1x128xi32, #tpu.memory_space<vmem>>
      %dma_wait3A_1379 = tpu.memref_squeeze %dma_wait3A_1378 : memref<1x128xi32, #tpu.memory_space<vmem>> -> memref<128xi32, #tpu.memory_space<vmem>>
      %dma_wait3A_1380 = arith.constant 0 : i32
      %dma_wait3A_1381 = arith.constant 0 : i32
      %dma_wait3A_1382 = tpu.memref_slice %arg13[%dma_wait3A_1380, %dma_wait3A_1381] : memref<1152x128xf32, #tpu.memory_space<vmem_shared>> -> memref<1152x128xf32, #tpu.memory_space<vmem_shared>>
      tpu.wait_indirect_dma semaphore(%arg24 : memref<!tpu.dma_semaphore, #tpu.memory_space<semaphore_mem>>) src(%arg10 : memref<128x128xf32, #tpu.memory_space<vmem>>) dst(%dma_wait3A_1382 : memref<1152x128xf32, #tpu.memory_space<vmem_shared>>)
    } else {
    }
    %mul3A_1320 = arith.constant 21 : i32
    %mul3A_1321 = arith.muli %add3A, %mul3A_1320 : i32
    %add3A_1322 = arith.constant 17 : i32
    %add3A_1323 = arith.addi %mul3A_1321, %add3A_1322 : i32
    %mul3A_1324 = arith.constant 128 : i32
    %mul3A_1325 = arith.muli %add3A_1323, %mul3A_1324 : i32
    %add3A_1326 = arith.constant 128 : i32
    %add3A_1327 = arith.addi %mul3A_1325, %add3A_1326 : i32
    %le3A_1328 = arith.constant 83200 : i32
    %le3A_1329 = arith.cmpi sle, %add3A_1327, %le3A_1328 : i32
    %convert_element_type3A_1330 = arith.extui %le3A_1329 : i1 to i32
    %cond3A_1331 = arith.constant 0 : i32
    %cond3A_1332 = arith.cmpi ne, %convert_element_type3A_1330, %cond3A_1331 : i32
    scf.if %cond3A_1332 {
      %dma_wait3A = arith.constant 17 : i32
      %dma_wait3A_1377 = arith.constant 0 : i32
      %dma_wait3A_1378 = tpu.memref_slice %arg5[%dma_wait3A, %dma_wait3A_1377] : memref<21x128xi32, #tpu.memory_space<vmem>> -> memref<1x128xi32, #tpu.memory_space<vmem>>
      %dma_wait3A_1379 = tpu.memref_squeeze %dma_wait3A_1378 : memref<1x128xi32, #tpu.memory_space<vmem>> -> memref<128xi32, #tpu.memory_space<vmem>>
      %dma_wait3A_1380 = arith.constant 0 : i32
      %dma_wait3A_1381 = arith.constant 0 : i32
      %dma_wait3A_1382 = tpu.memref_slice %arg13[%dma_wait3A_1380, %dma_wait3A_1381] : memref<1152x128xf32, #tpu.memory_space<vmem_shared>> -> memref<1152x128xf32, #tpu.memory_space<vmem_shared>>
      tpu.wait_indirect_dma semaphore(%arg25 : memref<!tpu.dma_semaphore, #tpu.memory_space<semaphore_mem>>) src(%arg11 : memref<128x128xf32, #tpu.memory_space<vmem>>) dst(%dma_wait3A_1382 : memref<1152x128xf32, #tpu.memory_space<vmem_shared>>)
    } else {
    }
    %mul3A_1333 = arith.constant 21 : i32
    %mul3A_1334 = arith.muli %add3A, %mul3A_1333 : i32
    %add3A_1335 = arith.constant 18 : i32
    %add3A_1336 = arith.addi %mul3A_1334, %add3A_1335 : i32
    %mul3A_1337 = arith.constant 128 : i32
    %mul3A_1338 = arith.muli %add3A_1336, %mul3A_1337 : i32
    %add3A_1339 = arith.constant 128 : i32
    %add3A_1340 = arith.addi %mul3A_1338, %add3A_1339 : i32
    %le3A_1341 = arith.constant 83200 : i32
    %le3A_1342 = arith.cmpi sle, %add3A_1340, %le3A_1341 : i32
    %convert_element_type3A_1343 = arith.extui %le3A_1342 : i1 to i32
    %cond3A_1344 = arith.constant 0 : i32
    %cond3A_1345 = arith.cmpi ne, %convert_element_type3A_1343, %cond3A_1344 : i32
    scf.if %cond3A_1345 {
      %dma_wait3A = arith.constant 18 : i32
      %dma_wait3A_1377 = arith.constant 0 : i32
      %dma_wait3A_1378 = tpu.memref_slice %arg5[%dma_wait3A, %dma_wait3A_1377] : memref<21x128xi32, #tpu.memory_space<vmem>> -> memref<1x128xi32, #tpu.memory_space<vmem>>
      %dma_wait3A_1379 = tpu.memref_squeeze %dma_wait3A_1378 : memref<1x128xi32, #tpu.memory_space<vmem>> -> memref<128xi32, #tpu.memory_space<vmem>>
      %dma_wait3A_1380 = arith.constant 0 : i32
      %dma_wait3A_1381 = arith.constant 0 : i32
      %dma_wait3A_1382 = tpu.memref_slice %arg13[%dma_wait3A_1380, %dma_wait3A_1381] : memref<1152x128xf32, #tpu.memory_space<vmem_shared>> -> memref<1152x128xf32, #tpu.memory_space<vmem_shared>>
      tpu.wait_indirect_dma semaphore(%arg20 : memref<!tpu.dma_semaphore, #tpu.memory_space<semaphore_mem>>) src(%arg6 : memref<128x128xf32, #tpu.memory_space<vmem>>) dst(%dma_wait3A_1382 : memref<1152x128xf32, #tpu.memory_space<vmem_shared>>)
    } else {
    }
    %mul3A_1346 = arith.constant 21 : i32
    %mul3A_1347 = arith.muli %add3A, %mul3A_1346 : i32
    %add3A_1348 = arith.constant 19 : i32
    %add3A_1349 = arith.addi %mul3A_1347, %add3A_1348 : i32
    %mul3A_1350 = arith.constant 128 : i32
    %mul3A_1351 = arith.muli %add3A_1349, %mul3A_1350 : i32
    %add3A_1352 = arith.constant 128 : i32
    %add3A_1353 = arith.addi %mul3A_1351, %add3A_1352 : i32
    %le3A_1354 = arith.constant 83200 : i32
    %le3A_1355 = arith.cmpi sle, %add3A_1353, %le3A_1354 : i32
    %convert_element_type3A_1356 = arith.extui %le3A_1355 : i1 to i32
    %cond3A_1357 = arith.constant 0 : i32
    %cond3A_1358 = arith.cmpi ne, %convert_element_type3A_1356, %cond3A_1357 : i32
    scf.if %cond3A_1358 {
      %dma_wait3A = arith.constant 19 : i32
      %dma_wait3A_1377 = arith.constant 0 : i32
      %dma_wait3A_1378 = tpu.memref_slice %arg5[%dma_wait3A, %dma_wait3A_1377] : memref<21x128xi32, #tpu.memory_space<vmem>> -> memref<1x128xi32, #tpu.memory_space<vmem>>
      %dma_wait3A_1379 = tpu.memref_squeeze %dma_wait3A_1378 : memref<1x128xi32, #tpu.memory_space<vmem>> -> memref<128xi32, #tpu.memory_space<vmem>>
      %dma_wait3A_1380 = arith.constant 0 : i32
      %dma_wait3A_1381 = arith.constant 0 : i32
      %dma_wait3A_1382 = tpu.memref_slice %arg13[%dma_wait3A_1380, %dma_wait3A_1381] : memref<1152x128xf32, #tpu.memory_space<vmem_shared>> -> memref<1152x128xf32, #tpu.memory_space<vmem_shared>>
      tpu.wait_indirect_dma semaphore(%arg21 : memref<!tpu.dma_semaphore, #tpu.memory_space<semaphore_mem>>) src(%arg7 : memref<128x128xf32, #tpu.memory_space<vmem>>) dst(%dma_wait3A_1382 : memref<1152x128xf32, #tpu.memory_space<vmem_shared>>)
    } else {
    }
    %mul3A_1359 = arith.constant 21 : i32
    %mul3A_1360 = arith.muli %add3A, %mul3A_1359 : i32
    %add3A_1361 = arith.constant 20 : i32
    %add3A_1362 = arith.addi %mul3A_1360, %add3A_1361 : i32
    %mul3A_1363 = arith.constant 128 : i32
    %mul3A_1364 = arith.muli %add3A_1362, %mul3A_1363 : i32
    %add3A_1365 = arith.constant 128 : i32
    %add3A_1366 = arith.addi %mul3A_1364, %add3A_1365 : i32
    %le3A_1367 = arith.constant 83200 : i32
    %le3A_1368 = arith.cmpi sle, %add3A_1366, %le3A_1367 : i32
    %convert_element_type3A_1369 = arith.extui %le3A_1368 : i1 to i32
    %cond3A_1370 = arith.constant 0 : i32
    %cond3A_1371 = arith.cmpi ne, %convert_element_type3A_1369, %cond3A_1370 : i32
    scf.if %cond3A_1371 {
      %dma_wait3A = arith.constant 20 : i32
      %dma_wait3A_1377 = arith.constant 0 : i32
      %dma_wait3A_1378 = tpu.memref_slice %arg5[%dma_wait3A, %dma_wait3A_1377] : memref<21x128xi32, #tpu.memory_space<vmem>> -> memref<1x128xi32, #tpu.memory_space<vmem>>
      %dma_wait3A_1379 = tpu.memref_squeeze %dma_wait3A_1378 : memref<1x128xi32, #tpu.memory_space<vmem>> -> memref<128xi32, #tpu.memory_space<vmem>>
      %dma_wait3A_1380 = arith.constant 0 : i32
      %dma_wait3A_1381 = arith.constant 0 : i32
      %dma_wait3A_1382 = tpu.memref_slice %arg13[%dma_wait3A_1380, %dma_wait3A_1381] : memref<1152x128xf32, #tpu.memory_space<vmem_shared>> -> memref<1152x128xf32, #tpu.memory_space<vmem_shared>>
      tpu.wait_indirect_dma semaphore(%arg22 : memref<!tpu.dma_semaphore, #tpu.memory_space<semaphore_mem>>) src(%arg8 : memref<128x128xf32, #tpu.memory_space<vmem>>) dst(%dma_wait3A_1382 : memref<1152x128xf32, #tpu.memory_space<vmem_shared>>)
    } else {
    }
    %barrier3A_1372 = arith.constant 0 : index
    tpu.barrier barrier_id(%barrier3A_1372)
    %mul3A_1373 = arith.constant 64 : i32
    %mul3A_1374 = arith.muli %arg1, %mul3A_1373 : i32
    "tpu.region"() ({
      %run_scoped3A = tpu.sem_alloc : memref<!tpu.dma_semaphore, #tpu.memory_space<semaphore_mem>>
      %dma_start3A = arith.constant 0 : i32
      %dma_start3A_1377 = arith.constant 0 : i32
      %dma_start3A_1378 = tpu.memref_slice %arg12[%dma_start3A, %dma_start3A_1377] : memref<72x128xf32, #tpu.memory_space<vmem>> -> memref<64x128xf32, #tpu.memory_space<vmem>>
      %dma_start3A_1379 = arith.constant 0 : i32
      %dma_start3A_1380 = tpu.memref_slice %arg13[%mul3A_1374, %dma_start3A_1379] : memref<1152x128xf32, #tpu.memory_space<vmem_shared>> -> memref<64x128xf32, #tpu.memory_space<vmem_shared>>
      %dma_start3A_1381 = arith.constant 0 : i32
      %dma_start3A_1382 = arith.constant 0 : i32
      %dma_start3A_1383 = tpu.memref_slice %arg12[%dma_start3A_1381, %dma_start3A_1382] : memref<72x128xf32, #tpu.memory_space<vmem>> -> memref<64x128xf32, #tpu.memory_space<vmem>>
      %dma_start3A_1384 = arith.constant 0 : i32
      %dma_start3A_1385 = tpu.memref_slice %arg13[%mul3A_1374, %dma_start3A_1384] : memref<1152x128xf32, #tpu.memory_space<vmem_shared>> -> memref<64x128xf32, #tpu.memory_space<vmem_shared>>
      tpu.enqueue_dma source(%dma_start3A_1385 : memref<64x128xf32, #tpu.memory_space<vmem_shared>>) target(%dma_start3A_1383 : memref<64x128xf32, #tpu.memory_space<vmem>>) target_semaphore(%run_scoped3A : memref<!tpu.dma_semaphore, #tpu.memory_space<semaphore_mem>>)
      %dma_wait3A = arith.constant 0 : i32
      %dma_wait3A_1386 = arith.constant 0 : i32
      %dma_wait3A_1387 = tpu.memref_slice %arg12[%dma_wait3A, %dma_wait3A_1386] : memref<72x128xf32, #tpu.memory_space<vmem>> -> memref<64x128xf32, #tpu.memory_space<vmem>>
      %dma_wait3A_1388 = arith.constant 0 : i32
      %dma_wait3A_1389 = tpu.memref_slice %arg13[%mul3A_1374, %dma_wait3A_1388] : memref<1152x128xf32, #tpu.memory_space<vmem_shared>> -> memref<64x128xf32, #tpu.memory_space<vmem_shared>>
      %dma_wait3A_1390 = arith.constant 0 : i32
      %dma_wait3A_1391 = arith.constant 0 : i32
      %dma_wait3A_1392 = tpu.memref_slice %arg12[%dma_wait3A_1390, %dma_wait3A_1391] : memref<72x128xf32, #tpu.memory_space<vmem>> -> memref<64x128xf32, #tpu.memory_space<vmem>>
      %dma_wait3A_1393 = arith.constant 0 : i32
      %dma_wait3A_1394 = tpu.memref_slice %arg13[%mul3A_1374, %dma_wait3A_1393] : memref<1152x128xf32, #tpu.memory_space<vmem_shared>> -> memref<64x128xf32, #tpu.memory_space<vmem_shared>>
      tpu.wait_dma2 semaphore(%run_scoped3A : memref<!tpu.dma_semaphore, #tpu.memory_space<semaphore_mem>>) src(%dma_wait3A_1394 : memref<64x128xf32, #tpu.memory_space<vmem_shared>>) dst(%dma_wait3A_1392 : memref<64x128xf32, #tpu.memory_space<vmem>>)
      tpu.yield
    }) : () -> ()
    %mul3A_1375 = arith.constant 64 : i32
    %mul3A_1376 = arith.muli %arg1, %mul3A_1375 : i32
    "tpu.region"() ({
      %run_scoped3A = tpu.sem_alloc : memref<!tpu.dma_semaphore, #tpu.memory_space<semaphore_mem>>
      %dma_start3A = arith.constant 0 : i32
      %dma_start3A_1377 = arith.constant 0 : i32
      %dma_start3A_1378 = tpu.memref_slice %arg12[%dma_start3A, %dma_start3A_1377] : memref<72x128xf32, #tpu.memory_space<vmem>> -> memref<64x128xf32, #tpu.memory_space<vmem>>
      %dma_start3A_1379 = arith.constant 0 : i32
      %dma_start3A_1380 = arith.constant 0 : i32
      %dma_start3A_1381 = tpu.memref_slice %arg4[%arg0, %dma_start3A_1379, %dma_start3A_1380] : memref<2x1024x128xf32, #tpu.memory_space<hbm>> -> memref<1x1024x128xf32, #tpu.memory_space<hbm>>
      %dma_start3A_1382 = tpu.memref_squeeze %dma_start3A_1381 : memref<1x1024x128xf32, #tpu.memory_space<hbm>> -> memref<1024x128xf32, #tpu.memory_space<hbm>>
      %dma_start3A_1383 = arith.constant 0 : i32
      %dma_start3A_1384 = tpu.memref_slice %dma_start3A_1382[%mul3A_1376, %dma_start3A_1383] : memref<1024x128xf32, #tpu.memory_space<hbm>> -> memref<64x128xf32, #tpu.memory_space<hbm>>
      %dma_start3A_1385 = arith.constant 0 : i32
      %dma_start3A_1386 = arith.constant 0 : i32
      %dma_start3A_1387 = tpu.memref_slice %arg4[%arg0, %dma_start3A_1385, %dma_start3A_1386] : memref<2x1024x128xf32, #tpu.memory_space<hbm>> -> memref<1x1024x128xf32, #tpu.memory_space<hbm>>
      %dma_start3A_1388 = tpu.memref_squeeze %dma_start3A_1387 : memref<1x1024x128xf32, #tpu.memory_space<hbm>> -> memref<1024x128xf32, #tpu.memory_space<hbm>>
      %dma_start3A_1389 = arith.constant 0 : i32
      %dma_start3A_1390 = tpu.memref_slice %dma_start3A_1388[%mul3A_1376, %dma_start3A_1389] : memref<1024x128xf32, #tpu.memory_space<hbm>> -> memref<64x128xf32, #tpu.memory_space<hbm>>
      %dma_start3A_1391 = arith.constant 0 : i32
      %dma_start3A_1392 = arith.constant 0 : i32
      %dma_start3A_1393 = tpu.memref_slice %arg12[%dma_start3A_1391, %dma_start3A_1392] : memref<72x128xf32, #tpu.memory_space<vmem>> -> memref<64x128xf32, #tpu.memory_space<vmem>>
      tpu.enqueue_dma source(%dma_start3A_1393 : memref<64x128xf32, #tpu.memory_space<vmem>>) target(%dma_start3A_1390 : memref<64x128xf32, #tpu.memory_space<hbm>>) target_semaphore(%run_scoped3A : memref<!tpu.dma_semaphore, #tpu.memory_space<semaphore_mem>>)
      %dma_wait3A = arith.constant 0 : i32
      %dma_wait3A_1394 = arith.constant 0 : i32
      %dma_wait3A_1395 = tpu.memref_slice %arg12[%dma_wait3A, %dma_wait3A_1394] : memref<72x128xf32, #tpu.memory_space<vmem>> -> memref<64x128xf32, #tpu.memory_space<vmem>>
      %dma_wait3A_1396 = arith.constant 0 : i32
      %dma_wait3A_1397 = arith.constant 0 : i32
      %dma_wait3A_1398 = tpu.memref_slice %arg4[%arg0, %dma_wait3A_1396, %dma_wait3A_1397] : memref<2x1024x128xf32, #tpu.memory_space<hbm>> -> memref<1x1024x128xf32, #tpu.memory_space<hbm>>
      %dma_wait3A_1399 = tpu.memref_squeeze %dma_wait3A_1398 : memref<1x1024x128xf32, #tpu.memory_space<hbm>> -> memref<1024x128xf32, #tpu.memory_space<hbm>>
      %dma_wait3A_1400 = arith.constant 0 : i32
      %dma_wait3A_1401 = tpu.memref_slice %dma_wait3A_1399[%mul3A_1376, %dma_wait3A_1400] : memref<1024x128xf32, #tpu.memory_space<hbm>> -> memref<64x128xf32, #tpu.memory_space<hbm>>
      %dma_wait3A_1402 = arith.constant 0 : i32
      %dma_wait3A_1403 = arith.constant 0 : i32
      %dma_wait3A_1404 = tpu.memref_slice %arg4[%arg0, %dma_wait3A_1402, %dma_wait3A_1403] : memref<2x1024x128xf32, #tpu.memory_space<hbm>> -> memref<1x1024x128xf32, #tpu.memory_space<hbm>>
      %dma_wait3A_1405 = tpu.memref_squeeze %dma_wait3A_1404 : memref<1x1024x128xf32, #tpu.memory_space<hbm>> -> memref<1024x128xf32, #tpu.memory_space<hbm>>
      %dma_wait3A_1406 = arith.constant 0 : i32
      %dma_wait3A_1407 = tpu.memref_slice %dma_wait3A_1405[%mul3A_1376, %dma_wait3A_1406] : memref<1024x128xf32, #tpu.memory_space<hbm>> -> memref<64x128xf32, #tpu.memory_space<hbm>>
      %dma_wait3A_1408 = arith.constant 0 : i32
      %dma_wait3A_1409 = arith.constant 0 : i32
      %dma_wait3A_1410 = tpu.memref_slice %arg12[%dma_wait3A_1408, %dma_wait3A_1409] : memref<72x128xf32, #tpu.memory_space<vmem>> -> memref<64x128xf32, #tpu.memory_space<vmem>>
      tpu.wait_dma2 semaphore(%run_scoped3A : memref<!tpu.dma_semaphore, #tpu.memory_space<semaphore_mem>>) src(%dma_wait3A_1410 : memref<64x128xf32, #tpu.memory_space<vmem>>) dst(%dma_wait3A_1407 : memref<64x128xf32, #tpu.memory_space<hbm>>)
      tpu.yield
    }) : () -> ()
    return
  }
}

module attributes {stable_mosaic.version = 14 : i64} {
  func.func @_head_body(%arg0: memref<2x1024x128xf32, #tpu.memory_space<vmem>>, %arg1: memref<1024x128xf32, #tpu.memory_space<vmem>>, %arg2: memref<128x128xf32, #tpu.memory_space<vmem>>, %arg3: memref<1x128xf32, #tpu.memory_space<vmem>>, %arg4: memref<1x128xf32, #tpu.memory_space<vmem>>, %arg5: memref<1x128xf32, #tpu.memory_space<vmem>>, %arg6: memref<128x256xf32, #tpu.memory_space<vmem>>, %arg7: memref<1x256xf32, #tpu.memory_space<vmem>>, %arg8: memref<1x256xf32, #tpu.memory_space<vmem>>, %arg9: memref<1x256xf32, #tpu.memory_space<vmem>>, %arg10: memref<1x256xf32, #tpu.memory_space<vmem>>, %arg11: memref<1x1xf32, #tpu.memory_space<vmem>>, %arg12: memref<1024x1xf32, #tpu.memory_space<vmem>>) attributes {dimension_semantics = [], scalar_prefetch = 0 : i64, scratch_operands = 0 : i64, tpu.core_type = #tpu.core_type<tc>} {
    %get3A = arith.constant 0 : index
    %get3A_0 = arith.constant 0 : index
    %get3A_1 = arith.constant 0 : index
    %get3A_2 = vector.load %arg0[%get3A, %get3A_0, %get3A_1] : memref<2x1024x128xf32, #tpu.memory_space<vmem>>, vector<1x1024x128xf32>
    %get3A_3 = vector.shape_cast %get3A_2 : vector<1x1024x128xf32> to vector<1024x128xf32>
    %get3A_4 = arith.constant 1 : index
    %get3A_5 = arith.constant 0 : index
    %get3A_6 = arith.constant 0 : index
    %get3A_7 = vector.load %arg0[%get3A_4, %get3A_5, %get3A_6] : memref<2x1024x128xf32, #tpu.memory_space<vmem>>, vector<1x1024x128xf32>
    %get3A_8 = vector.shape_cast %get3A_7 : vector<1x1024x128xf32> to vector<1024x128xf32>
    %add3A = arith.addf %get3A_3, %get3A_8 : vector<1024x128xf32>
    %get3A_9 = arith.constant 0 : index
    %get3A_10 = arith.constant 0 : index
    %get3A_11 = vector.load %arg1[%get3A_9, %get3A_10] : memref<1024x128xf32, #tpu.memory_space<vmem>>, vector<1024x128xf32>
    %add3A_12 = arith.addf %add3A, %get3A_11 : vector<1024x128xf32>
    %get3A_13 = arith.constant 0 : index
    %get3A_14 = arith.constant 0 : index
    %get3A_15 = vector.load %arg2[%get3A_13, %get3A_14] : memref<128x128xf32, #tpu.memory_space<vmem>>, vector<128x128xf32>
    %dot_general3A = arith.constant dense<0.000000e+00> : vector<1024x128xf32>
    %dot_general3A_16 = tpu.matmul %add3A_12, %get3A_15, %dot_general3A {dimension_numbers = #tpu.dot_dimension_numbers<[1], [0], [0], [1], [0, 0, 1, 1], [], []>, transpose_lhs_hint = false} : vector<1024x128xf32>, vector<128x128xf32>, vector<1024x128xf32> -> vector<1024x128xf32>
    %get3A_17 = arith.constant 0 : index
    %get3A_18 = arith.constant 0 : index
    %get3A_19 = vector.load %arg3[%get3A_17, %get3A_18] : memref<1x128xf32, #tpu.memory_space<vmem>>, vector<1x128xf32>
    %add3A_20 = vector.broadcast %get3A_19 : vector<1x128xf32> to vector<1024x128xf32>
    %add3A_21 = arith.addf %dot_general3A_16, %add3A_20 : vector<1024x128xf32>
    %get3A_22 = arith.constant 0 : index
    %get3A_23 = arith.constant 0 : index
    %get3A_24 = vector.load %arg4[%get3A_22, %get3A_23] : memref<1x128xf32, #tpu.memory_space<vmem>>, vector<1x128xf32>
    %mul3A = arith.constant 0.999994993 : f32
    %mul3A_25 = vector.broadcast %mul3A : f32 to vector<1x128xf32>
    %mul3A_26 = arith.mulf %get3A_24, %mul3A_25 : vector<1x128xf32>
    %mul3A_27 = vector.broadcast %mul3A_26 : vector<1x128xf32> to vector<1024x128xf32>
    %mul3A_28 = arith.mulf %add3A_21, %mul3A_27 : vector<1024x128xf32>
    %get3A_29 = arith.constant 0 : index
    %get3A_30 = arith.constant 0 : index
    %get3A_31 = vector.load %arg5[%get3A_29, %get3A_30] : memref<1x128xf32, #tpu.memory_space<vmem>>, vector<1x128xf32>
    %add3A_32 = vector.broadcast %get3A_31 : vector<1x128xf32> to vector<1024x128xf32>
    %add3A_33 = arith.addf %mul3A_28, %add3A_32 : vector<1024x128xf32>
    %max3A = arith.constant 0.000000e+00 : f32
    %max3A_34 = vector.broadcast %max3A : f32 to vector<1024x128xf32>
    %max3A_35 = arith.maximumf %add3A_33, %max3A_34 : vector<1024x128xf32>
    %get3A_36 = arith.constant 0 : index
    %get3A_37 = arith.constant 0 : index
    %get3A_38 = vector.load %arg6[%get3A_36, %get3A_37] : memref<128x256xf32, #tpu.memory_space<vmem>>, vector<128x256xf32>
    %dot_general3A_39 = arith.constant dense<0.000000e+00> : vector<1024x256xf32>
    %dot_general3A_40 = tpu.matmul %max3A_35, %get3A_38, %dot_general3A_39 {dimension_numbers = #tpu.dot_dimension_numbers<[1], [0], [0], [1], [0, 0, 1, 1], [], []>, transpose_lhs_hint = false} : vector<1024x128xf32>, vector<128x256xf32>, vector<1024x256xf32> -> vector<1024x256xf32>
    %get3A_41 = arith.constant 0 : index
    %get3A_42 = arith.constant 0 : index
    %get3A_43 = vector.load %arg7[%get3A_41, %get3A_42] : memref<1x256xf32, #tpu.memory_space<vmem>>, vector<1x256xf32>
    %add3A_44 = vector.broadcast %get3A_43 : vector<1x256xf32> to vector<1024x256xf32>
    %add3A_45 = arith.addf %dot_general3A_40, %add3A_44 : vector<1024x256xf32>
    %get3A_46 = arith.constant 0 : index
    %get3A_47 = arith.constant 0 : index
    %get3A_48 = vector.load %arg8[%get3A_46, %get3A_47] : memref<1x256xf32, #tpu.memory_space<vmem>>, vector<1x256xf32>
    %mul3A_49 = arith.constant 0.999994993 : f32
    %mul3A_50 = vector.broadcast %mul3A_49 : f32 to vector<1x256xf32>
    %mul3A_51 = arith.mulf %get3A_48, %mul3A_50 : vector<1x256xf32>
    %mul3A_52 = vector.broadcast %mul3A_51 : vector<1x256xf32> to vector<1024x256xf32>
    %mul3A_53 = arith.mulf %add3A_45, %mul3A_52 : vector<1024x256xf32>
    %get3A_54 = arith.constant 0 : index
    %get3A_55 = arith.constant 0 : index
    %get3A_56 = vector.load %arg9[%get3A_54, %get3A_55] : memref<1x256xf32, #tpu.memory_space<vmem>>, vector<1x256xf32>
    %add3A_57 = vector.broadcast %get3A_56 : vector<1x256xf32> to vector<1024x256xf32>
    %add3A_58 = arith.addf %mul3A_53, %add3A_57 : vector<1024x256xf32>
    %max3A_59 = arith.constant 0.000000e+00 : f32
    %max3A_60 = vector.broadcast %max3A_59 : f32 to vector<1024x256xf32>
    %max3A_61 = arith.maximumf %add3A_58, %max3A_60 : vector<1024x256xf32>
    %get3A_62 = arith.constant 0 : index
    %get3A_63 = arith.constant 0 : index
    %get3A_64 = vector.load %arg10[%get3A_62, %get3A_63] : memref<1x256xf32, #tpu.memory_space<vmem>>, vector<1x256xf32>
    %mul3A_65 = vector.broadcast %get3A_64 : vector<1x256xf32> to vector<1024x256xf32>
    %mul3A_66 = arith.mulf %max3A_61, %mul3A_65 : vector<1024x256xf32>
    %reduce_sum3A = arith.constant dense<0.000000e+00> : vector<1024xf32>
    %reduce_sum3A_67 = vector.multi_reduction <add>, %mul3A_66, %reduce_sum3A [1] : vector<1024x256xf32> to vector<1024xf32>
    %broadcast_in_dim3A = vector.shape_cast %reduce_sum3A_67 : vector<1024xf32> to vector<1024x1xf32>
    %get3A_68 = arith.constant 0 : index
    %get3A_69 = arith.constant 0 : index
    %get3A_70 = vector.load %arg11[%get3A_68, %get3A_69] : memref<1x1xf32, #tpu.memory_space<vmem>>, vector<1x1xf32>
    %add3A_71 = vector.broadcast %get3A_70 : vector<1x1xf32> to vector<1024x1xf32>
    %add3A_72 = arith.addf %broadcast_in_dim3A, %add3A_71 : vector<1024x1xf32>
    %swap3A = arith.constant 0 : index
    %swap3A_73 = arith.constant 0 : index
    %swap3A_74 = vector.load %arg12[%swap3A, %swap3A_73] : memref<1024x1xf32, #tpu.memory_space<vmem>>, vector<1024x1xf32>
    tpu.vector_store %arg12[%swap3A, %swap3A_73], %add3A_72 {strides = array<i32>} : memref<1024x1xf32, #tpu.memory_space<vmem>>, vector<1024x1xf32>,
    return
  }
}

module attributes {stable_mosaic.version = 14 : i64} {
  func.func @_tc_tail_body(%arg0: i32, %arg1: memref<800x128xf32, #tpu.memory_space<vmem>>, %arg2: memref<1x1x800xi32, #tpu.memory_space<vmem>>, %arg3: memref<1024x128xf32, #tpu.memory_space<vmem>>) attributes {dimension_semantics = [#tpu.dimension_semantics<arbitrary>], iteration_bounds = array<i64: 21>, scalar_prefetch = 0 : i64, scratch_operands = 0 : i64, tpu.core_type = #tpu.core_type<tc>, window_params = [{transform_indices = @transform_0, window_bounds = array<i64: 800, 128>}, {transform_indices = @transform_1, window_bounds = array<i64: 1, 1, 800>}, {pipeline_mode = #tpu.pipeline_mode<synchronous>, transform_indices = @transform_2, window_bounds = array<i64: 1024, 128>}]} {
    %eq3A = arith.constant 0 : i32
    %eq3A_0 = arith.cmpi eq, %arg0, %eq3A : i32
    %convert_element_type3A = arith.extui %eq3A_0 : i1 to i32
    %cond3A = arith.constant 0 : i32
    %cond3A_1 = arith.cmpi ne, %convert_element_type3A, %cond3A : i32
    scf.if %cond3A_1 {
      %broadcast_in_dim3A_19 = arith.constant 0.000000e+00 : f32
      %broadcast_in_dim3A_20 = vector.broadcast %broadcast_in_dim3A_19 : f32 to vector<1024x128xf32>
      %swap3A_21 = arith.constant 0 : index
      %swap3A_22 = arith.constant 0 : index
      %swap3A_23 = vector.load %arg3[%swap3A_21, %swap3A_22] : memref<1024x128xf32, #tpu.memory_space<vmem>>, vector<1024x128xf32>
      tpu.vector_store %arg3[%swap3A_21, %swap3A_22], %broadcast_in_dim3A_20 {strides = array<i32>} : memref<1024x128xf32, #tpu.memory_space<vmem>>, vector<1024x128xf32>,
    } else {
    }
    %get3A = arith.constant 0 : index
    %get3A_2 = arith.constant 0 : index
    %get3A_3 = arith.constant 0 : index
    %get3A_4 = vector.load %arg2[%get3A, %get3A_2, %get3A_3] : memref<1x1x800xi32, #tpu.memory_space<vmem>>, vector<1x1x800xi32>
    %get3A_5 = vector.shape_cast %get3A_4 : vector<1x1x800xi32> to vector<800xi32>
    %iota3A = tpu.iota {dimensions = array<i32: 0>} : vector<1024x800xi32>
    %broadcast_in_dim3A = vector.shape_cast %get3A_5 : vector<800xi32> to vector<1x800xi32>
    %eq3A_6 = vector.broadcast %broadcast_in_dim3A : vector<1x800xi32> to vector<1024x800xi32>
    %eq3A_7 = arith.cmpi eq, %iota3A, %eq3A_6 : vector<1024x800xi32>
    %convert_element_type3A_8 = arith.extui %eq3A_7 : vector<1024x800xi1> to vector<1024x800xi32>
    %convert_element_type3A_9 = arith.sitofp %convert_element_type3A_8 : vector<1024x800xi32> to vector<1024x800xf32>
    %get3A_10 = arith.constant 0 : index
    %get3A_11 = arith.constant 0 : index
    %get3A_12 = vector.load %arg3[%get3A_10, %get3A_11] : memref<1024x128xf32, #tpu.memory_space<vmem>>, vector<1024x128xf32>
    %get3A_13 = arith.constant 0 : index
    %get3A_14 = arith.constant 0 : index
    %get3A_15 = vector.load %arg1[%get3A_13, %get3A_14] : memref<800x128xf32, #tpu.memory_space<vmem>>, vector<800x128xf32>
    %dot_general3A = arith.constant dense<0.000000e+00> : vector<1024x128xf32>
    %dot_general3A_16 = tpu.matmul %convert_element_type3A_9, %get3A_15, %dot_general3A {dimension_numbers = #tpu.dot_dimension_numbers<[1], [0], [0], [1], [0, 0, 1, 1], [], []>, transpose_lhs_hint = false} : vector<1024x800xf32>, vector<800x128xf32>, vector<1024x128xf32> -> vector<1024x128xf32>
    %add3A = arith.addf %get3A_12, %dot_general3A_16 : vector<1024x128xf32>
    %swap3A = arith.constant 0 : index
    %swap3A_17 = arith.constant 0 : index
    %swap3A_18 = vector.load %arg3[%swap3A, %swap3A_17] : memref<1024x128xf32, #tpu.memory_space<vmem>>, vector<1024x128xf32>
    tpu.vector_store %arg3[%swap3A, %swap3A_17], %add3A {strides = array<i32>} : memref<1024x128xf32, #tpu.memory_space<vmem>>, vector<1024x128xf32>,
    return
  }
  func.func @transform_0(%arg0: i32) -> (i32, i32) {
    %add3A = arith.constant 104 : i32
    %add3A_0 = arith.addi %add3A, %arg0 : i32
    %c0_i32 = arith.constant 0 : i32
    %c0_i32_1 = arith.constant 0 : i32
    return %add3A_0, %c0_i32 : i32, i32
  }
  func.func @transform_1(%arg0: i32) -> (i32, i32, i32) {
    %add3A = arith.constant 104 : i32
    %add3A_0 = arith.addi %add3A, %arg0 : i32
    %c0_i32 = arith.constant 0 : i32
    %c0_i32_1 = arith.constant 0 : i32
    %c0_i32_2 = arith.constant 0 : i32
    return %add3A_0, %c0_i32, %c0_i32_1 : i32, i32, i32
  }
  func.func @transform_2(%arg0: i32) -> (i32, i32) {
    %c0_i32 = arith.constant 0 : i32
    %c0_i32_0 = arith.constant 0 : i32
    %c0_i32_1 = arith.constant 0 : i32
    return %c0_i32, %c0_i32_0 : i32, i32
  }
}

</mosaic_0001>

<sc_bundles>
// kernel: kernel.5.cloned.1.call-start
scs
__scs_entry_jumppad:
0x0: {  	(pc) =	sbr.rel $0x88, $3  }
0x1: {  	(tag) =	ssettag $0x0;
	lr =	simm.s32 $0x1  }
0x2: {  	[smem:$0x3F95] =	sst lr;
	_ =	strace $0xD0000000  }
0x3: {  	_ = 	snop  }
0x4: {  	_ = 	snop  }
0x5: {  	_ = 	snop  }
0x6: {  	_ = 	snop  }
0x7: {  	_ = 	snop  }
__scs_overlays_trampoline_lowered:
0x8: {  	[smem:$0x3FA4] =	sst s0  }
0x9: {  	[smem:$0x3FA5] =	sst s1  }
0xa: {  	[smem:$0x3FA6] =	sst s2  }
0xb: {  	[smem:$0x3FA7] =	sst s3  }
0xc: {  	[smem:$0x3FA8] =	sst s4  }
0xd: {  	[smem:$0x3FA9] =	sst s5  }
0xe: {  	[smem:$0x3FAA] =	sst s6  }
0xf: {  	[smem:$0x3FAB] =	sst s7  }
0x10: {  	[smem:$0x3FAC] =	sst s8  }
0x11: {  	[smem:$0x3FAD] =	sst s9;
	s0 =	simm.s32 @!p0 $0x0  }
0x12: {  	s1 =	sld [smem:$0x3F93];
	s0 =	simm.s32 @p0 $0x1  }
0x13: {  	[smem:$0x3FAE] =	sst s0;
	s0 =	simm.s32 @!p1 $0x0  }
0x14: {  	s2 =	sld [smem:$0x3F92];
	s0 =	simm.s32 @p1 $0x1  }
0x15: {  	[smem:$0x3FAF] =	sst s0;
	s0 =	simm.s32 @!p2 $0x0  }
0x16: {  	s3 =	sld [smem:$0x3FDB];
	s0 =	simm.s32 @p2 $0x1  }
0x17: {  	s4 =	simm.s32 $0x1BF5;
	[smem:$0x3FB1] =	sst s0  }
0x18: {  	s0 =	sld [smem:$0x3F94];
	_ =	swait.ge [sflag:s4], $0x0  }
0x19: {  	s7 =	sld [smem:$0x3F95]  }
0x1a: {  	s8 =	sadd.s32 $0xFFFFE003, lr  }
0x1b: {  	s9 =	sadd.s32 $0xFFFFFEF7, lr;
	s5 =	simm.s32 $0xFFFFFFFF;
	p2 =	slt.u32 s8, $0xFFFFF086  }
0x1c: {  	p1 =	slt.u32 s9, $0xF7A;
	s5 =	simm.s32 @!p2 $0x0  }
0x1d: {  	s5 =	simm.s32 @p1 $0x1;
	p0 =	seq.s32 s7, s2  }
0x1e: {  	s7 =	smul.u32 @!p0 $0xF7A, s2;
	p2 =	seq.s32 @!p0 s5, $0x0  }
0x1f: {  	s9 =	smul.u32 $0xF7A, s1;
	s8 =	simm.s32 @!p0 $0x1BF5;
	p2 =	por !p2, p0  }
0x20: {  	[sflag:s8] =	ssyncset.s32 @!p0 $0xFFFFF086;
	s6 =	sadd.s32 @!p0 s3, s7;
	s7 =	simm.s32 @!p0 $0x108  }
0x21: {  	s3 =	sadd.s32 s3, s9;
	s6 =	sadd.s32 @!p0 $0x88, s6;
	s7 =	simm.s32 @p2 $0x1082  }
0x22: {  	[simem:s7], [sflag:s8] =	dma.local @!p0 [hbm:s6], $0xF7A  }
0x23: {  	s9 =	sor.u32 $0xD0000000, s2;
	s6 =	simm.s32 $0x108;
	_ =	swait.ge @!p0 [sflag:s8], $0x0  }
0x24: {  	s3 =	sadd.s32 $0x88, s3;
	s6 =	simm.s32 @!p1 $0x1082;
	[sflag:s4] =	ssyncset.s32 $0xFFFFF086  }
0x25: {  	[simem:s6], [sflag:s4] =	dma.local [hbm:s3], $0xF7A  }
0x26: {  	[smem:$0x3F95] =	sst s1;
	(tag) =	ssettag s2;
	_ =	strace s9  }
0x27: {  	s1 =	sld [smem:$0x3FA5]  }
0x28: {  	s2 =	sld [smem:$0x3FA6]  }
0x29: {  	s4 =	sld [smem:$0x3FA8]  }
0x2a: {  	p0 =	seq.s32 s5, $0x0;
	s5 =	sld [smem:$0x3FA9]  }
0x2b: {  	s6 =	sld [smem:$0x3FAA]  }
0x2c: {  	s7 =	sld [smem:$0x3FAB]  }
0x2d: {  	s3 =	simm.s32 $0x108;
	s8 =	sld [smem:$0x3FAC]  }
0x2e: {  	s3 =	simm.s32 @!p0 $0x1082;
	s9 =	sld [smem:$0x3FAD]  }
0x2f: {  	lr =	sadd.s32 s0, s3;
	s0 =	sld [smem:$0x3FA4]  }
0x30: {  	s3 =	sld [smem:$0x3FA7]  }
0x31: {  	[smem:$0x3FB0] =	sst s10  }
0x32: {  	s10 =	sld [smem:$0x3FAE];
	_ =	sdelay $0x3  }
0x33: {  	p0 =	seq.s32 s10, $0x1;
	s10 =	sld [smem:$0x3FB0];
	_ =	sdelay $0x3  }
0x34: {  	[smem:$0x3FB0] =	sst s10  }
0x35: {  	s10 =	sld [smem:$0x3FAF];
	_ =	sdelay $0x3  }
0x36: {  	p1 =	seq.s32 s10, $0x1;
	s10 =	sld [smem:$0x3FB0];
	_ =	sdelay $0x3  }
0x37: {  	[smem:$0x3FB0] =	sst s10  }
0x38: {  	s10 =	sld [smem:$0x3FB1]  }
0x39: {  	_ = 	snop;
	(pc) =	sbr.ind lr, $3  }
0x3a: {  	_ = 	snop  }
0x3b: {  	_ = 	snop  }
0x3c: {  	p2 =	seq.s32 s10, $0x1;
	s10 =	sld [smem:$0x3FB0]  }
0x3d: {  	_ =	shalt  }
0x3e: {  	_ =	shalt  }
0x3f: {  	_ =	shalt  }
0x40: {  	_ =	shalt  }
0x41: {  	_ =	shalt  }
0x42: {  	_ =	shalt  }
0x43: {  	_ =	shalt  }
0x44: {  	_ =	shalt  }
0x45: {  	_ =	shalt  }
0x46: {  	_ =	shalt  }
0x47: {  	_ =	shalt  }
0x48: {  	_ =	shalt  }
0x49: {  	_ =	shalt  }
0x4a: {  	_ =	shalt  }
0x4b: {  	_ =	shalt  }
0x4c: {  	_ =	shalt  }
0x4d: {  	_ =	shalt  }
0x4e: {  	_ =	shalt  }
0x4f: {  	_ =	shalt  }
0x50: {  	_ =	shalt  }
0x51: {  	_ =	shalt  }
0x52: {  	_ =	shalt  }
0x53: {  	_ =	shalt  }
0x54: {  	_ =	shalt  }
0x55: {  	_ =	shalt  }
0x56: {  	_ =	shalt  }
0x57: {  	_ =	shalt  }
0x58: {  	_ =	shalt  }
0x59: {  	_ =	shalt  }
0x5a: {  	_ =	shalt  }
0x5b: {  	_ =	shalt  }
0x5c: {  	_ =	shalt  }
0x5d: {  	_ =	shalt  }
0x5e: {  	_ =	shalt  }
0x5f: {  	_ =	shalt  }
0x60: {  	_ =	shalt  }
0x61: {  	_ =	shalt  }
0x62: {  	_ =	shalt  }
0x63: {  	_ =	shalt  }
0x64: {  	_ =	shalt  }
0x65: {  	_ =	shalt  }
0x66: {  	_ =	shalt  }
0x67: {  	_ =	shalt  }
0x68: {  	_ =	shalt  }
0x69: {  	_ =	shalt  }
0x6a: {  	_ =	shalt  }
0x6b: {  	_ =	shalt  }
0x6c: {  	_ =	shalt  }
0x6d: {  	_ =	shalt  }
0x6e: {  	_ =	shalt  }
0x6f: {  	_ =	shalt  }
0x70: {  	_ =	shalt  }
0x71: {  	_ =	shalt  }
0x72: {  	_ =	shalt  }
0x73: {  	_ =	shalt  }
0x74: {  	_ =	shalt  }
0x75: {  	_ =	shalt  }
0x76: {  	_ =	shalt  }
0x77: {  	_ =	shalt  }
0x78: {  	_ =	shalt  }
0x79: {  	_ =	shalt  }
0x7a: {  	_ =	shalt  }
0x7b: {  	_ =	shalt  }
0x7c: {  	_ =	shalt  }
0x7d: {  	_ =	shalt  }
0x7e: {  	_ =	shalt  }
0x7f: {  	_ =	shalt  }
0x80: {  	_ =	shalt  }
0x81: {  	_ =	shalt  }
0x82: {  	_ =	shalt  }
0x83: {  	_ =	shalt  }
0x84: {  	_ =	shalt  }
0x85: {  	_ =	shalt  }
0x86: {  	_ =	shalt  }
0x87: {  	_ =	shalt  }
.Lfunc_end0:
.L_simem_size_0:
called_computation_lowered:
.L_overlay_start_0:
0x88: {  	s2 =	sld [smem:$0x3FD9]  }
0x89: {  	s3 =	sld [smem:$0x3FFE];
	_ =	sdelay $0x1  }
0x8a: {  	s1 =	srdreg.scid  }
0x8b: {  	s0 =	sand.u32 $0x1, s1  }
0x8c: {  	s17 =	sshll.u32 s0, $0xA;
	s2 =	sadd.s32 s3, s2  }
0x8d: {  	s2 =	sadd.s32 s2, s17  }
0x8e: {  	[smem:$0x3FBC] =	sst s2  }
0x8f: {  	_ = 	snop  }
0x90: {  	s2 =	sld [smem:$0x3FC9]  }
0x91: {  	s18 =	sld [smem:$0x3FC8];
	(tm) =	ssettm $0x1  }
0x92: {  	s4 =	sld [smem:$0x3FFB];
	_ =	sdelay $0x3  }
0x93: {  	_ =	strace s4  }
0x94: {  	s4 =	sld [smem:$0x3FFC];
	_ =	sdelay $0x3  }
0x95: {  	_ =	strace s4  }
0x96: {  	s4 =	sld [smem:$0x3FFD];
	_ =	sdelay $0x3  }
0x97: {  	_ =	strace s4  }
0x98: {  	_ =	strace $0x8FFFFFFF  }
0x99: {  	s19 =	sld [smem:$0x3FDB];
	_ =	sdelay $0x1  }
0x9a: {  	s5 =	simm.s32 $_scs_section_size  }
0x9b: {  	s6 =	simm.s32 $_size__tile_overlayer_lowered;
	s7 =	simm.s32 $_tile_overlayer_lowered  }
0x9c: {  	s22 =	simm.s32 $0x1BFF;
	s21 =	sshll.u32 s7, $0x1;
	s4 =	sadd.s32 s5, s19  }
0x9d: {  	s8 =	simm.s32 $0x0;
	s20 =	sshll.u32 s6, $0x1;
	s6 =	sadd.s32 s21, s4  }
0x9e: {  	[timem:s8], [sflag:s22] =	dma.local [hbm:s6], s20  }
0x9f: {  	_ =	swait.ge [sflag:s22], s20  }
0xa0: {  	s5 =	ssub.s32 $0x0, s20;
	[sflag:s22] =	ssyncset.done $0x0  }
0xa1: {  	[sflag:s22] =	ssyncadd.s32 s5;
	_ =	sdelay $0x1  }
0xa2: {  	s23 =	simm.s32 $0x1B8B  }
0xa3: {  	_ =	swait.ge [sflag:s23], $0x1  }
0xa4: {  	[sflag:s23] =	ssyncset.done $0x0  }
0xa5: {  	s25 =	simm.s32 $0x1B8E;
	s24 =	sld [smem:$0x3FFE];
	[sflag:s23] =	ssyncadd.s32 $0xFFFFFFFF  }
0xa6: {  	s26 =	simm.s32 $execute0_lowered;
	[smem:$0x3FD2] =	sst s25  }
0xa7: {  	s6 =	sshll.u32 s26, $0x1;
	_ =	strace $0x80000046;
	[dreg:$0x1] =	wrdreg $0xFFFFFFFF  }
0xa8: {  	s28 =	simm.s32 $_size_execute0_lowered;
	s4 =	sadd.s32 s4, s6;
	[dreg:$0x0] =	wrdreg $0x0  }
0xa9: {  	s6 =	sshll.u32 s28, $0x1;
	[dreg:$0x2] =	wrdreg s4  }
0xaa: {  	[dreg:$0x3] =	wrdreg s6  }
0xab: {  	[dreg:$0x4] =	wrdreg $0xC0  }
0xac: {  	_ =	task [dreg:s8], $0x5FFFF  }
0xad: {  	[dreg:$0x1] =	wrdreg $0xFFFFFFFF  }
0xae: {  	[dreg:$0x0] =	wrdreg $0x60  }
0xaf: {  	[dreg:$0x2] =	wrdreg s2  }
0xb0: {  	[dreg:$0x3] =	wrdreg s18  }
0xb1: {  	[dreg:$0x4] =	wrdreg s24  }
0xb2: {  	[dreg:$0x5] =	wrdreg $0x1B0000  }
0xb3: {  	[dreg:$0x6] =	wrdreg $0x9  }
0xb4: {  	_ =	task.clear_ibuf [dreg:s8], $0x7FFFF;
	_ =	strace $0x90000046  }
0xb5: {  	s29 =	simm.s32 $0x9;
	_ =	strace $0x80000048  }
0xb6: {  	_ =	swait.ge [sflag:s29], $0x1  }
0xb7: {  	[sflag:s29] =	ssyncadd.s32 $0xFFFFFFFF  }
0xb8: {  	_ =	strace $0x90000048  }
0xb9: {  	_ =	sfence  }
0xba: {  	s30 =	sld [smem:$0x0];
	_ =	sdelay $0x2  }
0xbb: {  	s31 =	sshll.u32 s1, $0xD;
	s1 =	sshrl.u32 s1, $0x2  }
0xbc: {  	s3 =	sand.u32 $0x4000, s31;
	s1 =	sadd.s32 s1, s30  }
0xbd: {  	s0 =	sor.u32 s3, s0;
	s1 =	sshll.u32 s1, $0x11  }
0xbe: {  	s0 =	sor.u32 s1, s0  }
0xbf: {  	s0 =	sadd.s32 $0x8F2B, s0  }
0xc0: {  	[sflag:s0] =	ssyncadd.remote.s32 $0x1  }
0xc1: {  	_ =	sfence.sel $0xFFFF  }
0xc2: {  	[dreg:$0x0] =	wrdreg $0xFFFFFFFF;
	(pc) =	sbr.abs _section_cstart, $3  }
0xc3: {  	[dreg:$0x1] =	wrdreg $0xFFFFFFFF  }
0xc4: {  	_ =	task.clear_ibuf [dreg:s8], $0x2FFFF;
	_ =	strace $0x9FFFFFFF  }
0xc5: {  	(tm) =	ssettm $0x7FFFFFFF  }
tec
execute0_lowered:
.L_overlay_start_1:
0x0: {  	(tag) =	ssettag $0x1  }
0x1: {  	s0 =	srdreg.scid  }
0x2: {  	s6 =	rddreg [dreg:$0x1];
	s28 =	stileid.u32  }
0x3: {  	s2 =	rddreg [dreg:$0x2];
	s29 =	simm.s32 $0xC;
	s0 =	sand.u32 $0x1, s0  }
0x4: {  	s30 =	simm.s32 $0x0;
	s1 =	sshll.u32 s0, $0x4;
	s3 =	ssub.s32 $0x2, s0  }
0x5: {  	s0 =	sshll.u32 s0, $0xE;
	s5 =	sor.u32 s28, s1;
	s1 =	simm.s32 $0x0  }
0x6: {  	s4 =	sshrl.u32 s3, $0x1;
	s13 =	sadd.s32 s0, s2;
	s20 =	smul.u32 $0xA80, s5  }
0x7: {  	[smem:$0x7FF] =	sst s1;
	s3 =	ssub.s32 s3, s4;
	p0 =	seq.s32 s5, $0x1F  }
0x8: {  	s12 =	smul.u32 $0x150, s5;
	s13 =	sadd.s32 $0x1A00, s13;
	p2 =	sgt.u32 @!p0 s5, $0x1D  }
0x9: {  	s5 =	smul.u32 $0xA800, s5;
	s3 =	smax.u32 s3, $0x1;
	s7 =	sadd.s32 $0x80, s20  }
0xa: {  	s8 =	sadd.s32 $0x100, s20;
	s0 =	sadd.s32 $0x180, s20;
	s2 =	sadd.s32 $0x200, s20  }
0xb: {  	s4 =	sadd.s32 s6, s12;
	s11 =	sadd.s32 $0x380, s20;
	s12 =	sadd.s32 $0x400, s20  }
0xc: {  	p1 =	por p2, p0;
	p2 =	por !p2, p0;
	s9 =	sshrl.u32 s7, $0x3  }
0xd: {  	s10 =	sshrl.u32 s8, $0x3;
	[dreg:$0x5] =	wrdreg s4;
	s16 =	sshrl.u32 s0, $0x3  }
0xe: {  	s17 =	sshrl.u32 s2, $0x3;
	s4 =	sadd.s32 $0x280, s20;
	s23 =	sshrl.u32 s12, $0x3  }
0xf: {  	s7 =	sshll.u32 s7, $0x4;
	s0 =	sshll.u32 s0, $0x4;
	s14 =	sadd.s32 s6, s9  }
0x10: {  	s15 =	sadd.s32 s6, s10;
	s9 =	sadd.s32 s6, s16;
	[dreg:$0x6] =	wrdreg s14  }
0x11: {  	s18 =	sadd.s32 s6, s17;
	s19 =	sshrl.u32 s4, $0x3;
	[dreg:$0x7] =	wrdreg s15  }
0x12: {  	s10 =	sadd.s32 $0x300, s20;
	s16 =	sadd.s32 $0x580, s20;
	[dreg:$0x8] =	wrdreg s9  }
0x13: {  	[dreg:$0x9] =	wrdreg s18;
	s9 =	sadd.s32 s6, s19;
	s21 =	sshrl.u32 s10, $0x3  }
0x14: {  	s14 =	sshrl.u32 s11, $0x3;
	s15 =	sadd.s32 $0x500, s20;
	s26 =	sshrl.u32 s16, $0x3  }
0x15: {  	s18 =	sadd.s32 $0x680, s20;
	s19 =	sadd.s32 $0x700, s20;
	[dreg:$0xa] =	wrdreg s9  }
0x16: {  	s9 =	sadd.s32 s6, s21;
	s22 =	sadd.s32 s6, s14;
	s14 =	sadd.s32 $0x480, s20  }
0x17: {  	s17 =	sshrl.u32 s15, $0x3;
	s21 =	sshrl.u32 s18, $0x3;
	[dreg:$0xb] =	wrdreg s9  }
0x18: {  	[dreg:$0xc] =	wrdreg s22;
	s9 =	sadd.s32 s6, s23;
	s24 =	sshrl.u32 s14, $0x3  }
0x19: {  	s25 =	sadd.s32 s6, s17;
	s17 =	sadd.s32 $0x600, s20;
	[dreg:$0xd] =	wrdreg s9  }
0x1a: {  	s21 =	sadd.s32 s6, s21;
	s22 =	sshrl.u32 s19, $0x3;
	[dreg:$0xf] =	wrdreg s25  }
0x1b: {  	s9 =	sadd.s32 s6, s24;
	s31 =	sshrl.u32 s17, $0x3;
	[dreg:$0x12] =	wrdreg s21  }
0x1c: {  	s21 =	sadd.s32 $0x780, s20;
	[dreg:$0xe] =	wrdreg s9;
	s9 =	sadd.s32 s6, s26  }
0x1d: {  	s24 =	sadd.s32 $0x880, s20;
	[dreg:$0x10] =	wrdreg s9;
	s9 =	sadd.s32 s6, s31  }
0x1e: {  	[dreg:$0x11] =	wrdreg s9;
	s9 =	sadd.s32 s6, s22;
	s22 =	sshrl.u32 s21, $0x3  }
0x1f: {  	s25 =	sshrl.u32 s24, $0x3;
	[dreg:$0x13] =	wrdreg s9;
	s22 =	sadd.s32 s6, s22  }
0x20: {  	s9 =	sadd.s32 $0x800, s20;
	[dreg:$0x14] =	wrdreg s22;
	s22 =	sadd.s32 s6, s25  }
0x21: {  	s23 =	sshrl.u32 s9, $0x3;
	[dreg:$0x16] =	wrdreg s22;
	s22 =	sadd.s32 $0x900, s20  }
0x22: {  	s12 =	sshll.u32 s12, $0x4;
	s23 =	sadd.s32 s6, s23;
	s25 =	sshrl.u32 s22, $0x3  }
0x23: {  	[dreg:$0x15] =	wrdreg s23;
	s23 =	sadd.s32 $0x980, s20;
	s25 =	sadd.s32 s6, s25  }
0x24: {  	s20 =	sadd.s32 $0xA00, s20;
	s26 =	sshrl.u32 s23, $0x3;
	[dreg:$0x17] =	wrdreg s25  }
0x25: {  	s31 =	sshrl.u32 s20, $0x3;
	s26 =	sadd.s32 s6, s26;
	s25 =	rddreg [dreg:$0x0]  }
0x26: {  	s4 =	sshll.u32 s4, $0x4;
	s6 =	sadd.s32 s6, s31;
	[dreg:$0x18] =	wrdreg s26  }
0x27: {  	s14 =	sshll.u32 s14, $0x4;
	s9 =	simm.s32 @p0 $0x14D80;
	[dreg:$0x19] =	wrdreg s6  }
0x28: {  	s20 =	simm.s32 @p0 $0x14F80;
	s31 =	sshll.u32 s28, $0xA;
	s26 =	rddreg [dreg:$0x3]  }
0x29: {  	s6 =	sadd.s32 s31, s13;
	s5 =	sadd.s32 s25, s5;
	s13 =	sshll.u32 s8, $0x4  }
0x2a: {  	s31 =	smul.u32 $0x9000, s28;
	s0 =	sadd.s32 s25, s0;
	[dreg:$0x1a] =	wrdreg s6  }
0x2b: {  	s8 =	sadd.s32 s25, s13;
	_ =	strace $0x80000047;
	[dreg:$0x1b] =	wrdreg s5  }
0x2c: {  	s13 =	sshll.u32 s2, $0x4;
	s6 =	sadd.s32 s25, s4;
	[dreg:$0x1d] =	wrdreg s8  }
0x2d: {  	s4 =	sadd.s32 s25, s14;
	s5 =	sadd.s32 s25, s7;
	[dreg:$0x1e] =	wrdreg s0  }
0x2e: {  	s31 =	sshrl.u32 s31, $0x2;
	s0 =	sadd.s32 s25, s13;
	[smem:$0x7EF] =	sst s6  }
0x2f: {  	s7 =	sshll.u32 s10, $0x4;
	s8 =	sshll.u32 s11, $0x4;
	s13 =	sadd.s32 s25, s12  }
0x30: {  	[smem:$0x7F3] =	sst s4;
	s6 =	sshll.u32 s16, $0x4;
	s16 =	sshll.u32 s24, $0x4  }
0x31: {  	s24 =	sshll.u32 s9, $0x4;
	s4 =	simm.s32 $0x18C00;
	[dreg:$0x1c] =	wrdreg s5  }
0x32: {  	s9 =	simm.s32 $0x14C00;
	[dreg:$0x1f] =	wrdreg s0;
	s2 =	sadd.s32 s31, s26  }
0x33: {  	s5 =	sshll.u32 s28, $0xD;
	s10 =	sadd.s32 s25, s7;
	s11 =	sadd.s32 s25, s8  }
0x34: {  	[smem:$0x7F2] =	sst s13;
	s31 =	sshll.u32 s15, $0x4;
	s7 =	sadd.s32 s25, s6  }
0x35: {  	s8 =	sshll.u32 s17, $0x4;
	s13 =	sshll.u32 s19, $0x4;
	s15 =	sshll.u32 s21, $0x4  }
0x36: {  	s19 =	sshll.u32 s22, $0x4;
	s22 =	sshll.u32 s23, $0x4;
	[smem:$0x7EE] =	sst s2  }
0x37: {  	s6 =	simm.s32 $0x1;
	s28 =	simm.s32 $0xB;
	[smem:$0x7F0] =	sst s10  }
0x38: {  	s2 =	sadd.s32 s5, s26;
	[smem:$0x7F1] =	sst s11;
	s5 =	sadd.s32 s25, s31  }
0x39: {  	[smem:$0x7F5] =	sst s7;
	s10 =	sshll.u32 s18, $0x4;
	s11 =	sadd.s32 s25, s8  }
0x3a: {  	s14 =	sadd.s32 s25, s13;
	s17 =	sadd.s32 s25, s15;
	[smem:$0x7F4] =	sst s5  }
0x3b: {  	s18 =	sadd.s32 s25, s16;
	s21 =	sadd.s32 s25, s19;
	[smem:$0x7F6] =	sst s11  }
0x3c: {  	s23 =	sadd.s32 s25, s22;
	s31 =	sadd.s32 s25, s24;
	[smem:$0x7F8] =	sst s14  }
0x3d: {  	s7 =	simm.s32 $0x80;
	s8 =	simm.s32 $0xC00;
	[smem:$0x7F9] =	sst s17  }
0x3e: {  	s13 =	simm.s32 $0x3;
	s15 =	simm.s32 $0x8;
	[smem:$0x7FA] =	sst s18  }
0x3f: {  	s16 =	simm.s32 $0x4;
	s19 =	simm.s32 $0x5;
	[smem:$0x7FB] =	sst s21  }
.Ltmp0:
0x40: {  	s22 =	simm.s32 $0xA;
	[smem:$0x7FC] =	sst s23;
	(pc) =	sbr.rel .LBB2_1-.Ltmp0, $4  }
0x41: {  	s12 =	sadd.s32 s25, s10;
	[smem:$0x7FD] =	sst s31;
	s5 =	simm.s32 $0xE  }
0x42: {  	s10 =	simm.s32 $0x2;
	s11 =	simm.s32 $0x4C00;
	s14 =	simm.s32 $0x8C00  }
0x43: {  	s17 =	simm.s32 $0xCC00;
	s18 =	simm.s32 $0x9;
	s21 =	simm.s32 $0x10C00  }
0x44: {  	v0 =	vimm.f32 $0.0e+00;
	s23 =	simm.s32 $0x6;
	[smem:$0x7F7] =	sst s12;
	s12 =	simm.s32 $0x7  }
.LBB2_5:
0x45: {  	s24 =	sshll.u32 @p3 s20, $0x4;
	s0 =	rddreg [dreg:$0x0]  }
0x46: {  	s31 =	simm.s32 @p3 $0x0;
	s24 =	sadd.s32 @p3 s0, s24;
	s0 =	simm.s32 @p3 $0x8C00  }
0x47: {  	[tilespmem:s0], [sflag:$0x3] =	stream.linear.gather @p3 [hbm4b:s24+s31], $0x4000, $0x38;
	[tilespmem:$0x1D400] =	vst v63  }
0x48: {  	s24 =	simm.s32 @!p0 $0x5  }
0x49: {  	_ =	swait.ge @!p0 [sflag:s24], $0x4000  }
0x4a: {  	s25 =	simm.s32 @!p0 $0x10C00;
	[sflag:s24] =	ssyncset.done @!p0 $0x0  }
0x4b: {  	s31 =	simm.s32 @!p0 $0x800;
	[sflag:s24] =	ssyncadd.s32 @!p0 $0xFFFFC000;
	s24 =	simm.s32 @!p0 $0x80  }
0x4c: {  	[spmem:s26] =	stream.indirect.scatter.add.f32 @!p0 [tilespmem:s25], [sflag:$0xB], $0x80, s31, s24, $0xb8;
	[tilespmem:$0x1D400] =	vst v63  }
0x4d: {  	s25 =	simm.s32 @!p0 $0x6  }
0x4e: {  	_ =	swait.ge @!p0 [sflag:s25], $0x4000  }
0x4f: {  	[sflag:s25] =	ssyncset.done @!p0 $0x0  }
0x50: {  	s31 =	simm.s32 @!p0 $0x14C00;
	[sflag:s25] =	ssyncadd.s32 @!p0 $0xFFFFC000;
	s25 =	simm.s32 @!p0 $0x880  }
0x51: {  	[spmem:s26] =	stream.indirect.scatter.add.f32 @!p0 [tilespmem:s31], [sflag:$0xC], $0x80, s25, s24, $0xb8;
	[tilespmem:$0x1D400] =	vst v63  }
0x52: {  	s25 =	simm.s32 @!p0 $0x1  }
0x53: {  	_ =	swait.ge @!p0 [sflag:s25], $0x4000  }
0x54: {  	[sflag:s25] =	ssyncset.done @!p0 $0x0  }
0x55: {  	s31 =	simm.s32 @!p0 $0xC00;
	[sflag:s25] =	ssyncadd.s32 @!p0 $0xFFFFC000;
	s25 =	simm.s32 @!p0 $0x900  }
0x56: {  	[spmem:s26] =	stream.indirect.scatter.add.f32 @!p0 [tilespmem:s31], [sflag:$0x7], $0x80, s25, s24, $0xb8;
	[tilespmem:$0x1D400] =	vst v63  }
0x57: {  	s25 =	simm.s32 @!p0 $0x2  }
0x58: {  	_ =	swait.ge @!p0 [sflag:s25], $0x4000  }
0x59: {  	[sflag:s25] =	ssyncset.done @!p0 $0x0  }
0x5a: {  	s31 =	simm.s32 @!p0 $0x4C00;
	[sflag:s25] =	ssyncadd.s32 @!p0 $0xFFFFC000;
	s25 =	simm.s32 @!p0 $0x980  }
0x5b: {  	[spmem:s26] =	stream.indirect.scatter.add.f32 @!p0 [tilespmem:s31], [sflag:$0x8], $0x80, s25, s24, $0xb8;
	[tilespmem:$0x1D400] =	vst v63  }
0x5c: {  	s24 =	simm.s32 @p3 $0x3  }
0x5d: {  	_ =	swait.ge @p3 [sflag:s24], $0x4000  }
0x5e: {  	[sflag:s24] =	ssyncset.done @p3 $0x0  }
0x5f: {  	s25 =	simm.s32 @p3 $0xA00;
	[sflag:s24] =	ssyncadd.s32 @p3 $0xFFFFC000;
	s24 =	simm.s32 @p3 $0x80  }
0x60: {  	[spmem:s26] =	stream.indirect.scatter.add.f32 @p3 [tilespmem:s0], [sflag:$0x9], $0x80, s25, s24, $0xb8;
	[tilespmem:$0x1D400] =	vst v63  }
0x61: {  	s0 =	simm.s32 @!p0 $0xA  }
0x62: {  	_ =	swait.ge @!p0 [sflag:s0], $0x4000  }
0x63: {  	[sflag:s0] =	ssyncset.done @!p0 $0x0  }
0x64: {  	[sflag:s0] =	ssyncadd.s32 @!p0 $0xFFFFC000;
	s0 =	simm.s32 @!p0 $0xB  }
0x65: {  	_ =	swait.ge @!p0 [sflag:s0], $0x4000  }
0x66: {  	[sflag:s0] =	ssyncset.done @!p0 $0x0  }
0x67: {  	[sflag:s0] =	ssyncadd.s32 @!p0 $0xFFFFC000;
	s0 =	simm.s32 @!p0 $0xC  }
0x68: {  	_ =	swait.ge @!p0 [sflag:s0], $0x4000  }
0x69: {  	[sflag:s0] =	ssyncset.done @!p0 $0x0  }
0x6a: {  	[sflag:s0] =	ssyncadd.s32 @!p0 $0xFFFFC000;
	s0 =	simm.s32 @!p0 $0x7  }
0x6b: {  	_ =	swait.ge @!p0 [sflag:s0], $0x4000  }
0x6c: {  	[sflag:s0] =	ssyncset.done @!p0 $0x0  }
0x6d: {  	[sflag:s0] =	ssyncadd.s32 @!p0 $0xFFFFC000;
	s0 =	simm.s32 @!p0 $0x8  }
0x6e: {  	_ =	swait.ge @!p0 [sflag:s0], $0x4000  }
0x6f: {  	[sflag:s0] =	ssyncset.done @!p0 $0x0  }
0x70: {  	[sflag:s0] =	ssyncadd.s32 @!p0 $0xFFFFC000;
	s0 =	simm.s32 @p3 $0x9  }
0x71: {  	_ =	swait.ge @p3 [sflag:s0], $0x4000  }
0x72: {  	[sflag:s0] =	ssyncset.done @p3 $0x0  }
0x73: {  	[sflag:s0] =	ssyncadd.s32 @p3 $0xFFFFC000  }
0x74: {  	[bflag:$0x0] =	sbarrier.arrive $0xFFFF  }
0x75: {  	[tilespmem:s4], [sflag:$0xE] =	stream.linear.gather [spmem:s2], $0x2000, $0x38;
	[tilespmem:$0x1D400] =	vst v63  }
0x76: {  	s30 =	sadd.s32 $0x1, s30;
	_ =	swait.ge [sflag:s5], $0x2000  }
0x77: {  	p3 =	sne.s32 s30, s3;
	[sflag:s5] =	ssyncset.done $0x0  }
.Ltmp1:
0x78: {  	s31 =	rddreg [dreg:$0x1a];
	[sflag:s5] =	ssyncadd.s32 $0xFFFFE000;
	(pc) =	sbr.rel @!p3 .LBB2_6-.Ltmp1, $4  }
0x79: {  	[hbm4b:s31+s1] =	stream.linear.scatter [tilespmem:s4], [sflag:$0xE], $0x2000, $0x38;
	[tilespmem:$0x1D400] =	vst v63  }
0x7a: {  	_ =	swait.ge [sflag:s5], $0x2000  }
0x7b: {  	[sflag:s5] =	ssyncset.done $0x0  }
0x7c: {  	[sflag:s5] =	ssyncadd.s32 $0xFFFFE000  }
.LBB2_1:
0x7d: {  	s24 =	simm.s32 @!p0 $0x0;
	s31 =	simm.s32 @!p0 $0xC00;
	s0 =	rddreg [dreg:$0x1b]  }
0x7e: {  	[tilespmem:s31], [sflag:$0x1] =	stream.linear.gather @!p0 [hbm4b:s0+s24], $0x4000, $0x38;
	[tilespmem:$0x1D400] =	vst v63  }
0x7f: {  	s31 =	simm.s32 @!p0 $0x4C00;
	s0 =	rddreg [dreg:$0x1c]  }
0x80: {  	[tilespmem:s31], [sflag:$0x2] =	stream.linear.gather @!p0 [hbm4b:s0+s24], $0x4000, $0x38;
	[tilespmem:$0x1D400] =	vst v63  }
0x81: {  	s31 =	simm.s32 @!p0 $0x8C00;
	s0 =	rddreg [dreg:$0x1d]  }
0x82: {  	[tilespmem:s31], [sflag:$0x3] =	stream.linear.gather @!p0 [hbm4b:s0+s24], $0x4000, $0x38;
	[tilespmem:$0x1D400] =	vst v63  }
0x83: {  	s31 =	simm.s32 @!p0 $0xCC00;
	s0 =	rddreg [dreg:$0x1e]  }
0x84: {  	[tilespmem:s31], [sflag:$0x4] =	stream.linear.gather @!p0 [hbm4b:s0+s24], $0x4000, $0x38;
	[tilespmem:$0x1D400] =	vst v63  }
0x85: {  	s31 =	simm.s32 @!p0 $0x10C00;
	s0 =	rddreg [dreg:$0x1f]  }
0x86: {  	[tilespmem:s31], [sflag:$0x5] =	stream.linear.gather @!p0 [hbm4b:s0+s24], $0x4000, $0x38;
	[tilespmem:$0x1D400] =	vst v63  }
0x87: {  	s0 =	rddreg [dreg:$0x5]  }
0x88: {  	[tilespmem:s24], [sflag:$0xD] =	stream.linear.gather @!p0 [hbm4b:s0+s24], $0x80, $0x38;
	[tilespmem:$0x1D400] =	vst v63  }
0x89: {  	s31 =	simm.s32 @!p0 $0x80;
	s0 =	rddreg [dreg:$0x6]  }
0x8a: {  	[tilespmem:s31], [sflag:$0xD] =	stream.linear.gather @!p0 [hbm4b:s0+s24], $0x80, $0x38;
	[tilespmem:$0x1D400] =	vst v63  }
0x8b: {  	s31 =	simm.s32 @!p0 $0x100;
	s0 =	rddreg [dreg:$0x7]  }
0x8c: {  	[tilespmem:s31], [sflag:$0xD] =	stream.linear.gather @!p0 [hbm4b:s0+s24], $0x80, $0x38;
	[tilespmem:$0x1D400] =	vst v63  }
0x8d: {  	s31 =	simm.s32 @!p0 $0x180;
	s0 =	rddreg [dreg:$0x8]  }
0x8e: {  	[tilespmem:s31], [sflag:$0xD] =	stream.linear.gather @!p0 [hbm4b:s0+s24], $0x80, $0x38;
	[tilespmem:$0x1D400] =	vst v63  }
0x8f: {  	s31 =	simm.s32 @!p0 $0x200;
	s0 =	rddreg [dreg:$0x9]  }
0x90: {  	[tilespmem:s31], [sflag:$0xD] =	stream.linear.gather @!p0 [hbm4b:s0+s24], $0x80, $0x38;
	[tilespmem:$0x1D400] =	vst v63  }
0x91: {  	s31 =	simm.s32 @!p0 $0x280;
	s0 =	rddreg [dreg:$0xa]  }
0x92: {  	[tilespmem:s31], [sflag:$0xD] =	stream.linear.gather @!p0 [hbm4b:s0+s24], $0x80, $0x38;
	[tilespmem:$0x1D400] =	vst v63  }
0x93: {  	s31 =	simm.s32 @!p0 $0x300;
	s0 =	rddreg [dreg:$0xb]  }
0x94: {  	[tilespmem:s31], [sflag:$0xD] =	stream.linear.gather @!p0 [hbm4b:s0+s24], $0x80, $0x38;
	[tilespmem:$0x1D400] =	vst v63  }
0x95: {  	s31 =	simm.s32 @!p0 $0x380;
	s0 =	rddreg [dreg:$0xc]  }
0x96: {  	[tilespmem:s31], [sflag:$0xD] =	stream.linear.gather @!p0 [hbm4b:s0+s24], $0x80, $0x38;
	[tilespmem:$0x1D400] =	vst v63  }
0x97: {  	s31 =	simm.s32 @!p0 $0x400;
	s0 =	rddreg [dreg:$0xd]  }
0x98: {  	[tilespmem:s31], [sflag:$0xD] =	stream.linear.gather @!p0 [hbm4b:s0+s24], $0x80, $0x38;
	[tilespmem:$0x1D400] =	vst v63  }
0x99: {  	s31 =	simm.s32 @!p0 $0x480;
	s0 =	rddreg [dreg:$0xe]  }
0x9a: {  	[tilespmem:s31], [sflag:$0xD] =	stream.linear.gather @!p0 [hbm4b:s0+s24], $0x80, $0x38;
	[tilespmem:$0x1D400] =	vst v63  }
0x9b: {  	s31 =	simm.s32 @!p0 $0x500;
	s0 =	rddreg [dreg:$0xf]  }
0x9c: {  	[tilespmem:s31], [sflag:$0xD] =	stream.linear.gather @!p0 [hbm4b:s0+s24], $0x80, $0x38;
	[tilespmem:$0x1D400] =	vst v63  }
0x9d: {  	s31 =	simm.s32 @!p0 $0x580;
	s0 =	rddreg [dreg:$0x10]  }
0x9e: {  	[tilespmem:s31], [sflag:$0xD] =	stream.linear.gather @!p0 [hbm4b:s0+s24], $0x80, $0x38;
	[tilespmem:$0x1D400] =	vst v63  }
0x9f: {  	s31 =	simm.s32 @!p0 $0x600;
	s0 =	rddreg [dreg:$0x11]  }
0xa0: {  	[tilespmem:s31], [sflag:$0xD] =	stream.linear.gather @!p0 [hbm4b:s0+s24], $0x80, $0x38;
	[tilespmem:$0x1D400] =	vst v63  }
0xa1: {  	s31 =	simm.s32 @!p0 $0x680;
	s0 =	rddreg [dreg:$0x12]  }
0xa2: {  	[tilespmem:s31], [sflag:$0xD] =	stream.linear.gather @!p0 [hbm4b:s0+s24], $0x80, $0x38;
	[tilespmem:$0x1D400] =	vst v63  }
0xa3: {  	s31 =	simm.s32 @!p0 $0x700;
	s0 =	rddreg [dreg:$0x13]  }
0xa4: {  	[tilespmem:s31], [sflag:$0xD] =	stream.linear.gather @!p0 [hbm4b:s0+s24], $0x80, $0x38;
	[tilespmem:$0x1D400] =	vst v63  }
0xa5: {  	s31 =	simm.s32 @!p0 $0x780;
	s0 =	rddreg [dreg:$0x14]  }
0xa6: {  	[tilespmem:s31], [sflag:$0xD] =	stream.linear.gather @!p0 [hbm4b:s0+s24], $0x80, $0x38;
	[tilespmem:$0x1D400] =	vst v63  }
0xa7: {  	p3 =	por @!p0 $0x0, $0x0;
	s31 =	simm.s32 @!p0 $0x800;
	s0 =	rddreg [dreg:$0x15]  }
0xa8: {  	[tilespmem:s31], [sflag:$0xD] =	stream.linear.gather @!p0 [hbm4b:s0+s24], $0x80, $0x38;
	[tilespmem:$0x1D400] =	vst v63  }
0xa9: {  	p4 =	por @!p1 $0x1, $0x1;
	s31 =	simm.s32 @!p0 $0x880;
	s0 =	rddreg [dreg:$0x16]  }
0xaa: {  	[tilespmem:s31], [sflag:$0xD] =	stream.linear.gather @!p0 [hbm4b:s0+s24], $0x80, $0x38;
	[tilespmem:$0x1D400] =	vst v63  }
0xab: {  	p4 =	por @!p2 p3, p3;
	s31 =	simm.s32 @!p0 $0x900;
	s0 =	rddreg [dreg:$0x17]  }
0xac: {  	[tilespmem:s31], [sflag:$0xD] =	stream.linear.gather @!p0 [hbm4b:s0+s24], $0x80, $0x38;
	[tilespmem:$0x1D400] =	vst v63  }
0xad: {  	p3 =	por $0x0, $0x0;
	s31 =	simm.s32 @!p0 $0x980;
	s0 =	rddreg [dreg:$0x18]  }
0xae: {  	[tilespmem:s31], [sflag:$0xD] =	stream.linear.gather @!p0 [hbm4b:s0+s24], $0x80, $0x38;
	[tilespmem:$0x1D400] =	vst v63  }
0xaf: {  	s24 =	simm.s32 @!p1 $0x0;
	s31 =	simm.s32 @!p1 $0xA00;
	s0 =	rddreg [dreg:$0x19]  }
0xb0: {  	[tilespmem:s31], [sflag:$0xD] =	stream.linear.gather @!p1 [hbm4b:s0+s24], $0x80, $0x38;
	[tilespmem:$0x1D400] =	vst v63  }
0xb1: {  	p3 =	por @!p0 p4, p4;
	s31 =	simm.s32 $0x0;
	s24 =	simm.s32 $0x200  }
.LBB2_2:
0xb2: {  	p4 =	sne.s32 s24, $0x8E00;
	[tilespmem:s31+$0x18C70] =	vst v0  }
0xb3: {  	[tilespmem:s31+$0x18C00] =	vst v0  }
0xb4: {  	[tilespmem:s31+$0x18C10] =	vst v0  }
.Ltmp2:
0xb5: {  	[tilespmem:s31+$0x18C20] =	vst v0;
	(pc) =	sbr.rel @p4 .LBB2_2-.Ltmp2, $4  }
0xb6: {  	[tilespmem:s31+$0x18C30] =	vst v0  }
0xb7: {  	[tilespmem:s31+$0x18C40] =	vst v0  }
0xb8: {  	[tilespmem:s31+$0x18C50] =	vst v0  }
0xb9: {  	[tilespmem:s31+$0x18C60] =	vst v0;
	s31 =	sshra.s32 s24, $0x2;
	s24 =	sadd.s32 $0x200, s24  }
0xba: {  	[tilespmem:s31+$0x18C70] =	vst v0  }
0xbb: {  	[tilespmem:s31+$0x18C00] =	vst v0  }
0xbc: {  	[tilespmem:s31+$0x18C10] =	vst v0  }
0xbd: {  	[tilespmem:s31+$0x18C20] =	vst v0  }
0xbe: {  	[tilespmem:s31+$0x18C30] =	vst v0  }
0xbf: {  	[tilespmem:s31+$0x18C40] =	vst v0;
	s0 =	sld [smem:$0x7EE]  }
0xc0: {  	[tilespmem:s31+$0x18C50] =	vst v0  }
0xc1: {  	[tilespmem:s31+$0x18C60] =	vst v0  }
0xc2: {  	[spmem:s0] =	stream.linear.scatter [tilespmem:s4], [sflag:$0xE], $0x2400, $0x38;
	[tilespmem:$0x1D400] =	vst v63  }
0xc3: {  	_ =	swait.ge [sflag:s5], $0x2400  }
0xc4: {  	[sflag:s5] =	ssyncset.done $0x0  }
0xc5: {  	s24 =	simm.s32 @!p0 $0xD;
	[sflag:s5] =	ssyncadd.s32 $0xFFFFDC00  }
0xc6: {  	_ =	swait.ge @!p0 [sflag:s24], $0x80  }
0xc7: {  	[sflag:s24] =	ssyncset.done @!p0 $0x0  }
0xc8: {  	[sflag:s24] =	ssyncadd.s32 @!p0 $0xFFFFFF80  }
0xc9: {  	_ =	swait.ge @!p0 [sflag:s24], $0x80  }
0xca: {  	[sflag:s24] =	ssyncset.done @!p0 $0x0  }
0xcb: {  	[sflag:s24] =	ssyncadd.s32 @!p0 $0xFFFFFF80  }
0xcc: {  	_ =	swait.ge @!p0 [sflag:s24], $0x80  }
0xcd: {  	[sflag:s24] =	ssyncset.done @!p0 $0x0  }
0xce: {  	[sflag:s24] =	ssyncadd.s32 @!p0 $0xFFFFFF80  }
0xcf: {  	_ =	swait.ge @!p0 [sflag:s24], $0x80  }
0xd0: {  	[sflag:s24] =	ssyncset.done @!p0 $0x0  }
0xd1: {  	[sflag:s24] =	ssyncadd.s32 @!p0 $0xFFFFFF80  }
0xd2: {  	_ =	swait.ge @!p0 [sflag:s24], $0x80  }
0xd3: {  	[sflag:s24] =	ssyncset.done @!p0 $0x0  }
0xd4: {  	[sflag:s24] =	ssyncadd.s32 @!p0 $0xFFFFFF80  }
0xd5: {  	_ =	swait.ge @!p0 [sflag:s24], $0x80  }
0xd6: {  	[sflag:s24] =	ssyncset.done @!p0 $0x0  }
0xd7: {  	[sflag:s24] =	ssyncadd.s32 @!p0 $0xFFFFFF80  }
0xd8: {  	_ =	swait.ge @!p0 [sflag:s24], $0x80  }
0xd9: {  	[sflag:s24] =	ssyncset.done @!p0 $0x0  }
0xda: {  	[sflag:s24] =	ssyncadd.s32 @!p0 $0xFFFFFF80  }
0xdb: {  	_ =	swait.ge @!p0 [sflag:s24], $0x80  }
0xdc: {  	[sflag:s24] =	ssyncset.done @!p0 $0x0  }
0xdd: {  	[sflag:s24] =	ssyncadd.s32 @!p0 $0xFFFFFF80  }
0xde: {  	_ =	swait.ge @!p0 [sflag:s24], $0x80  }
0xdf: {  	[sflag:s24] =	ssyncset.done @!p0 $0x0  }
0xe0: {  	[sflag:s24] =	ssyncadd.s32 @!p0 $0xFFFFFF80  }
0xe1: {  	_ =	swait.ge @!p0 [sflag:s24], $0x80  }
0xe2: {  	[sflag:s24] =	ssyncset.done @!p0 $0x0  }
0xe3: {  	[sflag:s24] =	ssyncadd.s32 @!p0 $0xFFFFFF80  }
0xe4: {  	_ =	swait.ge @!p0 [sflag:s24], $0x80  }
0xe5: {  	[sflag:s24] =	ssyncset.done @!p0 $0x0  }
0xe6: {  	[sflag:s24] =	ssyncadd.s32 @!p0 $0xFFFFFF80  }
0xe7: {  	_ =	swait.ge @!p0 [sflag:s24], $0x80  }
0xe8: {  	[sflag:s24] =	ssyncset.done @!p0 $0x0  }
0xe9: {  	[sflag:s24] =	ssyncadd.s32 @!p0 $0xFFFFFF80  }
0xea: {  	_ =	swait.ge @!p0 [sflag:s24], $0x80  }
0xeb: {  	[sflag:s24] =	ssyncset.done @!p0 $0x0  }
0xec: {  	[sflag:s24] =	ssyncadd.s32 @!p0 $0xFFFFFF80  }
0xed: {  	_ =	swait.ge @!p0 [sflag:s24], $0x80  }
0xee: {  	[sflag:s24] =	ssyncset.done @!p0 $0x0  }
0xef: {  	[sflag:s24] =	ssyncadd.s32 @!p0 $0xFFFFFF80  }
0xf0: {  	_ =	swait.ge @!p0 [sflag:s24], $0x80  }
0xf1: {  	[sflag:s24] =	ssyncset.done @!p0 $0x0  }
0xf2: {  	[sflag:s24] =	ssyncadd.s32 @!p0 $0xFFFFFF80  }
0xf3: {  	_ =	swait.ge @!p0 [sflag:s24], $0x80  }
0xf4: {  	[sflag:s24] =	ssyncset.done @!p0 $0x0  }
0xf5: {  	[sflag:s24] =	ssyncadd.s32 @!p0 $0xFFFFFF80  }
0xf6: {  	_ =	swait.ge @!p0 [sflag:s24], $0x80  }
0xf7: {  	[sflag:s24] =	ssyncset.done @!p0 $0x0  }
0xf8: {  	[sflag:s24] =	ssyncadd.s32 @!p0 $0xFFFFFF80  }
0xf9: {  	_ =	swait.ge @!p0 [sflag:s24], $0x80  }
0xfa: {  	[sflag:s24] =	ssyncset.done @!p0 $0x0  }
0xfb: {  	[sflag:s24] =	ssyncadd.s32 @!p0 $0xFFFFFF80  }
0xfc: {  	_ =	swait.ge @!p0 [sflag:s24], $0x80  }
0xfd: {  	[sflag:s24] =	ssyncset.done @!p0 $0x0  }
0xfe: {  	[sflag:s24] =	ssyncadd.s32 @!p0 $0xFFFFFF80  }
0xff: {  	_ =	swait.ge @!p0 [sflag:s24], $0x80  }
0x100: {  	[sflag:s24] =	ssyncset.done @!p0 $0x0  }
0x101: {  	[sflag:s24] =	ssyncadd.s32 @!p0 $0xFFFFFF80;
	s24 =	simm.s32 @p3 $0xD  }
.Ltmp3:
0x102: {  	_ =	swait.ge @p3 [sflag:s24], $0x80;
	(pc) =	sbr.rel @p0 .LBB2_5-.Ltmp3, $3  }
0x103: {  	[sflag:s24] =	ssyncset.done @p3 $0x0  }
0x104: {  	[sflag:s24] =	ssyncadd.s32 @p3 $0xFFFFFF80  }
0x105: {  	[bflag:$0x0] =	sbarrier.arrive $0xFFFF;
	_ =	sdelay $0x1  }
0x106: {  	_ =	swait.ge [sflag:s6], $0x4000  }
0x107: {  	[sflag:s6] =	ssyncset.done $0x0  }
0x108: {  	s0 =	sld [smem:$0x7EF];
	[sflag:s6] =	ssyncadd.s32 $0xFFFFC000  }
0x109: {  	[spmem:s26] =	stream.indirect.scatter.add.f32 [tilespmem:s8], [sflag:$0x7], $0x80, s1, s7, $0xb8;
	[tilespmem:$0x1D400] =	vst v63  }
0x10a: {  	_ = 	snop  }
0x10b: {  	[tilespmem:s9], [sflag:$0x6] =	stream.linear.gather [hbm4b:s0+s1], $0x4000, $0x38;
	[tilespmem:$0x1D400] =	vst v63  }
0x10c: {  	_ =	swait.ge [sflag:s10], $0x4000  }
0x10d: {  	[sflag:s10] =	ssyncset.done $0x0  }
0x10e: {  	[sflag:s10] =	ssyncadd.s32 $0xFFFFC000  }
0x10f: {  	[spmem:s26] =	stream.indirect.scatter.add.f32 [tilespmem:s11], [sflag:$0x8], $0x80, s7, s7, $0xb8;
	[tilespmem:$0x1D400] =	vst v63  }
0x110: {  	_ =	swait.ge [sflag:s12], $0x4000  }
0x111: {  	s31 =	sld [smem:$0x7F0]  }
0x112: {  	[sflag:s12] =	ssyncset.done $0x0  }
0x113: {  	[sflag:s12] =	ssyncadd.s32 $0xFFFFC000  }
0x114: {  	[tilespmem:s8], [sflag:$0x1] =	stream.linear.gather [hbm4b:s31+s1], $0x4000, $0x38;
	[tilespmem:$0x1D400] =	vst v63  }
0x115: {  	_ =	swait.ge [sflag:s13], $0x4000  }
0x116: {  	[sflag:s13] =	ssyncset.done $0x0  }
0x117: {  	s24 =	simm.s32 $0x100;
	[sflag:s13] =	ssyncadd.s32 $0xFFFFC000  }
0x118: {  	[spmem:s26] =	stream.indirect.scatter.add.f32 [tilespmem:s14], [sflag:$0x9], $0x80, s24, s7, $0xb8;
	[tilespmem:$0x1D400] =	vst v63  }
0x119: {  	_ =	swait.ge [sflag:s15], $0x4000  }
0x11a: {  	s25 =	sld [smem:$0x7F1]  }
0x11b: {  	[sflag:s15] =	ssyncset.done $0x0  }
0x11c: {  	[sflag:s15] =	ssyncadd.s32 $0xFFFFC000  }
0x11d: {  	[tilespmem:s11], [sflag:$0x2] =	stream.linear.gather [hbm4b:s25+s1], $0x4000, $0x38;
	[tilespmem:$0x1D400] =	vst v63  }
0x11e: {  	_ =	swait.ge [sflag:s16], $0x4000  }
0x11f: {  	[sflag:s16] =	ssyncset.done $0x0  }
0x120: {  	s31 =	simm.s32 $0x180;
	[sflag:s16] =	ssyncadd.s32 $0xFFFFC000  }
0x121: {  	[spmem:s26] =	stream.indirect.scatter.add.f32 [tilespmem:s17], [sflag:$0xA], $0x80, s31, s7, $0xb8;
	[tilespmem:$0x1D400] =	vst v63  }
0x122: {  	_ =	swait.ge [sflag:s18], $0x4000  }
0x123: {  	s24 =	sld [smem:$0x7F2]  }
0x124: {  	[sflag:s18] =	ssyncset.done $0x0  }
0x125: {  	[sflag:s18] =	ssyncadd.s32 $0xFFFFC000  }
0x126: {  	[tilespmem:s14], [sflag:$0x3] =	stream.linear.gather [hbm4b:s24+s1], $0x4000, $0x38;
	[tilespmem:$0x1D400] =	vst v63  }
0x127: {  	_ =	swait.ge [sflag:s19], $0x4000  }
0x128: {  	[sflag:s19] =	ssyncset.done $0x0  }
0x129: {  	s25 =	simm.s32 $0x200;
	[sflag:s19] =	ssyncadd.s32 $0xFFFFC000  }
0x12a: {  	[spmem:s26] =	stream.indirect.scatter.add.f32 [tilespmem:s21], [sflag:$0xB], $0x80, s25, s7, $0xb8;
	[tilespmem:$0x1D400] =	vst v63  }
0x12b: {  	_ =	swait.ge [sflag:s22], $0x4000  }
0x12c: {  	s31 =	sld [smem:$0x7F3]  }
0x12d: {  	[sflag:s22] =	ssyncset.done $0x0  }
0x12e: {  	[sflag:s22] =	ssyncadd.s32 $0xFFFFC000  }
0x12f: {  	[tilespmem:s17], [sflag:$0x4] =	stream.linear.gather [hbm4b:s31+s1], $0x4000, $0x38;
	[tilespmem:$0x1D400] =	vst v63  }
0x130: {  	_ =	swait.ge [sflag:s23], $0x4000  }
0x131: {  	[sflag:s23] =	ssyncset.done $0x0  }
0x132: {  	s24 =	simm.s32 $0x280;
	[sflag:s23] =	ssyncadd.s32 $0xFFFFC000  }
0x133: {  	[spmem:s26] =	stream.indirect.scatter.add.f32 [tilespmem:s9], [sflag:$0xC], $0x80, s24, s7, $0xb8;
	[tilespmem:$0x1D400] =	vst v63  }
0x134: {  	_ =	swait.ge [sflag:s28], $0x4000  }
0x135: {  	s25 =	sld [smem:$0x7F4]  }
0x136: {  	[sflag:s28] =	ssyncset.done $0x0  }
0x137: {  	[sflag:s28] =	ssyncadd.s32 $0xFFFFC000  }
0x138: {  	[tilespmem:s21], [sflag:$0x5] =	stream.linear.gather [hbm4b:s25+s1], $0x4000, $0x38;
	[tilespmem:$0x1D400] =	vst v63  }
0x139: {  	_ =	swait.ge [sflag:s6], $0x4000  }
0x13a: {  	[sflag:s6] =	ssyncset.done $0x0  }
0x13b: {  	s31 =	simm.s32 $0x300;
	[sflag:s6] =	ssyncadd.s32 $0xFFFFC000  }
0x13c: {  	[spmem:s26] =	stream.indirect.scatter.add.f32 [tilespmem:s8], [sflag:$0x7], $0x80, s31, s7, $0xb8;
	[tilespmem:$0x1D400] =	vst v63  }
0x13d: {  	_ =	swait.ge [sflag:s29], $0x4000  }
0x13e: {  	s24 =	sld [smem:$0x7F5]  }
0x13f: {  	[sflag:s29] =	ssyncset.done $0x0  }
0x140: {  	[sflag:s29] =	ssyncadd.s32 $0xFFFFC000  }
0x141: {  	[tilespmem:s9], [sflag:$0x6] =	stream.linear.gather [hbm4b:s24+s1], $0x4000, $0x38;
	[tilespmem:$0x1D400] =	vst v63  }
0x142: {  	_ =	swait.ge [sflag:s10], $0x4000  }
0x143: {  	[sflag:s10] =	ssyncset.done $0x0  }
0x144: {  	s25 =	simm.s32 $0x380;
	[sflag:s10] =	ssyncadd.s32 $0xFFFFC000  }
0x145: {  	[spmem:s26] =	stream.indirect.scatter.add.f32 [tilespmem:s11], [sflag:$0x8], $0x80, s25, s7, $0xb8;
	[tilespmem:$0x1D400] =	vst v63  }
0x146: {  	_ =	swait.ge [sflag:s12], $0x4000  }
0x147: {  	s31 =	sld [smem:$0x7F6]  }
0x148: {  	[sflag:s12] =	ssyncset.done $0x0  }
0x149: {  	[sflag:s12] =	ssyncadd.s32 $0xFFFFC000  }
0x14a: {  	[tilespmem:s8], [sflag:$0x1] =	stream.linear.gather [hbm4b:s31+s1], $0x4000, $0x38;
	[tilespmem:$0x1D400] =	vst v63  }
0x14b: {  	_ =	swait.ge [sflag:s13], $0x4000  }
0x14c: {  	[sflag:s13] =	ssyncset.done $0x0  }
0x14d: {  	s24 =	simm.s32 $0x400;
	[sflag:s13] =	ssyncadd.s32 $0xFFFFC000  }
0x14e: {  	[spmem:s26] =	stream.indirect.scatter.add.f32 [tilespmem:s14], [sflag:$0x9], $0x80, s24, s7, $0xb8;
	[tilespmem:$0x1D400] =	vst v63  }
0x14f: {  	_ =	swait.ge [sflag:s15], $0x4000  }
0x150: {  	s25 =	sld [smem:$0x7F7]  }
0x151: {  	[sflag:s15] =	ssyncset.done $0x0  }
0x152: {  	[sflag:s15] =	ssyncadd.s32 $0xFFFFC000  }
0x153: {  	[tilespmem:s11], [sflag:$0x2] =	stream.linear.gather [hbm4b:s25+s1], $0x4000, $0x38;
	[tilespmem:$0x1D400] =	vst v63  }
0x154: {  	_ =	swait.ge [sflag:s16], $0x4000  }
0x155: {  	[sflag:s16] =	ssyncset.done $0x0  }
0x156: {  	s31 =	simm.s32 $0x480;
	[sflag:s16] =	ssyncadd.s32 $0xFFFFC000  }
0x157: {  	[spmem:s26] =	stream.indirect.scatter.add.f32 [tilespmem:s17], [sflag:$0xA], $0x80, s31, s7, $0xb8;
	[tilespmem:$0x1D400] =	vst v63  }
0x158: {  	_ =	swait.ge [sflag:s18], $0x4000  }
0x159: {  	s24 =	sld [smem:$0x7F8]  }
0x15a: {  	[sflag:s18] =	ssyncset.done $0x0  }
0x15b: {  	[sflag:s18] =	ssyncadd.s32 $0xFFFFC000  }
0x15c: {  	[tilespmem:s14], [sflag:$0x3] =	stream.linear.gather [hbm4b:s24+s1], $0x4000, $0x38;
	[tilespmem:$0x1D400] =	vst v63  }
0x15d: {  	_ =	swait.ge [sflag:s19], $0x4000  }
0x15e: {  	[sflag:s19] =	ssyncset.done $0x0  }
0x15f: {  	s25 =	simm.s32 $0x500;
	[sflag:s19] =	ssyncadd.s32 $0xFFFFC000  }
0x160: {  	[spmem:s26] =	stream.indirect.scatter.add.f32 [tilespmem:s21], [sflag:$0xB], $0x80, s25, s7, $0xb8;
	[tilespmem:$0x1D400] =	vst v63  }
0x161: {  	_ =	swait.ge [sflag:s22], $0x4000  }
0x162: {  	s31 =	sld [smem:$0x7F9]  }
0x163: {  	[sflag:s22] =	ssyncset.done $0x0  }
0x164: {  	[sflag:s22] =	ssyncadd.s32 $0xFFFFC000  }
0x165: {  	[tilespmem:s17], [sflag:$0x4] =	stream.linear.gather [hbm4b:s31+s1], $0x4000, $0x38;
	[tilespmem:$0x1D400] =	vst v63  }
0x166: {  	_ =	swait.ge [sflag:s23], $0x4000  }
0x167: {  	[sflag:s23] =	ssyncset.done $0x0  }
0x168: {  	s24 =	simm.s32 $0x580;
	[sflag:s23] =	ssyncadd.s32 $0xFFFFC000  }
0x169: {  	[spmem:s26] =	stream.indirect.scatter.add.f32 [tilespmem:s9], [sflag:$0xC], $0x80, s24, s7, $0xb8;
	[tilespmem:$0x1D400] =	vst v63  }
0x16a: {  	_ =	swait.ge [sflag:s28], $0x4000  }
0x16b: {  	s25 =	sld [smem:$0x7FD]  }
0x16c: {  	[sflag:s28] =	ssyncset.done $0x0  }
0x16d: {  	[sflag:s28] =	ssyncadd.s32 $0xFFFFC000  }
0x16e: {  	[tilespmem:s21], [sflag:$0x5] =	stream.linear.gather [hbm4b:s25+s1], $0x4000, $0x38;
	[tilespmem:$0x1D400] =	vst v63  }
0x16f: {  	_ =	swait.ge [sflag:s6], $0x4000  }
0x170: {  	[sflag:s6] =	ssyncset.done $0x0  }
0x171: {  	s31 =	simm.s32 $0x600;
	[sflag:s6] =	ssyncadd.s32 $0xFFFFC000  }
0x172: {  	[spmem:s26] =	stream.indirect.scatter.add.f32 [tilespmem:s8], [sflag:$0x7], $0x80, s31, s7, $0xb8;
	[tilespmem:$0x1D400] =	vst v63  }
0x173: {  	_ =	swait.ge [sflag:s29], $0x4000  }
0x174: {  	s24 =	sld [smem:$0x7FA]  }
0x175: {  	[sflag:s29] =	ssyncset.done $0x0  }
0x176: {  	[sflag:s29] =	ssyncadd.s32 $0xFFFFC000  }
0x177: {  	[tilespmem:s9], [sflag:$0x6] =	stream.linear.gather [hbm4b:s24+s1], $0x4000, $0x38;
	[tilespmem:$0x1D400] =	vst v63  }
0x178: {  	_ =	swait.ge [sflag:s10], $0x4000  }
0x179: {  	[sflag:s10] =	ssyncset.done $0x0  }
0x17a: {  	s25 =	simm.s32 $0x680;
	[sflag:s10] =	ssyncadd.s32 $0xFFFFC000  }
0x17b: {  	[spmem:s26] =	stream.indirect.scatter.add.f32 [tilespmem:s11], [sflag:$0x8], $0x80, s25, s7, $0xb8;
	[tilespmem:$0x1D400] =	vst v63  }
0x17c: {  	_ =	swait.ge [sflag:s12], $0x4000  }
0x17d: {  	s31 =	sld [smem:$0x7FB]  }
0x17e: {  	[sflag:s12] =	ssyncset.done $0x0  }
0x17f: {  	[sflag:s12] =	ssyncadd.s32 $0xFFFFC000  }
0x180: {  	[tilespmem:s8], [sflag:$0x1] =	stream.linear.gather [hbm4b:s31+s1], $0x4000, $0x38;
	[tilespmem:$0x1D400] =	vst v63  }
0x181: {  	_ =	swait.ge [sflag:s13], $0x4000  }
0x182: {  	[sflag:s13] =	ssyncset.done $0x0  }
0x183: {  	s24 =	simm.s32 $0x700;
	[sflag:s13] =	ssyncadd.s32 $0xFFFFC000  }
0x184: {  	[spmem:s26] =	stream.indirect.scatter.add.f32 [tilespmem:s14], [sflag:$0x9], $0x80, s24, s7, $0xb8;
	[tilespmem:$0x1D400] =	vst v63  }
0x185: {  	_ =	swait.ge [sflag:s15], $0x4000  }
0x186: {  	s25 =	sld [smem:$0x7FC]  }
0x187: {  	[sflag:s15] =	ssyncset.done $0x0  }
0x188: {  	[sflag:s15] =	ssyncadd.s32 $0xFFFFC000  }
0x189: {  	[tilespmem:s11], [sflag:$0x2] =	stream.linear.gather [hbm4b:s25+s1], $0x4000, $0x38;
	[tilespmem:$0x1D400] =	vst v63  }
0x18a: {  	_ =	swait.ge [sflag:s16], $0x4000  }
0x18b: {  	[sflag:s16] =	ssyncset.done $0x0  }
.Ltmp4:
0x18c: {  	s31 =	simm.s32 $0x780;
	[sflag:s16] =	ssyncadd.s32 $0xFFFFC000;
	(pc) =	sbr.rel .LBB2_5-.Ltmp4, $4  }
0x18d: {  	[spmem:s26] =	stream.indirect.scatter.add.f32 [tilespmem:s17], [sflag:$0xA], $0x80, s31, s7, $0xb8;
	[tilespmem:$0x1D400] =	vst v63  }
0x18e: {  	_ =	swait.ge [sflag:s18], $0x4000  }
0x18f: {  	[sflag:s18] =	ssyncset.done $0x0  }
0x190: {  	[sflag:s18] =	ssyncadd.s32 $0xFFFFC000  }
.LBB2_6:
0x191: {  	_ =	sfence.sel $0x180000  }
0x192: {  	[bflag:$0x0] =	sbarrier.arrive $0xFFFF  }
0x193: {  	_ =	strace $0x90000047  }
0x194: {  	s0 =	stileid.u32;
	[bflag:$0x2] =	sbarrier.arrive $0xFFFF  }
0x195: {  	p0 =	sne.s32 s0, $0x0;
	s0 =	rddreg [dreg:$0x4]  }
0x196: {  	s0 =	sadd.s32 @!p0 $0x100000, s0  }
0x197: {  	[sflag:s0] =	ssyncadd.tile.s32 @!p0 $0x1;
	_ =	shalt  }
.Lfunc_end2:
_tile_overlayer_lowered:
.L_overlay_start_2:
0x198: {  	(tag) =	ssettag $0x2  }
0x199: {  	s0 =	rddreg [dreg:$0x0];
	s2 =	stileid.u32  }
0x19a: {  	s1 =	rddreg [dreg:$0x1];
	p0 =	sne.s32 s2, $0x0  }
0x19b: {  	s3 =	rddreg [dreg:$0x2];
	[bflag:$0x3] =	sbarrier.arrive $0xFFFF;
	s2 =	simm.s32 @!p0 $0x1C0E  }
0x19c: {  	[timem:s3], [sflag:s2] =	dma.local @!p0 [hbm:s0], s1  }
0x19d: {  	s0 =	simm.s32 @!p0 $0xE  }
0x19e: {  	_ =	swait.ge @!p0 [sflag:s0], s1  }
0x19f: {  	s1 =	ssub.s32 @!p0 $0x0, s1;
	[sflag:s0] =	ssyncset.done @!p0 $0x0  }
0x1a0: {  	[sflag:s0] =	ssyncadd.s32 @!p0 s1  }
0x1a1: {  	[bflag:$0x3] =	sbarrier.arrive $0xFFFF  }
0x1a2: {  	_ =	shalt  }

</sc_bundles>
